<compile_context>
chip_gen: v7x
topology: tpu7x:2x2x1
jax: 0.10.2.dev20260603
libtpu: 0.0.44.dev20260713+nightly
codegen_flags: <defaults>
</compile_context>

<pallas_src>
import functools

import jax
import jax.numpy as jnp
from jax import lax
from jax.experimental import pallas as pl
from jax.experimental.pallas import tpu as pltpu
from jax.experimental.pallas import tpu_sc as plsc

_N = 10000
_E = 320000
_D = 128
_B = 16

_NC = 2
_NS = 16
_NW = _NC * _NS

_K = 80
_NCH = _E // (_NW * _K)
_NSLOT = 2
_ZR = 80
_NZ = _N // _ZR
_ZPT = -(-_NZ // _NS)

@functools.cache
def _make_sc_scatter():
    mesh = plsc.VectorSubcoreMesh(core_axis_name="c", subcore_axis_name="s")
    return functools.partial(
        pl.kernel,
        mesh=mesh,
        out_type=jax.ShapeDtypeStruct((_NC * _N, _D), jnp.float32),
        scratch_types=(
            [pltpu.VMEM((_K, _D), jnp.float32)] * _NSLOT
            + [
                pltpu.VMEM((_NCH * _K,), jnp.int32),
                pltpu.VMEM((_NCH, _K), jnp.int32),
                pltpu.VMEM_SHARED((_N, _D), jnp.float32),
                pltpu.SemaphoreType.DMA((_NSLOT,)),
            ]
        ),
    )(_sc_scatter_body)


def _sc_scatter_body(x_hbm, src_hbm, dst_hbm, out_hbm,
                     rows0, rows1, src_v, dst_v, agg_sh, sem_g):
    c = lax.axis_index("c")
    s = lax.axis_index("s")
    w = s * _NC + c
    rows = (rows0, rows1)
    ept = _NCH * _K

    def gather(j, q):
        return pltpu.make_async_copy(
            x_hbm.at[src_v.at[pl.ds(j * _K, _K)]], rows[q], sem_g.at[q])

    pltpu.sync_copy(src_hbm.at[pl.ds(w * ept, ept)], src_v)
    pltpu.sync_copy(dst_hbm.at[w], dst_v)

    def _zrow(r, carry):
        for cc in range(_D // 16):
            rows0[r, pl.ds(cc * 16, 16)] = jnp.zeros((16,), jnp.float32)
        return carry

    lax.fori_loop(0, _K, _zrow, 0)

    def _zchunk(i, carry):
        z = s + i * _NS

        @pl.when(z < _NZ)
        def _():
            pltpu.sync_copy(rows0, agg_sh.at[pl.ds(z * _ZR, _ZR)])

        return carry

    lax.fori_loop(0, _ZPT, _zchunk, 0)

    gather(0, 0).start()
    gather(1, 1).start()
    plsc.subcore_barrier()

    def _edge2(t, carry):
        for b in range(_NSLOT):
            j = _NSLOT * t + b

            @pl.when(j < _NCH)
            def _(j=j, b=b):
                gather(j, b).wait()
                pltpu.sync_copy(rows[b], agg_sh.at[dst_v.at[j]], add=True)

                @pl.when(j + _NSLOT < _NCH)
                def _():
                    gather(j + _NSLOT, b).start()

        return carry

    lax.fori_loop(0, (_NCH + 1) // _NSLOT, _edge2, 0)
    plsc.subcore_barrier()

    for i in range(_ZPT):
        z = s + i * _NS
        b = i % _NSLOT

        @pl.when(z < _NZ)
        def _(i=i, z=z, b=b):
            if i >= _NSLOT:
                pltpu.make_async_copy(
                    rows[b],
                    out_hbm.at[pl.ds(c * _N + (z - _NSLOT * _NS) * _ZR, _ZR)],
                    sem_g.at[b]).wait()
            pltpu.sync_copy(agg_sh.at[pl.ds(z * _ZR, _ZR)], rows[b])
            pltpu.async_copy(rows[b],
                             out_hbm.at[pl.ds(c * _N + z * _ZR, _ZR)],
                             sem_g.at[b])

    for i in range(max(_ZPT - _NSLOT, 0), _ZPT):
        z = s + i * _NS
        b = i % _NSLOT

        @pl.when(z < _NZ)
        def _(z=z, b=b):
            pltpu.make_async_copy(
                rows[b],
                out_hbm.at[pl.ds(c * _N + z * _ZR, _ZR)],
                sem_g.at[b]).wait()


_RB = 2000
_NBLK = _N // _RB


def _ln(h, g, b):
    m = jnp.mean(h, axis=-1, keepdims=True)
    v = jnp.mean((h - m) ** 2, axis=-1, keepdims=True)
    return (h - m) / jnp.sqrt(v + 1e-5) * g + b


def _mlp_block(x_ref, a0_ref, a1_ref, W1_ref, b1_ref, g1_ref, be1_ref,
               W2_ref, b2_ref, g2_ref, be2_ref):
    h = x_ref[...] + a0_ref[...] + a1_ref[...]
    h = jnp.dot(h, W1_ref[...], preferred_element_type=jnp.float32) + b1_ref[...]
    h = _ln(h, g1_ref[...], be1_ref[...])
    h = jnp.dot(h, W2_ref[...], preferred_element_type=jnp.float32) + b2_ref[...]
    h = _ln(h, g2_ref[...], be2_ref[...])
    return jnp.maximum(h, 0.0)


def _mlp_kernel(x_ref, a0_ref, a1_ref, W1_ref, b1_ref, g1_ref, be1_ref,
                W2_ref, b2_ref, g2_ref, be2_ref, o_ref):
    o_ref[...] = _mlp_block(x_ref, a0_ref, a1_ref, W1_ref, b1_ref, g1_ref,
                            be1_ref, W2_ref, b2_ref, g2_ref, be2_ref)


def _mlp_pool_kernel(x_ref, a0_ref, a1_ref, W1_ref, b1_ref, g1_ref, be1_ref,
                     W2_ref, b2_ref, g2_ref, be2_ref, batch_ref, Wl_ref,
                     bl_ref, o_ref, acc_s, acc_c):
    i = pl.program_id(0)
    h = _mlp_block(x_ref, a0_ref, a1_ref, W1_ref, b1_ref, g1_ref, be1_ref,
                   W2_ref, b2_ref, g2_ref, be2_ref)

    bvals = batch_ref[0]
    gid = lax.broadcasted_iota(jnp.int32, (_B, _RB), 0)
    oh = (gid == bvals).astype(jnp.float32)
    part_s = jnp.dot(oh, h, preferred_element_type=jnp.float32)
    part_c = jnp.sum(oh, axis=-1, keepdims=True)

    @pl.when(i == 0)
    def _():
        acc_s[...] = jnp.zeros_like(acc_s)
        acc_c[...] = jnp.zeros_like(acc_c)

    acc_s[...] += part_s
    acc_c[...] = acc_c[...] + part_c

    @pl.when(i == _NBLK - 1)
    def _():
        pooled = acc_s[...] / jnp.maximum(acc_c[...], 1.0)
        o_ref[...] = (jnp.dot(pooled, Wl_ref[...],
                              preferred_element_type=jnp.float32) + bl_ref[...])


def _row_spec(off_blocks=0):
    return pl.BlockSpec((_RB, _D), lambda i, o=off_blocks: (i + o, 0))


def _full_spec(shape):
    return pl.BlockSpec(shape, lambda i: tuple(0 for _ in shape))


_W_SPECS = [
    _full_spec((_D, _D)), _full_spec((1, _D)), _full_spec((1, _D)),
    _full_spec((1, _D)),
    _full_spec((_D, _D)), _full_spec((1, _D)), _full_spec((1, _D)),
    _full_spec((1, _D)),
]

_mlp_call = pl.pallas_call(
    _mlp_kernel,
    grid=(_NBLK,),
    in_specs=[_row_spec(), _row_spec(), _row_spec(_NBLK)] + _W_SPECS,
    out_specs=_row_spec(),
    out_shape=jax.ShapeDtypeStruct((_N, _D), jnp.float32),
    compiler_params=pltpu.CompilerParams(
        dimension_semantics=("arbitrary",)),
)

_mlp_pool_call = pl.pallas_call(
    _mlp_pool_kernel,
    grid=(_NBLK,),
    in_specs=[_row_spec(), _row_spec(), _row_spec(_NBLK)] + _W_SPECS + [
        pl.BlockSpec((1, 1, _RB), lambda i: (i, 0, 0)),
        _full_spec((_D, _D)),
        _full_spec((1, _D)),
    ],
    out_specs=_full_spec((_B, _D)),
    out_shape=jax.ShapeDtypeStruct((_B, _D), jnp.float32),
    scratch_shapes=[
        pltpu.VMEM((_B, _D), jnp.float32),
        pltpu.VMEM((_B, 1), jnp.float32),
    ],
    compiler_params=pltpu.CompilerParams(
        dimension_semantics=("arbitrary",)),
)


def kernel(x, edge_index, batch, W1a, b1a, g1a, be1a, W2a, b2a, g2a, be2a,
           W1b, b1b, g1b, be1b, W2b, b2b, g2b, be2b, Wl, bl):
    src = edge_index[0]
    dst = edge_index[1].reshape(_NW, _NCH, _K)
    batch3 = batch.reshape(_NBLK, 1, _RB)

    r = lambda v: v.reshape(1, _D)

    sc_scatter = _make_sc_scatter()
    agg1 = sc_scatter(x, src, dst)
    h1 = _mlp_call(x, agg1, agg1, W1a, r(b1a), r(g1a), r(be1a),
                   W2a, r(b2a), r(g2a), r(be2a))
    agg2 = sc_scatter(h1, src, dst)
    out = _mlp_pool_call(h1, agg2, agg2, W1b, r(b1b), r(g1b), r(be1b),
                         W2b, r(b2b), r(g2b), r(be2b), batch3, Wl, r(bl))
    return out

# --- scband reference (transcript-rebuilt; emitter-appended) ---
"""Pipeline reference for scband-gin-66194035966457 (READ-ONLY COPY).

The authoritative reference and input builder live on the scoring server;
editing this copy changes nothing except your own understanding.
"""

import jax, jax.numpy as jnp
import numpy as np

N = 10000
E = 320000
D = 128
H = 128
B = 16


def _ln(h, g, b):
    m = jnp.mean(h, axis=-1, keepdims=True)
    v = jnp.mean((h - m) ** 2, axis=-1, keepdims=True)
    return (h - m) / jnp.sqrt(v + 1e-5) * g + b


def _gin_conv(x, src, dst, W1, b1, g1, be1, W2, b2, g2, be2):
    # PyG GINConv with eps=0: mlp((1+eps)*x + sum_{j in N(i)} x_j)
    agg = jax.ops.segment_sum(x[src], dst, num_segments=x.shape[0])
    h = x + agg
    h = h @ W1 + b1
    h = _ln(h, g1, be1)
    h = h @ W2 + b2
    h = _ln(h, g2, be2)
    return h


def _lin_init(k, fan_in, fan_out):
    bound = 1.0 / np.sqrt(fan_in)
    kw, kb = jax.random.split(k)
    W = jax.random.uniform(kw, (fan_in, fan_out), minval=-bound, maxval=bound, dtype=jnp.float32)
    b = jax.random.uniform(kb, (fan_out,), minval=-bound, maxval=bound, dtype=jnp.float32)
    return W, b


def setup_inputs(seed: int = 0) -> dict:
    key = jax.random.key(seed)
    ks = jax.random.split(key, 10)
    inp = {}
    inp["x"] = jax.random.normal(ks[0], (N, D), dtype=jnp.float32)
    inp["edge_index"] = jax.random.randint(ks[1], (2, E), 0, N, dtype=jnp.int32)
    inp["batch"] = jnp.sort(jax.random.randint(ks[2], (N,), 0, B, dtype=jnp.int32))
    inp["W1a"], inp["b1a"] = _lin_init(ks[3], D, H)
    inp["g1a"] = jnp.ones((H,), jnp.float32)
    inp["be1a"] = jnp.zeros((H,), jnp.float32)
    inp["W2a"], inp["b2a"] = _lin_init(ks[4], H, H)
    inp["g2a"] = jnp.ones((H,), jnp.float32)
    inp["be2a"] = jnp.zeros((H,), jnp.float32)
    inp["W1b"], inp["b1b"] = _lin_init(ks[5], H, H)
    inp["g1b"] = jnp.ones((H,), jnp.float32)
    inp["be1b"] = jnp.zeros((H,), jnp.float32)
    inp["W2b"], inp["b2b"] = _lin_init(ks[6], H, H)
    inp["g2b"] = jnp.ones((H,), jnp.float32)
    inp["be2b"] = jnp.zeros((H,), jnp.float32)
    inp["Wl"], inp["bl"] = _lin_init(ks[7], H, H)
    return inp


def reference(x, edge_index, batch, W1a, b1a, g1a, be1a, W2a, b2a, g2a, be2a, W1b, b1b, g1b, be1b, W2b, b2b, g2b, be2b, Wl, bl):
    src, dst = edge_index[0], edge_index[1]
    h = jax.nn.relu(_gin_conv(x, src, dst, W1a, b1a, g1a, be1a, W2a, b2a, g2a, be2a))
    h = jax.nn.relu(_gin_conv(h, src, dst, W1b, b1b, g1b, be1b, W2b, b2b, g2b, be2b))
    summed = jax.ops.segment_sum(h, batch, num_segments=B)
    counts = jax.ops.segment_sum(jnp.ones((h.shape[0], 1), jnp.float32), batch, num_segments=B)
    pooled = summed / jnp.maximum(counts, 1.0)
    return pooled @ Wl + bl

if __name__ == "__main__":
    import jax
    _d = setup_inputs()
    print(jax.jit(kernel)(*tuple(_d.values())))

</pallas_src>

<mosaic_0001>
#map = affine_map<(d0, d1) -> (0, 0)>
#map1 = affine_map<(d0, d1) -> (0)>
#map2 = affine_map<(d0, d1) -> (0, 0, 0)>
module attributes {stable_mosaic.version = 14 : i64} {
  func.func @_sc_scatter_body(%arg0: i32, %arg1: i32, %arg2: memref<10000x128xf32, #tpu.memory_space<hbm>>, %arg3: memref<320000xi32, #tpu.memory_space<hbm>>, %arg4: memref<32x125x80xi32, #tpu.memory_space<hbm>>, %arg5: memref<20000x128xf32, #tpu.memory_space<hbm>>, %arg6: memref<80x128xf32, #tpu.memory_space<vmem>>, %arg7: memref<80x128xf32, #tpu.memory_space<vmem>>, %arg8: memref<10000xi32, #tpu.memory_space<vmem>>, %arg9: memref<125x80xi32, #tpu.memory_space<vmem>>, %arg10: memref<10000x128xf32, #tpu.memory_space<vmem_shared>>, %arg11: memref<2x!tpu.dma_semaphore, #tpu.memory_space<semaphore_mem>>) attributes {dimension_semantics = [#tpu.dimension_semantics<core_parallel>, #tpu.dimension_semantics<subcore_parallel>], iteration_bounds = array<i64: 2, 16>, scalar_prefetch = 0 : i64, scratch_operands = 6 : i64, tpu.core_type = #tpu.core_type<sc_vector_subcore>, window_params = [{transform_indices = #map}, {transform_indices = #map1}, {transform_indices = #map2}, {transform_indices = #map}]} {
    %mul3A = arith.constant 2 : i32
    %mul3A_0 = arith.muli %arg1, %mul3A : i32
    %add3A = arith.addi %mul3A_0, %arg0 : i32
    %mul3A_1 = arith.constant 10000 : i32
    %mul3A_2 = arith.muli %add3A, %mul3A_1 : i32
    "tpu.region"() ({
      %run_scoped3A = tpu.sem_alloc : memref<!tpu.dma_semaphore, #tpu.memory_space<semaphore_mem>>
      %dma_start3A_103 = tpu.memref_slice %arg3[%mul3A_2] : memref<320000xi32, #tpu.memory_space<hbm>> -> memref<10000xi32, #tpu.memory_space<hbm>>
      %dma_start3A_104 = tpu.memref_slice %arg3[%mul3A_2] : memref<320000xi32, #tpu.memory_space<hbm>> -> memref<10000xi32, #tpu.memory_space<hbm>>
      tpu.enqueue_dma source(%dma_start3A_104 : memref<10000xi32, #tpu.memory_space<hbm>>) target(%arg8 : memref<10000xi32, #tpu.memory_space<vmem>>) target_semaphore(%run_scoped3A : memref<!tpu.dma_semaphore, #tpu.memory_space<semaphore_mem>>)
      %dma_wait3A = tpu.memref_slice %arg3[%mul3A_2] : memref<320000xi32, #tpu.memory_space<hbm>> -> memref<10000xi32, #tpu.memory_space<hbm>>
      %dma_wait3A_105 = tpu.memref_slice %arg3[%mul3A_2] : memref<320000xi32, #tpu.memory_space<hbm>> -> memref<10000xi32, #tpu.memory_space<hbm>>
      tpu.wait_dma2 semaphore(%run_scoped3A : memref<!tpu.dma_semaphore, #tpu.memory_space<semaphore_mem>>) src(%dma_wait3A_105 : memref<10000xi32, #tpu.memory_space<hbm>>) dst(%arg8 : memref<10000xi32, #tpu.memory_space<vmem>>)
      tpu.yield
    }) : () -> ()
    "tpu.region"() ({
      %run_scoped3A = tpu.sem_alloc : memref<!tpu.dma_semaphore, #tpu.memory_space<semaphore_mem>>
      %dma_start3A_103 = arith.constant 0 : i32
      %dma_start3A_104 = arith.constant 0 : i32
      %dma_start3A_105 = tpu.memref_slice %arg4[%add3A, %dma_start3A_103, %dma_start3A_104] : memref<32x125x80xi32, #tpu.memory_space<hbm>> -> memref<1x125x80xi32, #tpu.memory_space<hbm>>
      %dma_start3A_106 = tpu.memref_squeeze %dma_start3A_105 : memref<1x125x80xi32, #tpu.memory_space<hbm>> -> memref<125x80xi32, #tpu.memory_space<hbm>>
      %dma_start3A_107 = arith.constant 0 : i32
      %dma_start3A_108 = arith.constant 0 : i32
      %dma_start3A_109 = tpu.memref_slice %arg4[%add3A, %dma_start3A_107, %dma_start3A_108] : memref<32x125x80xi32, #tpu.memory_space<hbm>> -> memref<1x125x80xi32, #tpu.memory_space<hbm>>
      %dma_start3A_110 = tpu.memref_squeeze %dma_start3A_109 : memref<1x125x80xi32, #tpu.memory_space<hbm>> -> memref<125x80xi32, #tpu.memory_space<hbm>>
      tpu.enqueue_dma source(%dma_start3A_110 : memref<125x80xi32, #tpu.memory_space<hbm>>) target(%arg9 : memref<125x80xi32, #tpu.memory_space<vmem>>) target_semaphore(%run_scoped3A : memref<!tpu.dma_semaphore, #tpu.memory_space<semaphore_mem>>)
      %dma_wait3A = arith.constant 0 : i32
      %dma_wait3A_111 = arith.constant 0 : i32
      %dma_wait3A_112 = tpu.memref_slice %arg4[%add3A, %dma_wait3A, %dma_wait3A_111] : memref<32x125x80xi32, #tpu.memory_space<hbm>> -> memref<1x125x80xi32, #tpu.memory_space<hbm>>
      %dma_wait3A_113 = tpu.memref_squeeze %dma_wait3A_112 : memref<1x125x80xi32, #tpu.memory_space<hbm>> -> memref<125x80xi32, #tpu.memory_space<hbm>>
      %dma_wait3A_114 = arith.constant 0 : i32
      %dma_wait3A_115 = arith.constant 0 : i32
      %dma_wait3A_116 = tpu.memref_slice %arg4[%add3A, %dma_wait3A_114, %dma_wait3A_115] : memref<32x125x80xi32, #tpu.memory_space<hbm>> -> memref<1x125x80xi32, #tpu.memory_space<hbm>>
      %dma_wait3A_117 = tpu.memref_squeeze %dma_wait3A_116 : memref<1x125x80xi32, #tpu.memory_space<hbm>> -> memref<125x80xi32, #tpu.memory_space<hbm>>
      tpu.wait_dma2 semaphore(%run_scoped3A : memref<!tpu.dma_semaphore, #tpu.memory_space<semaphore_mem>>) src(%dma_wait3A_117 : memref<125x80xi32, #tpu.memory_space<hbm>>) dst(%arg9 : memref<125x80xi32, #tpu.memory_space<vmem>>)
      tpu.yield
    }) : () -> ()
    %scan3A = arith.constant 0 : i32
    %scan3A_3 = arith.constant 0 : i32
    %scan3A_4 = arith.constant 80 : i32
    %scan3A_5 = arith.addi %scan3A_3, %scan3A_4 : i32
    %scan3A_6 = arith.constant 1 : i32
    scf.for %scan3A_103 = %scan3A_3 to %scan3A_5 step %scan3A_6  : i32 {
      %broadcast_in_dim3A = arith.constant 0.000000e+00 : f32
      %broadcast_in_dim3A_104 = vector.broadcast %broadcast_in_dim3A : f32 to vector<16xf32>
      %swap3A = arith.index_cast %scan3A_103 : i32 to index
      %swap3A_105 = arith.constant 0 : index
      %swap3A_106 = tpu.vector_load %arg6[%swap3A, %swap3A_105] {strides = array<i32>} : memref<80x128xf32, #tpu.memory_space<vmem>>, vector<1x16xf32>,
      %swap3A_107 = vector.shape_cast %swap3A_106 : vector<1x16xf32> to vector<16xf32>
      %swap3A_108 = vector.shape_cast %broadcast_in_dim3A_104 : vector<16xf32> to vector<1x16xf32>
      tpu.vector_store %arg6[%swap3A, %swap3A_105], %swap3A_108 {strides = array<i32>} : memref<80x128xf32, #tpu.memory_space<vmem>>, vector<1x16xf32>,
      %broadcast_in_dim3A_109 = arith.constant 0.000000e+00 : f32
      %broadcast_in_dim3A_110 = vector.broadcast %broadcast_in_dim3A_109 : f32 to vector<16xf32>
      %swap3A_111 = arith.index_cast %scan3A_103 : i32 to index
      %swap3A_112 = arith.constant 16 : index
      %swap3A_113 = tpu.vector_load %arg6[%swap3A_111, %swap3A_112] {strides = array<i32>} : memref<80x128xf32, #tpu.memory_space<vmem>>, vector<1x16xf32>,
      %swap3A_114 = vector.shape_cast %swap3A_113 : vector<1x16xf32> to vector<16xf32>
      %swap3A_115 = vector.shape_cast %broadcast_in_dim3A_110 : vector<16xf32> to vector<1x16xf32>
      tpu.vector_store %arg6[%swap3A_111, %swap3A_112], %swap3A_115 {strides = array<i32>} : memref<80x128xf32, #tpu.memory_space<vmem>>, vector<1x16xf32>,
      %broadcast_in_dim3A_116 = arith.constant 0.000000e+00 : f32
      %broadcast_in_dim3A_117 = vector.broadcast %broadcast_in_dim3A_116 : f32 to vector<16xf32>
      %swap3A_118 = arith.index_cast %scan3A_103 : i32 to index
      %swap3A_119 = arith.constant 32 : index
      %swap3A_120 = tpu.vector_load %arg6[%swap3A_118, %swap3A_119] {strides = array<i32>} : memref<80x128xf32, #tpu.memory_space<vmem>>, vector<1x16xf32>,
      %swap3A_121 = vector.shape_cast %swap3A_120 : vector<1x16xf32> to vector<16xf32>
      %swap3A_122 = vector.shape_cast %broadcast_in_dim3A_117 : vector<16xf32> to vector<1x16xf32>
      tpu.vector_store %arg6[%swap3A_118, %swap3A_119], %swap3A_122 {strides = array<i32>} : memref<80x128xf32, #tpu.memory_space<vmem>>, vector<1x16xf32>,
      %broadcast_in_dim3A_123 = arith.constant 0.000000e+00 : f32
      %broadcast_in_dim3A_124 = vector.broadcast %broadcast_in_dim3A_123 : f32 to vector<16xf32>
      %swap3A_125 = arith.index_cast %scan3A_103 : i32 to index
      %swap3A_126 = arith.constant 48 : index
      %swap3A_127 = tpu.vector_load %arg6[%swap3A_125, %swap3A_126] {strides = array<i32>} : memref<80x128xf32, #tpu.memory_space<vmem>>, vector<1x16xf32>,
      %swap3A_128 = vector.shape_cast %swap3A_127 : vector<1x16xf32> to vector<16xf32>
      %swap3A_129 = vector.shape_cast %broadcast_in_dim3A_124 : vector<16xf32> to vector<1x16xf32>
      tpu.vector_store %arg6[%swap3A_125, %swap3A_126], %swap3A_129 {strides = array<i32>} : memref<80x128xf32, #tpu.memory_space<vmem>>, vector<1x16xf32>,
      %broadcast_in_dim3A_130 = arith.constant 0.000000e+00 : f32
      %broadcast_in_dim3A_131 = vector.broadcast %broadcast_in_dim3A_130 : f32 to vector<16xf32>
      %swap3A_132 = arith.index_cast %scan3A_103 : i32 to index
      %swap3A_133 = arith.constant 64 : index
      %swap3A_134 = tpu.vector_load %arg6[%swap3A_132, %swap3A_133] {strides = array<i32>} : memref<80x128xf32, #tpu.memory_space<vmem>>, vector<1x16xf32>,
      %swap3A_135 = vector.shape_cast %swap3A_134 : vector<1x16xf32> to vector<16xf32>
      %swap3A_136 = vector.shape_cast %broadcast_in_dim3A_131 : vector<16xf32> to vector<1x16xf32>
      tpu.vector_store %arg6[%swap3A_132, %swap3A_133], %swap3A_136 {strides = array<i32>} : memref<80x128xf32, #tpu.memory_space<vmem>>, vector<1x16xf32>,
      %broadcast_in_dim3A_137 = arith.constant 0.000000e+00 : f32
      %broadcast_in_dim3A_138 = vector.broadcast %broadcast_in_dim3A_137 : f32 to vector<16xf32>
      %swap3A_139 = arith.index_cast %scan3A_103 : i32 to index
      %swap3A_140 = arith.constant 80 : index
      %swap3A_141 = tpu.vector_load %arg6[%swap3A_139, %swap3A_140] {strides = array<i32>} : memref<80x128xf32, #tpu.memory_space<vmem>>, vector<1x16xf32>,
      %swap3A_142 = vector.shape_cast %swap3A_141 : vector<1x16xf32> to vector<16xf32>
      %swap3A_143 = vector.shape_cast %broadcast_in_dim3A_138 : vector<16xf32> to vector<1x16xf32>
      tpu.vector_store %arg6[%swap3A_139, %swap3A_140], %swap3A_143 {strides = array<i32>} : memref<80x128xf32, #tpu.memory_space<vmem>>, vector<1x16xf32>,
      %broadcast_in_dim3A_144 = arith.constant 0.000000e+00 : f32
      %broadcast_in_dim3A_145 = vector.broadcast %broadcast_in_dim3A_144 : f32 to vector<16xf32>
      %swap3A_146 = arith.index_cast %scan3A_103 : i32 to index
      %swap3A_147 = arith.constant 96 : index
      %swap3A_148 = tpu.vector_load %arg6[%swap3A_146, %swap3A_147] {strides = array<i32>} : memref<80x128xf32, #tpu.memory_space<vmem>>, vector<1x16xf32>,
      %swap3A_149 = vector.shape_cast %swap3A_148 : vector<1x16xf32> to vector<16xf32>
      %swap3A_150 = vector.shape_cast %broadcast_in_dim3A_145 : vector<16xf32> to vector<1x16xf32>
      tpu.vector_store %arg6[%swap3A_146, %swap3A_147], %swap3A_150 {strides = array<i32>} : memref<80x128xf32, #tpu.memory_space<vmem>>, vector<1x16xf32>,
      %broadcast_in_dim3A_151 = arith.constant 0.000000e+00 : f32
      %broadcast_in_dim3A_152 = vector.broadcast %broadcast_in_dim3A_151 : f32 to vector<16xf32>
      %swap3A_153 = arith.index_cast %scan3A_103 : i32 to index
      %swap3A_154 = arith.constant 112 : index
      %swap3A_155 = tpu.vector_load %arg6[%swap3A_153, %swap3A_154] {strides = array<i32>} : memref<80x128xf32, #tpu.memory_space<vmem>>, vector<1x16xf32>,
      %swap3A_156 = vector.shape_cast %swap3A_155 : vector<1x16xf32> to vector<16xf32>
      %swap3A_157 = vector.shape_cast %broadcast_in_dim3A_152 : vector<16xf32> to vector<1x16xf32>
      tpu.vector_store %arg6[%swap3A_153, %swap3A_154], %swap3A_157 {strides = array<i32>} : memref<80x128xf32, #tpu.memory_space<vmem>>, vector<1x16xf32>,
    }
    %scan3A_7 = arith.constant 80 : i32
    %scan3A_8 = arith.constant 0 : i32
    %scan3A_9 = arith.constant 0 : i32
    %scan3A_10 = arith.constant 8 : i32
    %scan3A_11 = arith.addi %scan3A_9, %scan3A_10 : i32
    %scan3A_12 = arith.constant 1 : i32
    scf.for %scan3A_103 = %scan3A_9 to %scan3A_11 step %scan3A_12  : i32 {
      %mul3A_104 = arith.constant 16 : i32
      %mul3A_105 = arith.muli %scan3A_103, %mul3A_104 : i32
      %add3A_106 = arith.addi %arg1, %mul3A_105 : i32
      %lt3A_107 = arith.constant 125 : i32
      %lt3A_108 = arith.cmpi slt, %add3A_106, %lt3A_107 : i32
      %convert_element_type3A_109 = arith.extui %lt3A_108 : i1 to i32
      %cond3A_110 = arith.constant 0 : i32
      %cond3A_111 = arith.cmpi ne, %convert_element_type3A_109, %cond3A_110 : i32
      scf.if %cond3A_111 {
        %mul3A_112 = arith.constant 80 : i32
        %mul3A_113 = arith.muli %add3A_106, %mul3A_112 : i32
        "tpu.region"() ({
          %run_scoped3A = tpu.sem_alloc : memref<!tpu.dma_semaphore, #tpu.memory_space<semaphore_mem>>
          %dma_start3A_114 = arith.constant 0 : i32
          %dma_start3A_115 = tpu.memref_slice %arg10[%mul3A_113, %dma_start3A_114] : memref<10000x128xf32, #tpu.memory_space<vmem_shared>> -> memref<80x128xf32, #tpu.memory_space<vmem_shared>>
          %dma_start3A_116 = arith.constant 0 : i32
          %dma_start3A_117 = tpu.memref_slice %arg10[%mul3A_113, %dma_start3A_116] : memref<10000x128xf32, #tpu.memory_space<vmem_shared>> -> memref<80x128xf32, #tpu.memory_space<vmem_shared>>
          tpu.enqueue_dma source(%arg6 : memref<80x128xf32, #tpu.memory_space<vmem>>) target(%dma_start3A_117 : memref<80x128xf32, #tpu.memory_space<vmem_shared>>) target_semaphore(%run_scoped3A : memref<!tpu.dma_semaphore, #tpu.memory_space<semaphore_mem>>)
          %dma_wait3A = arith.constant 0 : i32
          %dma_wait3A_118 = tpu.memref_slice %arg10[%mul3A_113, %dma_wait3A] : memref<10000x128xf32, #tpu.memory_space<vmem_shared>> -> memref<80x128xf32, #tpu.memory_space<vmem_shared>>
          %dma_wait3A_119 = arith.constant 0 : i32
          %dma_wait3A_120 = tpu.memref_slice %arg10[%mul3A_113, %dma_wait3A_119] : memref<10000x128xf32, #tpu.memory_space<vmem_shared>> -> memref<80x128xf32, #tpu.memory_space<vmem_shared>>
          tpu.wait_dma2 semaphore(%run_scoped3A : memref<!tpu.dma_semaphore, #tpu.memory_space<semaphore_mem>>) src(%arg6 : memref<80x128xf32, #tpu.memory_space<vmem>>) dst(%dma_wait3A_120 : memref<80x128xf32, #tpu.memory_space<vmem_shared>>)
          tpu.yield
        }) : () -> ()
      } else {
      }
    }
    %scan3A_13 = arith.constant 8 : i32
    %dma_start3A = arith.constant 0 : i32
    %dma_start3A_14 = arith.constant 0 : i32
    %dma_start3A_15 = tpu.memref_slice %arg8[%dma_start3A_14] : memref<10000xi32, #tpu.memory_space<vmem>> -> memref<80xi32, #tpu.memory_space<vmem>>
    %dma_start3A_16 = arith.constant 0 : i32
    %dma_start3A_17 = arith.constant 0 : i32
    %dma_start3A_18 = tpu.memref_slice %arg2[%dma_start3A_16, %dma_start3A_17] : memref<10000x128xf32, #tpu.memory_space<hbm>> -> memref<10000x128xf32, #tpu.memory_space<hbm>>
    %dma_start3A_19 = tpu.memref_slice %arg11[%dma_start3A] : memref<2x!tpu.dma_semaphore, #tpu.memory_space<semaphore_mem>> -> memref<1x!tpu.dma_semaphore, #tpu.memory_space<semaphore_mem>>
    %dma_start3A_20 = tpu.memref_squeeze %dma_start3A_19 : memref<1x!tpu.dma_semaphore, #tpu.memory_space<semaphore_mem>> -> memref<!tpu.dma_semaphore, #tpu.memory_space<semaphore_mem>>
    tpu.enqueue_indirect_dma source(%dma_start3A_18 : memref<10000x128xf32, #tpu.memory_space<hbm>>) target(%arg6 : memref<80x128xf32, #tpu.memory_space<vmem>>) offsets(%dma_start3A_15 : memref<80xi32, #tpu.memory_space<vmem>>) semaphore(%dma_start3A_20 : memref<!tpu.dma_semaphore, #tpu.memory_space<semaphore_mem>>)
    %dma_start3A_21 = arith.constant 1 : i32
    %dma_start3A_22 = arith.constant 80 : i32
    %dma_start3A_23 = tpu.memref_slice %arg8[%dma_start3A_22] : memref<10000xi32, #tpu.memory_space<vmem>> -> memref<80xi32, #tpu.memory_space<vmem>>
    %dma_start3A_24 = arith.constant 0 : i32
    %dma_start3A_25 = arith.constant 0 : i32
    %dma_start3A_26 = tpu.memref_slice %arg2[%dma_start3A_24, %dma_start3A_25] : memref<10000x128xf32, #tpu.memory_space<hbm>> -> memref<10000x128xf32, #tpu.memory_space<hbm>>
    %dma_start3A_27 = tpu.memref_slice %arg11[%dma_start3A_21] : memref<2x!tpu.dma_semaphore, #tpu.memory_space<semaphore_mem>> -> memref<1x!tpu.dma_semaphore, #tpu.memory_space<semaphore_mem>>
    %dma_start3A_28 = tpu.memref_squeeze %dma_start3A_27 : memref<1x!tpu.dma_semaphore, #tpu.memory_space<semaphore_mem>> -> memref<!tpu.dma_semaphore, #tpu.memory_space<semaphore_mem>>
    tpu.enqueue_indirect_dma source(%dma_start3A_26 : memref<10000x128xf32, #tpu.memory_space<hbm>>) target(%arg7 : memref<80x128xf32, #tpu.memory_space<vmem>>) offsets(%dma_start3A_23 : memref<80xi32, #tpu.memory_space<vmem>>) semaphore(%dma_start3A_28 : memref<!tpu.dma_semaphore, #tpu.memory_space<semaphore_mem>>)
    %barrier3A = arith.constant 0 : index
    tpu.barrier barrier_id(%barrier3A)
    %scan3A_29 = arith.constant 0 : i32
    %scan3A_30 = arith.constant 0 : i32
    %scan3A_31 = arith.constant 63 : i32
    %scan3A_32 = arith.addi %scan3A_30, %scan3A_31 : i32
    %scan3A_33 = arith.constant 1 : i32
    scf.for %scan3A_103 = %scan3A_30 to %scan3A_32 step %scan3A_33  : i32 {
      %mul3A_104 = arith.constant 2 : i32
      %mul3A_105 = arith.muli %mul3A_104, %scan3A_103 : i32
      %add3A_106 = arith.constant 0 : i32
      %add3A_107 = arith.addi %mul3A_105, %add3A_106 : i32
      %lt3A_108 = arith.constant 125 : i32
      %lt3A_109 = arith.cmpi slt, %add3A_107, %lt3A_108 : i32
      %convert_element_type3A_110 = arith.extui %lt3A_109 : i1 to i32
      %cond3A_111 = arith.constant 0 : i32
      %cond3A_112 = arith.cmpi ne, %convert_element_type3A_110, %cond3A_111 : i32
      scf.if %cond3A_112 {
        %mul3A_122 = arith.constant 80 : i32
        %mul3A_123 = arith.muli %add3A_107, %mul3A_122 : i32
        %dma_wait3A = arith.constant 0 : i32
        %dma_wait3A_124 = tpu.memref_slice %arg8[%mul3A_123] : memref<10000xi32, #tpu.memory_space<vmem>> -> memref<80xi32, #tpu.memory_space<vmem>>
        %dma_wait3A_125 = arith.constant 0 : i32
        %dma_wait3A_126 = arith.constant 0 : i32
        %dma_wait3A_127 = tpu.memref_slice %arg2[%dma_wait3A_125, %dma_wait3A_126] : memref<10000x128xf32, #tpu.memory_space<hbm>> -> memref<10000x128xf32, #tpu.memory_space<hbm>>
        %dma_wait3A_128 = tpu.memref_slice %arg11[%dma_wait3A] : memref<2x!tpu.dma_semaphore, #tpu.memory_space<semaphore_mem>> -> memref<1x!tpu.dma_semaphore, #tpu.memory_space<semaphore_mem>>
        %dma_wait3A_129 = tpu.memref_squeeze %dma_wait3A_128 : memref<1x!tpu.dma_semaphore, #tpu.memory_space<semaphore_mem>> -> memref<!tpu.dma_semaphore, #tpu.memory_space<semaphore_mem>>
        tpu.wait_indirect_dma semaphore(%dma_wait3A_129 : memref<!tpu.dma_semaphore, #tpu.memory_space<semaphore_mem>>) src(%dma_wait3A_127 : memref<10000x128xf32, #tpu.memory_space<hbm>>) dst(%arg6 : memref<80x128xf32, #tpu.memory_space<vmem>>)
        "tpu.region"() ({
          %run_scoped3A = tpu.sem_alloc : memref<!tpu.dma_semaphore, #tpu.memory_space<semaphore_mem>>
          %dma_start3A_137 = arith.constant 0 : i32
          %dma_start3A_138 = tpu.memref_slice %arg9[%add3A_107, %dma_start3A_137] : memref<125x80xi32, #tpu.memory_space<vmem>> -> memref<1x80xi32, #tpu.memory_space<vmem>>
          %dma_start3A_139 = tpu.memref_squeeze %dma_start3A_138 : memref<1x80xi32, #tpu.memory_space<vmem>> -> memref<80xi32, #tpu.memory_space<vmem>>
          %dma_start3A_140 = arith.constant 0 : i32
          %dma_start3A_141 = arith.constant 0 : i32
          %dma_start3A_142 = tpu.memref_slice %arg10[%dma_start3A_140, %dma_start3A_141] : memref<10000x128xf32, #tpu.memory_space<vmem_shared>> -> memref<10000x128xf32, #tpu.memory_space<vmem_shared>>
          tpu.enqueue_indirect_dma source(%arg6 : memref<80x128xf32, #tpu.memory_space<vmem>>) target(%dma_start3A_142 : memref<10000x128xf32, #tpu.memory_space<vmem_shared>>) offsets(%dma_start3A_139 : memref<80xi32, #tpu.memory_space<vmem>>) semaphore(%run_scoped3A : memref<!tpu.dma_semaphore, #tpu.memory_space<semaphore_mem>>) {add = true}
          %dma_wait3A_143 = arith.constant 0 : i32
          %dma_wait3A_144 = tpu.memref_slice %arg9[%add3A_107, %dma_wait3A_143] : memref<125x80xi32, #tpu.memory_space<vmem>> -> memref<1x80xi32, #tpu.memory_space<vmem>>
          %dma_wait3A_145 = tpu.memref_squeeze %dma_wait3A_144 : memref<1x80xi32, #tpu.memory_space<vmem>> -> memref<80xi32, #tpu.memory_space<vmem>>
          %dma_wait3A_146 = arith.constant 0 : i32
          %dma_wait3A_147 = arith.constant 0 : i32
          %dma_wait3A_148 = tpu.memref_slice %arg10[%dma_wait3A_146, %dma_wait3A_147] : memref<10000x128xf32, #tpu.memory_space<vmem_shared>> -> memref<10000x128xf32, #tpu.memory_space<vmem_shared>>
          tpu.wait_indirect_dma semaphore(%run_scoped3A : memref<!tpu.dma_semaphore, #tpu.memory_space<semaphore_mem>>) src(%arg6 : memref<80x128xf32, #tpu.memory_space<vmem>>) dst(%dma_wait3A_148 : memref<10000x128xf32, #tpu.memory_space<vmem_shared>>)
          tpu.yield
        }) : () -> ()
        %add3A_130 = arith.constant 2 : i32
        %add3A_131 = arith.addi %add3A_107, %add3A_130 : i32
        %lt3A_132 = arith.constant 125 : i32
        %lt3A_133 = arith.cmpi slt, %add3A_131, %lt3A_132 : i32
        %convert_element_type3A_134 = arith.extui %lt3A_133 : i1 to i32
        %cond3A_135 = arith.constant 0 : i32
        %cond3A_136 = arith.cmpi ne, %convert_element_type3A_134, %cond3A_135 : i32
        scf.if %cond3A_136 {
          %add3A_137 = arith.constant 2 : i32
          %add3A_138 = arith.addi %add3A_107, %add3A_137 : i32
          %mul3A_139 = arith.constant 80 : i32
          %mul3A_140 = arith.muli %add3A_138, %mul3A_139 : i32
          %dma_start3A_141 = arith.constant 0 : i32
          %dma_start3A_142 = tpu.memref_slice %arg8[%mul3A_140] : memref<10000xi32, #tpu.memory_space<vmem>> -> memref<80xi32, #tpu.memory_space<vmem>>
          %dma_start3A_143 = arith.constant 0 : i32
          %dma_start3A_144 = arith.constant 0 : i32
          %dma_start3A_145 = tpu.memref_slice %arg2[%dma_start3A_143, %dma_start3A_144] : memref<10000x128xf32, #tpu.memory_space<hbm>> -> memref<10000x128xf32, #tpu.memory_space<hbm>>
          %dma_start3A_146 = tpu.memref_slice %arg11[%dma_start3A_141] : memref<2x!tpu.dma_semaphore, #tpu.memory_space<semaphore_mem>> -> memref<1x!tpu.dma_semaphore, #tpu.memory_space<semaphore_mem>>
          %dma_start3A_147 = tpu.memref_squeeze %dma_start3A_146 : memref<1x!tpu.dma_semaphore, #tpu.memory_space<semaphore_mem>> -> memref<!tpu.dma_semaphore, #tpu.memory_space<semaphore_mem>>
          tpu.enqueue_indirect_dma source(%dma_start3A_145 : memref<10000x128xf32, #tpu.memory_space<hbm>>) target(%arg6 : memref<80x128xf32, #tpu.memory_space<vmem>>) offsets(%dma_start3A_142 : memref<80xi32, #tpu.memory_space<vmem>>) semaphore(%dma_start3A_147 : memref<!tpu.dma_semaphore, #tpu.memory_space<semaphore_mem>>)
        } else {
        }
      } else {
      }
      %mul3A_113 = arith.constant 2 : i32
      %mul3A_114 = arith.muli %mul3A_113, %scan3A_103 : i32
      %add3A_115 = arith.constant 1 : i32
      %add3A_116 = arith.addi %mul3A_114, %add3A_115 : i32
      %lt3A_117 = arith.constant 125 : i32
      %lt3A_118 = arith.cmpi slt, %add3A_116, %lt3A_117 : i32
      %convert_element_type3A_119 = arith.extui %lt3A_118 : i1 to i32
      %cond3A_120 = arith.constant 0 : i32
      %cond3A_121 = arith.cmpi ne, %convert_element_type3A_119, %cond3A_120 : i32
      scf.if %cond3A_121 {
        %mul3A_122 = arith.constant 80 : i32
        %mul3A_123 = arith.muli %add3A_116, %mul3A_122 : i32
        %dma_wait3A = arith.constant 1 : i32
        %dma_wait3A_124 = tpu.memref_slice %arg8[%mul3A_123] : memref<10000xi32, #tpu.memory_space<vmem>> -> memref<80xi32, #tpu.memory_space<vmem>>
        %dma_wait3A_125 = arith.constant 0 : i32
        %dma_wait3A_126 = arith.constant 0 : i32
        %dma_wait3A_127 = tpu.memref_slice %arg2[%dma_wait3A_125, %dma_wait3A_126] : memref<10000x128xf32, #tpu.memory_space<hbm>> -> memref<10000x128xf32, #tpu.memory_space<hbm>>
        %dma_wait3A_128 = tpu.memref_slice %arg11[%dma_wait3A] : memref<2x!tpu.dma_semaphore, #tpu.memory_space<semaphore_mem>> -> memref<1x!tpu.dma_semaphore, #tpu.memory_space<semaphore_mem>>
        %dma_wait3A_129 = tpu.memref_squeeze %dma_wait3A_128 : memref<1x!tpu.dma_semaphore, #tpu.memory_space<semaphore_mem>> -> memref<!tpu.dma_semaphore, #tpu.memory_space<semaphore_mem>>
        tpu.wait_indirect_dma semaphore(%dma_wait3A_129 : memref<!tpu.dma_semaphore, #tpu.memory_space<semaphore_mem>>) src(%dma_wait3A_127 : memref<10000x128xf32, #tpu.memory_space<hbm>>) dst(%arg7 : memref<80x128xf32, #tpu.memory_space<vmem>>)
        "tpu.region"() ({
          %run_scoped3A = tpu.sem_alloc : memref<!tpu.dma_semaphore, #tpu.memory_space<semaphore_mem>>
          %dma_start3A_137 = arith.constant 0 : i32
          %dma_start3A_138 = tpu.memref_slice %arg9[%add3A_116, %dma_start3A_137] : memref<125x80xi32, #tpu.memory_space<vmem>> -> memref<1x80xi32, #tpu.memory_space<vmem>>
          %dma_start3A_139 = tpu.memref_squeeze %dma_start3A_138 : memref<1x80xi32, #tpu.memory_space<vmem>> -> memref<80xi32, #tpu.memory_space<vmem>>
          %dma_start3A_140 = arith.constant 0 : i32
          %dma_start3A_141 = arith.constant 0 : i32
          %dma_start3A_142 = tpu.memref_slice %arg10[%dma_start3A_140, %dma_start3A_141] : memref<10000x128xf32, #tpu.memory_space<vmem_shared>> -> memref<10000x128xf32, #tpu.memory_space<vmem_shared>>
          tpu.enqueue_indirect_dma source(%arg7 : memref<80x128xf32, #tpu.memory_space<vmem>>) target(%dma_start3A_142 : memref<10000x128xf32, #tpu.memory_space<vmem_shared>>) offsets(%dma_start3A_139 : memref<80xi32, #tpu.memory_space<vmem>>) semaphore(%run_scoped3A : memref<!tpu.dma_semaphore, #tpu.memory_space<semaphore_mem>>) {add = true}
          %dma_wait3A_143 = arith.constant 0 : i32
          %dma_wait3A_144 = tpu.memref_slice %arg9[%add3A_116, %dma_wait3A_143] : memref<125x80xi32, #tpu.memory_space<vmem>> -> memref<1x80xi32, #tpu.memory_space<vmem>>
          %dma_wait3A_145 = tpu.memref_squeeze %dma_wait3A_144 : memref<1x80xi32, #tpu.memory_space<vmem>> -> memref<80xi32, #tpu.memory_space<vmem>>
          %dma_wait3A_146 = arith.constant 0 : i32
          %dma_wait3A_147 = arith.constant 0 : i32
          %dma_wait3A_148 = tpu.memref_slice %arg10[%dma_wait3A_146, %dma_wait3A_147] : memref<10000x128xf32, #tpu.memory_space<vmem_shared>> -> memref<10000x128xf32, #tpu.memory_space<vmem_shared>>
          tpu.wait_indirect_dma semaphore(%run_scoped3A : memref<!tpu.dma_semaphore, #tpu.memory_space<semaphore_mem>>) src(%arg7 : memref<80x128xf32, #tpu.memory_space<vmem>>) dst(%dma_wait3A_148 : memref<10000x128xf32, #tpu.memory_space<vmem_shared>>)
          tpu.yield
        }) : () -> ()
        %add3A_130 = arith.constant 2 : i32
        %add3A_131 = arith.addi %add3A_116, %add3A_130 : i32
        %lt3A_132 = arith.constant 125 : i32
        %lt3A_133 = arith.cmpi slt, %add3A_131, %lt3A_132 : i32
        %convert_element_type3A_134 = arith.extui %lt3A_133 : i1 to i32
        %cond3A_135 = arith.constant 0 : i32
        %cond3A_136 = arith.cmpi ne, %convert_element_type3A_134, %cond3A_135 : i32
        scf.if %cond3A_136 {
          %add3A_137 = arith.constant 2 : i32
          %add3A_138 = arith.addi %add3A_116, %add3A_137 : i32
          %mul3A_139 = arith.constant 80 : i32
          %mul3A_140 = arith.muli %add3A_138, %mul3A_139 : i32
          %dma_start3A_141 = arith.constant 1 : i32
          %dma_start3A_142 = tpu.memref_slice %arg8[%mul3A_140] : memref<10000xi32, #tpu.memory_space<vmem>> -> memref<80xi32, #tpu.memory_space<vmem>>
          %dma_start3A_143 = arith.constant 0 : i32
          %dma_start3A_144 = arith.constant 0 : i32
          %dma_start3A_145 = tpu.memref_slice %arg2[%dma_start3A_143, %dma_start3A_144] : memref<10000x128xf32, #tpu.memory_space<hbm>> -> memref<10000x128xf32, #tpu.memory_space<hbm>>
          %dma_start3A_146 = tpu.memref_slice %arg11[%dma_start3A_141] : memref<2x!tpu.dma_semaphore, #tpu.memory_space<semaphore_mem>> -> memref<1x!tpu.dma_semaphore, #tpu.memory_space<semaphore_mem>>
          %dma_start3A_147 = tpu.memref_squeeze %dma_start3A_146 : memref<1x!tpu.dma_semaphore, #tpu.memory_space<semaphore_mem>> -> memref<!tpu.dma_semaphore, #tpu.memory_space<semaphore_mem>>
          tpu.enqueue_indirect_dma source(%dma_start3A_145 : memref<10000x128xf32, #tpu.memory_space<hbm>>) target(%arg7 : memref<80x128xf32, #tpu.memory_space<vmem>>) offsets(%dma_start3A_142 : memref<80xi32, #tpu.memory_space<vmem>>) semaphore(%dma_start3A_147 : memref<!tpu.dma_semaphore, #tpu.memory_space<semaphore_mem>>)
        } else {
        }
      } else {
      }
    }
    %scan3A_34 = arith.constant 63 : i32
    %barrier3A_35 = arith.constant 0 : index
    tpu.barrier barrier_id(%barrier3A_35)
    %add3A_36 = arith.constant 0 : i32
    %add3A_37 = arith.addi %arg1, %add3A_36 : i32
    %lt3A = arith.constant 125 : i32
    %lt3A_38 = arith.cmpi slt, %add3A_37, %lt3A : i32
    %convert_element_type3A = arith.extui %lt3A_38 : i1 to i32
    %cond3A = arith.constant 0 : i32
    %cond3A_39 = arith.cmpi ne, %convert_element_type3A, %cond3A : i32
    scf.if %cond3A_39 {
      %mul3A_103 = arith.constant 80 : i32
      %mul3A_104 = arith.muli %add3A_37, %mul3A_103 : i32
      "tpu.region"() ({
        %run_scoped3A = tpu.sem_alloc : memref<!tpu.dma_semaphore, #tpu.memory_space<semaphore_mem>>
        %dma_start3A_117 = arith.constant 0 : i32
        %dma_start3A_118 = tpu.memref_slice %arg10[%mul3A_104, %dma_start3A_117] : memref<10000x128xf32, #tpu.memory_space<vmem_shared>> -> memref<80x128xf32, #tpu.memory_space<vmem_shared>>
        %dma_start3A_119 = arith.constant 0 : i32
        %dma_start3A_120 = tpu.memref_slice %arg10[%mul3A_104, %dma_start3A_119] : memref<10000x128xf32, #tpu.memory_space<vmem_shared>> -> memref<80x128xf32, #tpu.memory_space<vmem_shared>>
        tpu.enqueue_dma source(%dma_start3A_120 : memref<80x128xf32, #tpu.memory_space<vmem_shared>>) target(%arg6 : memref<80x128xf32, #tpu.memory_space<vmem>>) target_semaphore(%run_scoped3A : memref<!tpu.dma_semaphore, #tpu.memory_space<semaphore_mem>>)
        %dma_wait3A = arith.constant 0 : i32
        %dma_wait3A_121 = tpu.memref_slice %arg10[%mul3A_104, %dma_wait3A] : memref<10000x128xf32, #tpu.memory_space<vmem_shared>> -> memref<80x128xf32, #tpu.memory_space<vmem_shared>>
        %dma_wait3A_122 = arith.constant 0 : i32
        %dma_wait3A_123 = tpu.memref_slice %arg10[%mul3A_104, %dma_wait3A_122] : memref<10000x128xf32, #tpu.memory_space<vmem_shared>> -> memref<80x128xf32, #tpu.memory_space<vmem_shared>>
        tpu.wait_dma2 semaphore(%run_scoped3A : memref<!tpu.dma_semaphore, #tpu.memory_space<semaphore_mem>>) src(%dma_wait3A_123 : memref<80x128xf32, #tpu.memory_space<vmem_shared>>) dst(%arg6 : memref<80x128xf32, #tpu.memory_space<vmem>>)
        tpu.yield
      }) : () -> ()
      %mul3A_105 = arith.constant 10000 : i32
      %mul3A_106 = arith.muli %arg0, %mul3A_105 : i32
      %mul3A_107 = arith.constant 80 : i32
      %mul3A_108 = arith.muli %add3A_37, %mul3A_107 : i32
      %add3A_109 = arith.addi %mul3A_106, %mul3A_108 : i32
      %dma_start3A_110 = arith.constant 0 : i32
      %dma_start3A_111 = arith.constant 0 : i32
      %dma_start3A_112 = tpu.memref_slice %arg5[%add3A_109, %dma_start3A_111] : memref<20000x128xf32, #tpu.memory_space<hbm>> -> memref<80x128xf32, #tpu.memory_space<hbm>>
      %dma_start3A_113 = tpu.memref_slice %arg11[%dma_start3A_110] : memref<2x!tpu.dma_semaphore, #tpu.memory_space<semaphore_mem>> -> memref<1x!tpu.dma_semaphore, #tpu.memory_space<semaphore_mem>>
      %dma_start3A_114 = tpu.memref_squeeze %dma_start3A_113 : memref<1x!tpu.dma_semaphore, #tpu.memory_space<semaphore_mem>> -> memref<!tpu.dma_semaphore, #tpu.memory_space<semaphore_mem>>
      %dma_start3A_115 = arith.constant 0 : i32
      %dma_start3A_116 = tpu.memref_slice %arg5[%add3A_109, %dma_start3A_115] : memref<20000x128xf32, #tpu.memory_space<hbm>> -> memref<80x128xf32, #tpu.memory_space<hbm>>
      tpu.enqueue_dma source(%arg6 : memref<80x128xf32, #tpu.memory_space<vmem>>) target(%dma_start3A_116 : memref<80x128xf32, #tpu.memory_space<hbm>>) target_semaphore(%dma_start3A_114 : memref<!tpu.dma_semaphore, #tpu.memory_space<semaphore_mem>>)
    } else {
    }
    %add3A_40 = arith.constant 16 : i32
    %add3A_41 = arith.addi %arg1, %add3A_40 : i32
    %lt3A_42 = arith.constant 125 : i32
    %lt3A_43 = arith.cmpi slt, %add3A_41, %lt3A_42 : i32
    %convert_element_type3A_44 = arith.extui %lt3A_43 : i1 to i32
    %cond3A_45 = arith.constant 0 : i32
    %cond3A_46 = arith.cmpi ne, %convert_element_type3A_44, %cond3A_45 : i32
    scf.if %cond3A_46 {
      %mul3A_103 = arith.constant 80 : i32
      %mul3A_104 = arith.muli %add3A_41, %mul3A_103 : i32
      "tpu.region"() ({
        %run_scoped3A = tpu.sem_alloc : memref<!tpu.dma_semaphore, #tpu.memory_space<semaphore_mem>>
        %dma_start3A_117 = arith.constant 0 : i32
        %dma_start3A_118 = tpu.memref_slice %arg10[%mul3A_104, %dma_start3A_117] : memref<10000x128xf32, #tpu.memory_space<vmem_shared>> -> memref<80x128xf32, #tpu.memory_space<vmem_shared>>
        %dma_start3A_119 = arith.constant 0 : i32
        %dma_start3A_120 = tpu.memref_slice %arg10[%mul3A_104, %dma_start3A_119] : memref<10000x128xf32, #tpu.memory_space<vmem_shared>> -> memref<80x128xf32, #tpu.memory_space<vmem_shared>>
        tpu.enqueue_dma source(%dma_start3A_120 : memref<80x128xf32, #tpu.memory_space<vmem_shared>>) target(%arg7 : memref<80x128xf32, #tpu.memory_space<vmem>>) target_semaphore(%run_scoped3A : memref<!tpu.dma_semaphore, #tpu.memory_space<semaphore_mem>>)
        %dma_wait3A = arith.constant 0 : i32
        %dma_wait3A_121 = tpu.memref_slice %arg10[%mul3A_104, %dma_wait3A] : memref<10000x128xf32, #tpu.memory_space<vmem_shared>> -> memref<80x128xf32, #tpu.memory_space<vmem_shared>>
        %dma_wait3A_122 = arith.constant 0 : i32
        %dma_wait3A_123 = tpu.memref_slice %arg10[%mul3A_104, %dma_wait3A_122] : memref<10000x128xf32, #tpu.memory_space<vmem_shared>> -> memref<80x128xf32, #tpu.memory_space<vmem_shared>>
        tpu.wait_dma2 semaphore(%run_scoped3A : memref<!tpu.dma_semaphore, #tpu.memory_space<semaphore_mem>>) src(%dma_wait3A_123 : memref<80x128xf32, #tpu.memory_space<vmem_shared>>) dst(%arg7 : memref<80x128xf32, #tpu.memory_space<vmem>>)
        tpu.yield
      }) : () -> ()
      %mul3A_105 = arith.constant 10000 : i32
      %mul3A_106 = arith.muli %arg0, %mul3A_105 : i32
      %mul3A_107 = arith.constant 80 : i32
      %mul3A_108 = arith.muli %add3A_41, %mul3A_107 : i32
      %add3A_109 = arith.addi %mul3A_106, %mul3A_108 : i32
      %dma_start3A_110 = arith.constant 1 : i32
      %dma_start3A_111 = arith.constant 0 : i32
      %dma_start3A_112 = tpu.memref_slice %arg5[%add3A_109, %dma_start3A_111] : memref<20000x128xf32, #tpu.memory_space<hbm>> -> memref<80x128xf32, #tpu.memory_space<hbm>>
      %dma_start3A_113 = tpu.memref_slice %arg11[%dma_start3A_110] : memref<2x!tpu.dma_semaphore, #tpu.memory_space<semaphore_mem>> -> memref<1x!tpu.dma_semaphore, #tpu.memory_space<semaphore_mem>>
      %dma_start3A_114 = tpu.memref_squeeze %dma_start3A_113 : memref<1x!tpu.dma_semaphore, #tpu.memory_space<semaphore_mem>> -> memref<!tpu.dma_semaphore, #tpu.memory_space<semaphore_mem>>
      %dma_start3A_115 = arith.constant 0 : i32
      %dma_start3A_116 = tpu.memref_slice %arg5[%add3A_109, %dma_start3A_115] : memref<20000x128xf32, #tpu.memory_space<hbm>> -> memref<80x128xf32, #tpu.memory_space<hbm>>
      tpu.enqueue_dma source(%arg7 : memref<80x128xf32, #tpu.memory_space<vmem>>) target(%dma_start3A_116 : memref<80x128xf32, #tpu.memory_space<hbm>>) target_semaphore(%dma_start3A_114 : memref<!tpu.dma_semaphore, #tpu.memory_space<semaphore_mem>>)
    } else {
    }
    %add3A_47 = arith.constant 32 : i32
    %add3A_48 = arith.addi %arg1, %add3A_47 : i32
    %lt3A_49 = arith.constant 125 : i32
    %lt3A_50 = arith.cmpi slt, %add3A_48, %lt3A_49 : i32
    %convert_element_type3A_51 = arith.extui %lt3A_50 : i1 to i32
    %cond3A_52 = arith.constant 0 : i32
    %cond3A_53 = arith.cmpi ne, %convert_element_type3A_51, %cond3A_52 : i32
    scf.if %cond3A_53 {
      %mul3A_103 = arith.constant 10000 : i32
      %mul3A_104 = arith.muli %arg0, %mul3A_103 : i32
      %sub3A = arith.constant 32 : i32
      %sub3A_105 = arith.subi %add3A_48, %sub3A : i32
      %mul3A_106 = arith.constant 80 : i32
      %mul3A_107 = arith.muli %sub3A_105, %mul3A_106 : i32
      %add3A_108 = arith.addi %mul3A_104, %mul3A_107 : i32
      %dma_wait3A = arith.constant 0 : i32
      %dma_wait3A_109 = arith.constant 0 : i32
      %dma_wait3A_110 = tpu.memref_slice %arg5[%add3A_108, %dma_wait3A_109] : memref<20000x128xf32, #tpu.memory_space<hbm>> -> memref<80x128xf32, #tpu.memory_space<hbm>>
      %dma_wait3A_111 = tpu.memref_slice %arg11[%dma_wait3A] : memref<2x!tpu.dma_semaphore, #tpu.memory_space<semaphore_mem>> -> memref<1x!tpu.dma_semaphore, #tpu.memory_space<semaphore_mem>>
      %dma_wait3A_112 = tpu.memref_squeeze %dma_wait3A_111 : memref<1x!tpu.dma_semaphore, #tpu.memory_space<semaphore_mem>> -> memref<!tpu.dma_semaphore, #tpu.memory_space<semaphore_mem>>
      %dma_wait3A_113 = arith.constant 0 : i32
      %dma_wait3A_114 = tpu.memref_slice %arg5[%add3A_108, %dma_wait3A_113] : memref<20000x128xf32, #tpu.memory_space<hbm>> -> memref<80x128xf32, #tpu.memory_space<hbm>>
      tpu.wait_dma2 semaphore(%dma_wait3A_112 : memref<!tpu.dma_semaphore, #tpu.memory_space<semaphore_mem>>) src(%arg6 : memref<80x128xf32, #tpu.memory_space<vmem>>) dst(%dma_wait3A_114 : memref<80x128xf32, #tpu.memory_space<hbm>>)
      %mul3A_115 = arith.constant 80 : i32
      %mul3A_116 = arith.muli %add3A_48, %mul3A_115 : i32
      "tpu.region"() ({
        %run_scoped3A = tpu.sem_alloc : memref<!tpu.dma_semaphore, #tpu.memory_space<semaphore_mem>>
        %dma_start3A_129 = arith.constant 0 : i32
        %dma_start3A_130 = tpu.memref_slice %arg10[%mul3A_116, %dma_start3A_129] : memref<10000x128xf32, #tpu.memory_space<vmem_shared>> -> memref<80x128xf32, #tpu.memory_space<vmem_shared>>
        %dma_start3A_131 = arith.constant 0 : i32
        %dma_start3A_132 = tpu.memref_slice %arg10[%mul3A_116, %dma_start3A_131] : memref<10000x128xf32, #tpu.memory_space<vmem_shared>> -> memref<80x128xf32, #tpu.memory_space<vmem_shared>>
        tpu.enqueue_dma source(%dma_start3A_132 : memref<80x128xf32, #tpu.memory_space<vmem_shared>>) target(%arg6 : memref<80x128xf32, #tpu.memory_space<vmem>>) target_semaphore(%run_scoped3A : memref<!tpu.dma_semaphore, #tpu.memory_space<semaphore_mem>>)
        %dma_wait3A_133 = arith.constant 0 : i32
        %dma_wait3A_134 = tpu.memref_slice %arg10[%mul3A_116, %dma_wait3A_133] : memref<10000x128xf32, #tpu.memory_space<vmem_shared>> -> memref<80x128xf32, #tpu.memory_space<vmem_shared>>
        %dma_wait3A_135 = arith.constant 0 : i32
        %dma_wait3A_136 = tpu.memref_slice %arg10[%mul3A_116, %dma_wait3A_135] : memref<10000x128xf32, #tpu.memory_space<vmem_shared>> -> memref<80x128xf32, #tpu.memory_space<vmem_shared>>
        tpu.wait_dma2 semaphore(%run_scoped3A : memref<!tpu.dma_semaphore, #tpu.memory_space<semaphore_mem>>) src(%dma_wait3A_136 : memref<80x128xf32, #tpu.memory_space<vmem_shared>>) dst(%arg6 : memref<80x128xf32, #tpu.memory_space<vmem>>)
        tpu.yield
      }) : () -> ()
      %mul3A_117 = arith.constant 10000 : i32
      %mul3A_118 = arith.muli %arg0, %mul3A_117 : i32
      %mul3A_119 = arith.constant 80 : i32
      %mul3A_120 = arith.muli %add3A_48, %mul3A_119 : i32
      %add3A_121 = arith.addi %mul3A_118, %mul3A_120 : i32
      %dma_start3A_122 = arith.constant 0 : i32
      %dma_start3A_123 = arith.constant 0 : i32
      %dma_start3A_124 = tpu.memref_slice %arg5[%add3A_121, %dma_start3A_123] : memref<20000x128xf32, #tpu.memory_space<hbm>> -> memref<80x128xf32, #tpu.memory_space<hbm>>
      %dma_start3A_125 = tpu.memref_slice %arg11[%dma_start3A_122] : memref<2x!tpu.dma_semaphore, #tpu.memory_space<semaphore_mem>> -> memref<1x!tpu.dma_semaphore, #tpu.memory_space<semaphore_mem>>
      %dma_start3A_126 = tpu.memref_squeeze %dma_start3A_125 : memref<1x!tpu.dma_semaphore, #tpu.memory_space<semaphore_mem>> -> memref<!tpu.dma_semaphore, #tpu.memory_space<semaphore_mem>>
      %dma_start3A_127 = arith.constant 0 : i32
      %dma_start3A_128 = tpu.memref_slice %arg5[%add3A_121, %dma_start3A_127] : memref<20000x128xf32, #tpu.memory_space<hbm>> -> memref<80x128xf32, #tpu.memory_space<hbm>>
      tpu.enqueue_dma source(%arg6 : memref<80x128xf32, #tpu.memory_space<vmem>>) target(%dma_start3A_128 : memref<80x128xf32, #tpu.memory_space<hbm>>) target_semaphore(%dma_start3A_126 : memref<!tpu.dma_semaphore, #tpu.memory_space<semaphore_mem>>)
    } else {
    }
    %add3A_54 = arith.constant 48 : i32
    %add3A_55 = arith.addi %arg1, %add3A_54 : i32
    %lt3A_56 = arith.constant 125 : i32
    %lt3A_57 = arith.cmpi slt, %add3A_55, %lt3A_56 : i32
    %convert_element_type3A_58 = arith.extui %lt3A_57 : i1 to i32
    %cond3A_59 = arith.constant 0 : i32
    %cond3A_60 = arith.cmpi ne, %convert_element_type3A_58, %cond3A_59 : i32
    scf.if %cond3A_60 {
      %mul3A_103 = arith.constant 10000 : i32
      %mul3A_104 = arith.muli %arg0, %mul3A_103 : i32
      %sub3A = arith.constant 32 : i32
      %sub3A_105 = arith.subi %add3A_55, %sub3A : i32
      %mul3A_106 = arith.constant 80 : i32
      %mul3A_107 = arith.muli %sub3A_105, %mul3A_106 : i32
      %add3A_108 = arith.addi %mul3A_104, %mul3A_107 : i32
      %dma_wait3A = arith.constant 1 : i32
      %dma_wait3A_109 = arith.constant 0 : i32
      %dma_wait3A_110 = tpu.memref_slice %arg5[%add3A_108, %dma_wait3A_109] : memref<20000x128xf32, #tpu.memory_space<hbm>> -> memref<80x128xf32, #tpu.memory_space<hbm>>
      %dma_wait3A_111 = tpu.memref_slice %arg11[%dma_wait3A] : memref<2x!tpu.dma_semaphore, #tpu.memory_space<semaphore_mem>> -> memref<1x!tpu.dma_semaphore, #tpu.memory_space<semaphore_mem>>
      %dma_wait3A_112 = tpu.memref_squeeze %dma_wait3A_111 : memref<1x!tpu.dma_semaphore, #tpu.memory_space<semaphore_mem>> -> memref<!tpu.dma_semaphore, #tpu.memory_space<semaphore_mem>>
      %dma_wait3A_113 = arith.constant 0 : i32
      %dma_wait3A_114 = tpu.memref_slice %arg5[%add3A_108, %dma_wait3A_113] : memref<20000x128xf32, #tpu.memory_space<hbm>> -> memref<80x128xf32, #tpu.memory_space<hbm>>
      tpu.wait_dma2 semaphore(%dma_wait3A_112 : memref<!tpu.dma_semaphore, #tpu.memory_space<semaphore_mem>>) src(%arg7 : memref<80x128xf32, #tpu.memory_space<vmem>>) dst(%dma_wait3A_114 : memref<80x128xf32, #tpu.memory_space<hbm>>)
      %mul3A_115 = arith.constant 80 : i32
      %mul3A_116 = arith.muli %add3A_55, %mul3A_115 : i32
      "tpu.region"() ({
        %run_scoped3A = tpu.sem_alloc : memref<!tpu.dma_semaphore, #tpu.memory_space<semaphore_mem>>
        %dma_start3A_129 = arith.constant 0 : i32
        %dma_start3A_130 = tpu.memref_slice %arg10[%mul3A_116, %dma_start3A_129] : memref<10000x128xf32, #tpu.memory_space<vmem_shared>> -> memref<80x128xf32, #tpu.memory_space<vmem_shared>>
        %dma_start3A_131 = arith.constant 0 : i32
        %dma_start3A_132 = tpu.memref_slice %arg10[%mul3A_116, %dma_start3A_131] : memref<10000x128xf32, #tpu.memory_space<vmem_shared>> -> memref<80x128xf32, #tpu.memory_space<vmem_shared>>
        tpu.enqueue_dma source(%dma_start3A_132 : memref<80x128xf32, #tpu.memory_space<vmem_shared>>) target(%arg7 : memref<80x128xf32, #tpu.memory_space<vmem>>) target_semaphore(%run_scoped3A : memref<!tpu.dma_semaphore, #tpu.memory_space<semaphore_mem>>)
        %dma_wait3A_133 = arith.constant 0 : i32
        %dma_wait3A_134 = tpu.memref_slice %arg10[%mul3A_116, %dma_wait3A_133] : memref<10000x128xf32, #tpu.memory_space<vmem_shared>> -> memref<80x128xf32, #tpu.memory_space<vmem_shared>>
        %dma_wait3A_135 = arith.constant 0 : i32
        %dma_wait3A_136 = tpu.memref_slice %arg10[%mul3A_116, %dma_wait3A_135] : memref<10000x128xf32, #tpu.memory_space<vmem_shared>> -> memref<80x128xf32, #tpu.memory_space<vmem_shared>>
        tpu.wait_dma2 semaphore(%run_scoped3A : memref<!tpu.dma_semaphore, #tpu.memory_space<semaphore_mem>>) src(%dma_wait3A_136 : memref<80x128xf32, #tpu.memory_space<vmem_shared>>) dst(%arg7 : memref<80x128xf32, #tpu.memory_space<vmem>>)
        tpu.yield
      }) : () -> ()
      %mul3A_117 = arith.constant 10000 : i32
      %mul3A_118 = arith.muli %arg0, %mul3A_117 : i32
      %mul3A_119 = arith.constant 80 : i32
      %mul3A_120 = arith.muli %add3A_55, %mul3A_119 : i32
      %add3A_121 = arith.addi %mul3A_118, %mul3A_120 : i32
      %dma_start3A_122 = arith.constant 1 : i32
      %dma_start3A_123 = arith.constant 0 : i32
      %dma_start3A_124 = tpu.memref_slice %arg5[%add3A_121, %dma_start3A_123] : memref<20000x128xf32, #tpu.memory_space<hbm>> -> memref<80x128xf32, #tpu.memory_space<hbm>>
      %dma_start3A_125 = tpu.memref_slice %arg11[%dma_start3A_122] : memref<2x!tpu.dma_semaphore, #tpu.memory_space<semaphore_mem>> -> memref<1x!tpu.dma_semaphore, #tpu.memory_space<semaphore_mem>>
      %dma_start3A_126 = tpu.memref_squeeze %dma_start3A_125 : memref<1x!tpu.dma_semaphore, #tpu.memory_space<semaphore_mem>> -> memref<!tpu.dma_semaphore, #tpu.memory_space<semaphore_mem>>
      %dma_start3A_127 = arith.constant 0 : i32
      %dma_start3A_128 = tpu.memref_slice %arg5[%add3A_121, %dma_start3A_127] : memref<20000x128xf32, #tpu.memory_space<hbm>> -> memref<80x128xf32, #tpu.memory_space<hbm>>
      tpu.enqueue_dma source(%arg7 : memref<80x128xf32, #tpu.memory_space<vmem>>) target(%dma_start3A_128 : memref<80x128xf32, #tpu.memory_space<hbm>>) target_semaphore(%dma_start3A_126 : memref<!tpu.dma_semaphore, #tpu.memory_space<semaphore_mem>>)
    } else {
    }
    %add3A_61 = arith.constant 64 : i32
    %add3A_62 = arith.addi %arg1, %add3A_61 : i32
    %lt3A_63 = arith.constant 125 : i32
    %lt3A_64 = arith.cmpi slt, %add3A_62, %lt3A_63 : i32
    %convert_element_type3A_65 = arith.extui %lt3A_64 : i1 to i32
    %cond3A_66 = arith.constant 0 : i32
    %cond3A_67 = arith.cmpi ne, %convert_element_type3A_65, %cond3A_66 : i32
    scf.if %cond3A_67 {
      %mul3A_103 = arith.constant 10000 : i32
      %mul3A_104 = arith.muli %arg0, %mul3A_103 : i32
      %sub3A = arith.constant 32 : i32
      %sub3A_105 = arith.subi %add3A_62, %sub3A : i32
      %mul3A_106 = arith.constant 80 : i32
      %mul3A_107 = arith.muli %sub3A_105, %mul3A_106 : i32
      %add3A_108 = arith.addi %mul3A_104, %mul3A_107 : i32
      %dma_wait3A = arith.constant 0 : i32
      %dma_wait3A_109 = arith.constant 0 : i32
      %dma_wait3A_110 = tpu.memref_slice %arg5[%add3A_108, %dma_wait3A_109] : memref<20000x128xf32, #tpu.memory_space<hbm>> -> memref<80x128xf32, #tpu.memory_space<hbm>>
      %dma_wait3A_111 = tpu.memref_slice %arg11[%dma_wait3A] : memref<2x!tpu.dma_semaphore, #tpu.memory_space<semaphore_mem>> -> memref<1x!tpu.dma_semaphore, #tpu.memory_space<semaphore_mem>>
      %dma_wait3A_112 = tpu.memref_squeeze %dma_wait3A_111 : memref<1x!tpu.dma_semaphore, #tpu.memory_space<semaphore_mem>> -> memref<!tpu.dma_semaphore, #tpu.memory_space<semaphore_mem>>
      %dma_wait3A_113 = arith.constant 0 : i32
      %dma_wait3A_114 = tpu.memref_slice %arg5[%add3A_108, %dma_wait3A_113] : memref<20000x128xf32, #tpu.memory_space<hbm>> -> memref<80x128xf32, #tpu.memory_space<hbm>>
      tpu.wait_dma2 semaphore(%dma_wait3A_112 : memref<!tpu.dma_semaphore, #tpu.memory_space<semaphore_mem>>) src(%arg6 : memref<80x128xf32, #tpu.memory_space<vmem>>) dst(%dma_wait3A_114 : memref<80x128xf32, #tpu.memory_space<hbm>>)
      %mul3A_115 = arith.constant 80 : i32
      %mul3A_116 = arith.muli %add3A_62, %mul3A_115 : i32
      "tpu.region"() ({
        %run_scoped3A = tpu.sem_alloc : memref<!tpu.dma_semaphore, #tpu.memory_space<semaphore_mem>>
        %dma_start3A_129 = arith.constant 0 : i32
        %dma_start3A_130 = tpu.memref_slice %arg10[%mul3A_116, %dma_start3A_129] : memref<10000x128xf32, #tpu.memory_space<vmem_shared>> -> memref<80x128xf32, #tpu.memory_space<vmem_shared>>
        %dma_start3A_131 = arith.constant 0 : i32
        %dma_start3A_132 = tpu.memref_slice %arg10[%mul3A_116, %dma_start3A_131] : memref<10000x128xf32, #tpu.memory_space<vmem_shared>> -> memref<80x128xf32, #tpu.memory_space<vmem_shared>>
        tpu.enqueue_dma source(%dma_start3A_132 : memref<80x128xf32, #tpu.memory_space<vmem_shared>>) target(%arg6 : memref<80x128xf32, #tpu.memory_space<vmem>>) target_semaphore(%run_scoped3A : memref<!tpu.dma_semaphore, #tpu.memory_space<semaphore_mem>>)
        %dma_wait3A_133 = arith.constant 0 : i32
        %dma_wait3A_134 = tpu.memref_slice %arg10[%mul3A_116, %dma_wait3A_133] : memref<10000x128xf32, #tpu.memory_space<vmem_shared>> -> memref<80x128xf32, #tpu.memory_space<vmem_shared>>
        %dma_wait3A_135 = arith.constant 0 : i32
        %dma_wait3A_136 = tpu.memref_slice %arg10[%mul3A_116, %dma_wait3A_135] : memref<10000x128xf32, #tpu.memory_space<vmem_shared>> -> memref<80x128xf32, #tpu.memory_space<vmem_shared>>
        tpu.wait_dma2 semaphore(%run_scoped3A : memref<!tpu.dma_semaphore, #tpu.memory_space<semaphore_mem>>) src(%dma_wait3A_136 : memref<80x128xf32, #tpu.memory_space<vmem_shared>>) dst(%arg6 : memref<80x128xf32, #tpu.memory_space<vmem>>)
        tpu.yield
      }) : () -> ()
      %mul3A_117 = arith.constant 10000 : i32
      %mul3A_118 = arith.muli %arg0, %mul3A_117 : i32
      %mul3A_119 = arith.constant 80 : i32
      %mul3A_120 = arith.muli %add3A_62, %mul3A_119 : i32
      %add3A_121 = arith.addi %mul3A_118, %mul3A_120 : i32
      %dma_start3A_122 = arith.constant 0 : i32
      %dma_start3A_123 = arith.constant 0 : i32
      %dma_start3A_124 = tpu.memref_slice %arg5[%add3A_121, %dma_start3A_123] : memref<20000x128xf32, #tpu.memory_space<hbm>> -> memref<80x128xf32, #tpu.memory_space<hbm>>
      %dma_start3A_125 = tpu.memref_slice %arg11[%dma_start3A_122] : memref<2x!tpu.dma_semaphore, #tpu.memory_space<semaphore_mem>> -> memref<1x!tpu.dma_semaphore, #tpu.memory_space<semaphore_mem>>
      %dma_start3A_126 = tpu.memref_squeeze %dma_start3A_125 : memref<1x!tpu.dma_semaphore, #tpu.memory_space<semaphore_mem>> -> memref<!tpu.dma_semaphore, #tpu.memory_space<semaphore_mem>>
      %dma_start3A_127 = arith.constant 0 : i32
      %dma_start3A_128 = tpu.memref_slice %arg5[%add3A_121, %dma_start3A_127] : memref<20000x128xf32, #tpu.memory_space<hbm>> -> memref<80x128xf32, #tpu.memory_space<hbm>>
      tpu.enqueue_dma source(%arg6 : memref<80x128xf32, #tpu.memory_space<vmem>>) target(%dma_start3A_128 : memref<80x128xf32, #tpu.memory_space<hbm>>) target_semaphore(%dma_start3A_126 : memref<!tpu.dma_semaphore, #tpu.memory_space<semaphore_mem>>)
    } else {
    }
    %add3A_68 = arith.constant 80 : i32
    %add3A_69 = arith.addi %arg1, %add3A_68 : i32
    %lt3A_70 = arith.constant 125 : i32
    %lt3A_71 = arith.cmpi slt, %add3A_69, %lt3A_70 : i32
    %convert_element_type3A_72 = arith.extui %lt3A_71 : i1 to i32
    %cond3A_73 = arith.constant 0 : i32
    %cond3A_74 = arith.cmpi ne, %convert_element_type3A_72, %cond3A_73 : i32
    scf.if %cond3A_74 {
      %mul3A_103 = arith.constant 10000 : i32
      %mul3A_104 = arith.muli %arg0, %mul3A_103 : i32
      %sub3A = arith.constant 32 : i32
      %sub3A_105 = arith.subi %add3A_69, %sub3A : i32
      %mul3A_106 = arith.constant 80 : i32
      %mul3A_107 = arith.muli %sub3A_105, %mul3A_106 : i32
      %add3A_108 = arith.addi %mul3A_104, %mul3A_107 : i32
      %dma_wait3A = arith.constant 1 : i32
      %dma_wait3A_109 = arith.constant 0 : i32
      %dma_wait3A_110 = tpu.memref_slice %arg5[%add3A_108, %dma_wait3A_109] : memref<20000x128xf32, #tpu.memory_space<hbm>> -> memref<80x128xf32, #tpu.memory_space<hbm>>
      %dma_wait3A_111 = tpu.memref_slice %arg11[%dma_wait3A] : memref<2x!tpu.dma_semaphore, #tpu.memory_space<semaphore_mem>> -> memref<1x!tpu.dma_semaphore, #tpu.memory_space<semaphore_mem>>
      %dma_wait3A_112 = tpu.memref_squeeze %dma_wait3A_111 : memref<1x!tpu.dma_semaphore, #tpu.memory_space<semaphore_mem>> -> memref<!tpu.dma_semaphore, #tpu.memory_space<semaphore_mem>>
      %dma_wait3A_113 = arith.constant 0 : i32
      %dma_wait3A_114 = tpu.memref_slice %arg5[%add3A_108, %dma_wait3A_113] : memref<20000x128xf32, #tpu.memory_space<hbm>> -> memref<80x128xf32, #tpu.memory_space<hbm>>
      tpu.wait_dma2 semaphore(%dma_wait3A_112 : memref<!tpu.dma_semaphore, #tpu.memory_space<semaphore_mem>>) src(%arg7 : memref<80x128xf32, #tpu.memory_space<vmem>>) dst(%dma_wait3A_114 : memref<80x128xf32, #tpu.memory_space<hbm>>)
      %mul3A_115 = arith.constant 80 : i32
      %mul3A_116 = arith.muli %add3A_69, %mul3A_115 : i32
      "tpu.region"() ({
        %run_scoped3A = tpu.sem_alloc : memref<!tpu.dma_semaphore, #tpu.memory_space<semaphore_mem>>
        %dma_start3A_129 = arith.constant 0 : i32
        %dma_start3A_130 = tpu.memref_slice %arg10[%mul3A_116, %dma_start3A_129] : memref<10000x128xf32, #tpu.memory_space<vmem_shared>> -> memref<80x128xf32, #tpu.memory_space<vmem_shared>>
        %dma_start3A_131 = arith.constant 0 : i32
        %dma_start3A_132 = tpu.memref_slice %arg10[%mul3A_116, %dma_start3A_131] : memref<10000x128xf32, #tpu.memory_space<vmem_shared>> -> memref<80x128xf32, #tpu.memory_space<vmem_shared>>
        tpu.enqueue_dma source(%dma_start3A_132 : memref<80x128xf32, #tpu.memory_space<vmem_shared>>) target(%arg7 : memref<80x128xf32, #tpu.memory_space<vmem>>) target_semaphore(%run_scoped3A : memref<!tpu.dma_semaphore, #tpu.memory_space<semaphore_mem>>)
        %dma_wait3A_133 = arith.constant 0 : i32
        %dma_wait3A_134 = tpu.memref_slice %arg10[%mul3A_116, %dma_wait3A_133] : memref<10000x128xf32, #tpu.memory_space<vmem_shared>> -> memref<80x128xf32, #tpu.memory_space<vmem_shared>>
        %dma_wait3A_135 = arith.constant 0 : i32
        %dma_wait3A_136 = tpu.memref_slice %arg10[%mul3A_116, %dma_wait3A_135] : memref<10000x128xf32, #tpu.memory_space<vmem_shared>> -> memref<80x128xf32, #tpu.memory_space<vmem_shared>>
        tpu.wait_dma2 semaphore(%run_scoped3A : memref<!tpu.dma_semaphore, #tpu.memory_space<semaphore_mem>>) src(%dma_wait3A_136 : memref<80x128xf32, #tpu.memory_space<vmem_shared>>) dst(%arg7 : memref<80x128xf32, #tpu.memory_space<vmem>>)
        tpu.yield
      }) : () -> ()
      %mul3A_117 = arith.constant 10000 : i32
      %mul3A_118 = arith.muli %arg0, %mul3A_117 : i32
      %mul3A_119 = arith.constant 80 : i32
      %mul3A_120 = arith.muli %add3A_69, %mul3A_119 : i32
      %add3A_121 = arith.addi %mul3A_118, %mul3A_120 : i32
      %dma_start3A_122 = arith.constant 1 : i32
      %dma_start3A_123 = arith.constant 0 : i32
      %dma_start3A_124 = tpu.memref_slice %arg5[%add3A_121, %dma_start3A_123] : memref<20000x128xf32, #tpu.memory_space<hbm>> -> memref<80x128xf32, #tpu.memory_space<hbm>>
      %dma_start3A_125 = tpu.memref_slice %arg11[%dma_start3A_122] : memref<2x!tpu.dma_semaphore, #tpu.memory_space<semaphore_mem>> -> memref<1x!tpu.dma_semaphore, #tpu.memory_space<semaphore_mem>>
      %dma_start3A_126 = tpu.memref_squeeze %dma_start3A_125 : memref<1x!tpu.dma_semaphore, #tpu.memory_space<semaphore_mem>> -> memref<!tpu.dma_semaphore, #tpu.memory_space<semaphore_mem>>
      %dma_start3A_127 = arith.constant 0 : i32
      %dma_start3A_128 = tpu.memref_slice %arg5[%add3A_121, %dma_start3A_127] : memref<20000x128xf32, #tpu.memory_space<hbm>> -> memref<80x128xf32, #tpu.memory_space<hbm>>
      tpu.enqueue_dma source(%arg7 : memref<80x128xf32, #tpu.memory_space<vmem>>) target(%dma_start3A_128 : memref<80x128xf32, #tpu.memory_space<hbm>>) target_semaphore(%dma_start3A_126 : memref<!tpu.dma_semaphore, #tpu.memory_space<semaphore_mem>>)
    } else {
    }
    %add3A_75 = arith.constant 96 : i32
    %add3A_76 = arith.addi %arg1, %add3A_75 : i32
    %lt3A_77 = arith.constant 125 : i32
    %lt3A_78 = arith.cmpi slt, %add3A_76, %lt3A_77 : i32
    %convert_element_type3A_79 = arith.extui %lt3A_78 : i1 to i32
    %cond3A_80 = arith.constant 0 : i32
    %cond3A_81 = arith.cmpi ne, %convert_element_type3A_79, %cond3A_80 : i32
    scf.if %cond3A_81 {
      %mul3A_103 = arith.constant 10000 : i32
      %mul3A_104 = arith.muli %arg0, %mul3A_103 : i32
      %sub3A = arith.constant 32 : i32
      %sub3A_105 = arith.subi %add3A_76, %sub3A : i32
      %mul3A_106 = arith.constant 80 : i32
      %mul3A_107 = arith.muli %sub3A_105, %mul3A_106 : i32
      %add3A_108 = arith.addi %mul3A_104, %mul3A_107 : i32
      %dma_wait3A = arith.constant 0 : i32
      %dma_wait3A_109 = arith.constant 0 : i32
      %dma_wait3A_110 = tpu.memref_slice %arg5[%add3A_108, %dma_wait3A_109] : memref<20000x128xf32, #tpu.memory_space<hbm>> -> memref<80x128xf32, #tpu.memory_space<hbm>>
      %dma_wait3A_111 = tpu.memref_slice %arg11[%dma_wait3A] : memref<2x!tpu.dma_semaphore, #tpu.memory_space<semaphore_mem>> -> memref<1x!tpu.dma_semaphore, #tpu.memory_space<semaphore_mem>>
      %dma_wait3A_112 = tpu.memref_squeeze %dma_wait3A_111 : memref<1x!tpu.dma_semaphore, #tpu.memory_space<semaphore_mem>> -> memref<!tpu.dma_semaphore, #tpu.memory_space<semaphore_mem>>
      %dma_wait3A_113 = arith.constant 0 : i32
      %dma_wait3A_114 = tpu.memref_slice %arg5[%add3A_108, %dma_wait3A_113] : memref<20000x128xf32, #tpu.memory_space<hbm>> -> memref<80x128xf32, #tpu.memory_space<hbm>>
      tpu.wait_dma2 semaphore(%dma_wait3A_112 : memref<!tpu.dma_semaphore, #tpu.memory_space<semaphore_mem>>) src(%arg6 : memref<80x128xf32, #tpu.memory_space<vmem>>) dst(%dma_wait3A_114 : memref<80x128xf32, #tpu.memory_space<hbm>>)
      %mul3A_115 = arith.constant 80 : i32
      %mul3A_116 = arith.muli %add3A_76, %mul3A_115 : i32
      "tpu.region"() ({
        %run_scoped3A = tpu.sem_alloc : memref<!tpu.dma_semaphore, #tpu.memory_space<semaphore_mem>>
        %dma_start3A_129 = arith.constant 0 : i32
        %dma_start3A_130 = tpu.memref_slice %arg10[%mul3A_116, %dma_start3A_129] : memref<10000x128xf32, #tpu.memory_space<vmem_shared>> -> memref<80x128xf32, #tpu.memory_space<vmem_shared>>
        %dma_start3A_131 = arith.constant 0 : i32
        %dma_start3A_132 = tpu.memref_slice %arg10[%mul3A_116, %dma_start3A_131] : memref<10000x128xf32, #tpu.memory_space<vmem_shared>> -> memref<80x128xf32, #tpu.memory_space<vmem_shared>>
        tpu.enqueue_dma source(%dma_start3A_132 : memref<80x128xf32, #tpu.memory_space<vmem_shared>>) target(%arg6 : memref<80x128xf32, #tpu.memory_space<vmem>>) target_semaphore(%run_scoped3A : memref<!tpu.dma_semaphore, #tpu.memory_space<semaphore_mem>>)
        %dma_wait3A_133 = arith.constant 0 : i32
        %dma_wait3A_134 = tpu.memref_slice %arg10[%mul3A_116, %dma_wait3A_133] : memref<10000x128xf32, #tpu.memory_space<vmem_shared>> -> memref<80x128xf32, #tpu.memory_space<vmem_shared>>
        %dma_wait3A_135 = arith.constant 0 : i32
        %dma_wait3A_136 = tpu.memref_slice %arg10[%mul3A_116, %dma_wait3A_135] : memref<10000x128xf32, #tpu.memory_space<vmem_shared>> -> memref<80x128xf32, #tpu.memory_space<vmem_shared>>
        tpu.wait_dma2 semaphore(%run_scoped3A : memref<!tpu.dma_semaphore, #tpu.memory_space<semaphore_mem>>) src(%dma_wait3A_136 : memref<80x128xf32, #tpu.memory_space<vmem_shared>>) dst(%arg6 : memref<80x128xf32, #tpu.memory_space<vmem>>)
        tpu.yield
      }) : () -> ()
      %mul3A_117 = arith.constant 10000 : i32
      %mul3A_118 = arith.muli %arg0, %mul3A_117 : i32
      %mul3A_119 = arith.constant 80 : i32
      %mul3A_120 = arith.muli %add3A_76, %mul3A_119 : i32
      %add3A_121 = arith.addi %mul3A_118, %mul3A_120 : i32
      %dma_start3A_122 = arith.constant 0 : i32
      %dma_start3A_123 = arith.constant 0 : i32
      %dma_start3A_124 = tpu.memref_slice %arg5[%add3A_121, %dma_start3A_123] : memref<20000x128xf32, #tpu.memory_space<hbm>> -> memref<80x128xf32, #tpu.memory_space<hbm>>
      %dma_start3A_125 = tpu.memref_slice %arg11[%dma_start3A_122] : memref<2x!tpu.dma_semaphore, #tpu.memory_space<semaphore_mem>> -> memref<1x!tpu.dma_semaphore, #tpu.memory_space<semaphore_mem>>
      %dma_start3A_126 = tpu.memref_squeeze %dma_start3A_125 : memref<1x!tpu.dma_semaphore, #tpu.memory_space<semaphore_mem>> -> memref<!tpu.dma_semaphore, #tpu.memory_space<semaphore_mem>>
      %dma_start3A_127 = arith.constant 0 : i32
      %dma_start3A_128 = tpu.memref_slice %arg5[%add3A_121, %dma_start3A_127] : memref<20000x128xf32, #tpu.memory_space<hbm>> -> memref<80x128xf32, #tpu.memory_space<hbm>>
      tpu.enqueue_dma source(%arg6 : memref<80x128xf32, #tpu.memory_space<vmem>>) target(%dma_start3A_128 : memref<80x128xf32, #tpu.memory_space<hbm>>) target_semaphore(%dma_start3A_126 : memref<!tpu.dma_semaphore, #tpu.memory_space<semaphore_mem>>)
    } else {
    }
    %add3A_82 = arith.constant 112 : i32
    %add3A_83 = arith.addi %arg1, %add3A_82 : i32
    %lt3A_84 = arith.constant 125 : i32
    %lt3A_85 = arith.cmpi slt, %add3A_83, %lt3A_84 : i32
    %convert_element_type3A_86 = arith.extui %lt3A_85 : i1 to i32
    %cond3A_87 = arith.constant 0 : i32
    %cond3A_88 = arith.cmpi ne, %convert_element_type3A_86, %cond3A_87 : i32
    scf.if %cond3A_88 {
      %mul3A_103 = arith.constant 10000 : i32
      %mul3A_104 = arith.muli %arg0, %mul3A_103 : i32
      %sub3A = arith.constant 32 : i32
      %sub3A_105 = arith.subi %add3A_83, %sub3A : i32
      %mul3A_106 = arith.constant 80 : i32
      %mul3A_107 = arith.muli %sub3A_105, %mul3A_106 : i32
      %add3A_108 = arith.addi %mul3A_104, %mul3A_107 : i32
      %dma_wait3A = arith.constant 1 : i32
      %dma_wait3A_109 = arith.constant 0 : i32
      %dma_wait3A_110 = tpu.memref_slice %arg5[%add3A_108, %dma_wait3A_109] : memref<20000x128xf32, #tpu.memory_space<hbm>> -> memref<80x128xf32, #tpu.memory_space<hbm>>
      %dma_wait3A_111 = tpu.memref_slice %arg11[%dma_wait3A] : memref<2x!tpu.dma_semaphore, #tpu.memory_space<semaphore_mem>> -> memref<1x!tpu.dma_semaphore, #tpu.memory_space<semaphore_mem>>
      %dma_wait3A_112 = tpu.memref_squeeze %dma_wait3A_111 : memref<1x!tpu.dma_semaphore, #tpu.memory_space<semaphore_mem>> -> memref<!tpu.dma_semaphore, #tpu.memory_space<semaphore_mem>>
      %dma_wait3A_113 = arith.constant 0 : i32
      %dma_wait3A_114 = tpu.memref_slice %arg5[%add3A_108, %dma_wait3A_113] : memref<20000x128xf32, #tpu.memory_space<hbm>> -> memref<80x128xf32, #tpu.memory_space<hbm>>
      tpu.wait_dma2 semaphore(%dma_wait3A_112 : memref<!tpu.dma_semaphore, #tpu.memory_space<semaphore_mem>>) src(%arg7 : memref<80x128xf32, #tpu.memory_space<vmem>>) dst(%dma_wait3A_114 : memref<80x128xf32, #tpu.memory_space<hbm>>)
      %mul3A_115 = arith.constant 80 : i32
      %mul3A_116 = arith.muli %add3A_83, %mul3A_115 : i32
      "tpu.region"() ({
        %run_scoped3A = tpu.sem_alloc : memref<!tpu.dma_semaphore, #tpu.memory_space<semaphore_mem>>
        %dma_start3A_129 = arith.constant 0 : i32
        %dma_start3A_130 = tpu.memref_slice %arg10[%mul3A_116, %dma_start3A_129] : memref<10000x128xf32, #tpu.memory_space<vmem_shared>> -> memref<80x128xf32, #tpu.memory_space<vmem_shared>>
        %dma_start3A_131 = arith.constant 0 : i32
        %dma_start3A_132 = tpu.memref_slice %arg10[%mul3A_116, %dma_start3A_131] : memref<10000x128xf32, #tpu.memory_space<vmem_shared>> -> memref<80x128xf32, #tpu.memory_space<vmem_shared>>
        tpu.enqueue_dma source(%dma_start3A_132 : memref<80x128xf32, #tpu.memory_space<vmem_shared>>) target(%arg7 : memref<80x128xf32, #tpu.memory_space<vmem>>) target_semaphore(%run_scoped3A : memref<!tpu.dma_semaphore, #tpu.memory_space<semaphore_mem>>)
        %dma_wait3A_133 = arith.constant 0 : i32
        %dma_wait3A_134 = tpu.memref_slice %arg10[%mul3A_116, %dma_wait3A_133] : memref<10000x128xf32, #tpu.memory_space<vmem_shared>> -> memref<80x128xf32, #tpu.memory_space<vmem_shared>>
        %dma_wait3A_135 = arith.constant 0 : i32
        %dma_wait3A_136 = tpu.memref_slice %arg10[%mul3A_116, %dma_wait3A_135] : memref<10000x128xf32, #tpu.memory_space<vmem_shared>> -> memref<80x128xf32, #tpu.memory_space<vmem_shared>>
        tpu.wait_dma2 semaphore(%run_scoped3A : memref<!tpu.dma_semaphore, #tpu.memory_space<semaphore_mem>>) src(%dma_wait3A_136 : memref<80x128xf32, #tpu.memory_space<vmem_shared>>) dst(%arg7 : memref<80x128xf32, #tpu.memory_space<vmem>>)
        tpu.yield
      }) : () -> ()
      %mul3A_117 = arith.constant 10000 : i32
      %mul3A_118 = arith.muli %arg0, %mul3A_117 : i32
      %mul3A_119 = arith.constant 80 : i32
      %mul3A_120 = arith.muli %add3A_83, %mul3A_119 : i32
      %add3A_121 = arith.addi %mul3A_118, %mul3A_120 : i32
      %dma_start3A_122 = arith.constant 1 : i32
      %dma_start3A_123 = arith.constant 0 : i32
      %dma_start3A_124 = tpu.memref_slice %arg5[%add3A_121, %dma_start3A_123] : memref<20000x128xf32, #tpu.memory_space<hbm>> -> memref<80x128xf32, #tpu.memory_space<hbm>>
      %dma_start3A_125 = tpu.memref_slice %arg11[%dma_start3A_122] : memref<2x!tpu.dma_semaphore, #tpu.memory_space<semaphore_mem>> -> memref<1x!tpu.dma_semaphore, #tpu.memory_space<semaphore_mem>>
      %dma_start3A_126 = tpu.memref_squeeze %dma_start3A_125 : memref<1x!tpu.dma_semaphore, #tpu.memory_space<semaphore_mem>> -> memref<!tpu.dma_semaphore, #tpu.memory_space<semaphore_mem>>
      %dma_start3A_127 = arith.constant 0 : i32
      %dma_start3A_128 = tpu.memref_slice %arg5[%add3A_121, %dma_start3A_127] : memref<20000x128xf32, #tpu.memory_space<hbm>> -> memref<80x128xf32, #tpu.memory_space<hbm>>
      tpu.enqueue_dma source(%arg7 : memref<80x128xf32, #tpu.memory_space<vmem>>) target(%dma_start3A_128 : memref<80x128xf32, #tpu.memory_space<hbm>>) target_semaphore(%dma_start3A_126 : memref<!tpu.dma_semaphore, #tpu.memory_space<semaphore_mem>>)
    } else {
    }
    %add3A_89 = arith.constant 96 : i32
    %add3A_90 = arith.addi %arg1, %add3A_89 : i32
    %lt3A_91 = arith.constant 125 : i32
    %lt3A_92 = arith.cmpi slt, %add3A_90, %lt3A_91 : i32
    %convert_element_type3A_93 = arith.extui %lt3A_92 : i1 to i32
    %cond3A_94 = arith.constant 0 : i32
    %cond3A_95 = arith.cmpi ne, %convert_element_type3A_93, %cond3A_94 : i32
    scf.if %cond3A_95 {
      %mul3A_103 = arith.constant 10000 : i32
      %mul3A_104 = arith.muli %arg0, %mul3A_103 : i32
      %mul3A_105 = arith.constant 80 : i32
      %mul3A_106 = arith.muli %add3A_90, %mul3A_105 : i32
      %add3A_107 = arith.addi %mul3A_104, %mul3A_106 : i32
      %dma_wait3A = arith.constant 0 : i32
      %dma_wait3A_108 = arith.constant 0 : i32
      %dma_wait3A_109 = tpu.memref_slice %arg5[%add3A_107, %dma_wait3A_108] : memref<20000x128xf32, #tpu.memory_space<hbm>> -> memref<80x128xf32, #tpu.memory_space<hbm>>
      %dma_wait3A_110 = tpu.memref_slice %arg11[%dma_wait3A] : memref<2x!tpu.dma_semaphore, #tpu.memory_space<semaphore_mem>> -> memref<1x!tpu.dma_semaphore, #tpu.memory_space<semaphore_mem>>
      %dma_wait3A_111 = tpu.memref_squeeze %dma_wait3A_110 : memref<1x!tpu.dma_semaphore, #tpu.memory_space<semaphore_mem>> -> memref<!tpu.dma_semaphore, #tpu.memory_space<semaphore_mem>>
      %dma_wait3A_112 = arith.constant 0 : i32
      %dma_wait3A_113 = tpu.memref_slice %arg5[%add3A_107, %dma_wait3A_112] : memref<20000x128xf32, #tpu.memory_space<hbm>> -> memref<80x128xf32, #tpu.memory_space<hbm>>
      tpu.wait_dma2 semaphore(%dma_wait3A_111 : memref<!tpu.dma_semaphore, #tpu.memory_space<semaphore_mem>>) src(%arg6 : memref<80x128xf32, #tpu.memory_space<vmem>>) dst(%dma_wait3A_113 : memref<80x128xf32, #tpu.memory_space<hbm>>)
    } else {
    }
    %add3A_96 = arith.constant 112 : i32
    %add3A_97 = arith.addi %arg1, %add3A_96 : i32
    %lt3A_98 = arith.constant 125 : i32
    %lt3A_99 = arith.cmpi slt, %add3A_97, %lt3A_98 : i32
    %convert_element_type3A_100 = arith.extui %lt3A_99 : i1 to i32
    %cond3A_101 = arith.constant 0 : i32
    %cond3A_102 = arith.cmpi ne, %convert_element_type3A_100, %cond3A_101 : i32
    scf.if %cond3A_102 {
      %mul3A_103 = arith.constant 10000 : i32
      %mul3A_104 = arith.muli %arg0, %mul3A_103 : i32
      %mul3A_105 = arith.constant 80 : i32
      %mul3A_106 = arith.muli %add3A_97, %mul3A_105 : i32
      %add3A_107 = arith.addi %mul3A_104, %mul3A_106 : i32
      %dma_wait3A = arith.constant 1 : i32
      %dma_wait3A_108 = arith.constant 0 : i32
      %dma_wait3A_109 = tpu.memref_slice %arg5[%add3A_107, %dma_wait3A_108] : memref<20000x128xf32, #tpu.memory_space<hbm>> -> memref<80x128xf32, #tpu.memory_space<hbm>>
      %dma_wait3A_110 = tpu.memref_slice %arg11[%dma_wait3A] : memref<2x!tpu.dma_semaphore, #tpu.memory_space<semaphore_mem>> -> memref<1x!tpu.dma_semaphore, #tpu.memory_space<semaphore_mem>>
      %dma_wait3A_111 = tpu.memref_squeeze %dma_wait3A_110 : memref<1x!tpu.dma_semaphore, #tpu.memory_space<semaphore_mem>> -> memref<!tpu.dma_semaphore, #tpu.memory_space<semaphore_mem>>
      %dma_wait3A_112 = arith.constant 0 : i32
      %dma_wait3A_113 = tpu.memref_slice %arg5[%add3A_107, %dma_wait3A_112] : memref<20000x128xf32, #tpu.memory_space<hbm>> -> memref<80x128xf32, #tpu.memory_space<hbm>>
      tpu.wait_dma2 semaphore(%dma_wait3A_111 : memref<!tpu.dma_semaphore, #tpu.memory_space<semaphore_mem>>) src(%arg7 : memref<80x128xf32, #tpu.memory_space<vmem>>) dst(%dma_wait3A_113 : memref<80x128xf32, #tpu.memory_space<hbm>>)
    } else {
    }
    return
  }
}

#map = affine_map<(d0, d1) -> (0, 0)>
#map1 = affine_map<(d0, d1) -> (0)>
#map2 = affine_map<(d0, d1) -> (0, 0, 0)>
module attributes {stable_mosaic.version = 14 : i64} {
  func.func @_sc_scatter_body(%arg0: i32, %arg1: i32, %arg2: memref<10000x128xf32, #tpu.memory_space<hbm>>, %arg3: memref<320000xi32, #tpu.memory_space<hbm>>, %arg4: memref<32x125x80xi32, #tpu.memory_space<hbm>>, %arg5: memref<20000x128xf32, #tpu.memory_space<hbm>>, %arg6: memref<80x128xf32, #tpu.memory_space<vmem>>, %arg7: memref<80x128xf32, #tpu.memory_space<vmem>>, %arg8: memref<10000xi32, #tpu.memory_space<vmem>>, %arg9: memref<125x80xi32, #tpu.memory_space<vmem>>, %arg10: memref<10000x128xf32, #tpu.memory_space<vmem_shared>>, %arg11: memref<2x!tpu.dma_semaphore, #tpu.memory_space<semaphore_mem>>) attributes {dimension_semantics = [#tpu.dimension_semantics<core_parallel>, #tpu.dimension_semantics<subcore_parallel>], iteration_bounds = array<i64: 2, 16>, scalar_prefetch = 0 : i64, scratch_operands = 6 : i64, tpu.core_type = #tpu.core_type<sc_vector_subcore>, window_params = [{transform_indices = #map}, {transform_indices = #map1}, {transform_indices = #map2}, {transform_indices = #map}]} {
    %mul3A = arith.constant 2 : i32
    %mul3A_0 = arith.muli %arg1, %mul3A : i32
    %add3A = arith.addi %mul3A_0, %arg0 : i32
    %mul3A_1 = arith.constant 10000 : i32
    %mul3A_2 = arith.muli %add3A, %mul3A_1 : i32
    "tpu.region"() ({
      %run_scoped3A = tpu.sem_alloc : memref<!tpu.dma_semaphore, #tpu.memory_space<semaphore_mem>>
      %dma_start3A_103 = tpu.memref_slice %arg3[%mul3A_2] : memref<320000xi32, #tpu.memory_space<hbm>> -> memref<10000xi32, #tpu.memory_space<hbm>>
      %dma_start3A_104 = tpu.memref_slice %arg3[%mul3A_2] : memref<320000xi32, #tpu.memory_space<hbm>> -> memref<10000xi32, #tpu.memory_space<hbm>>
      tpu.enqueue_dma source(%dma_start3A_104 : memref<10000xi32, #tpu.memory_space<hbm>>) target(%arg8 : memref<10000xi32, #tpu.memory_space<vmem>>) target_semaphore(%run_scoped3A : memref<!tpu.dma_semaphore, #tpu.memory_space<semaphore_mem>>)
      %dma_wait3A = tpu.memref_slice %arg3[%mul3A_2] : memref<320000xi32, #tpu.memory_space<hbm>> -> memref<10000xi32, #tpu.memory_space<hbm>>
      %dma_wait3A_105 = tpu.memref_slice %arg3[%mul3A_2] : memref<320000xi32, #tpu.memory_space<hbm>> -> memref<10000xi32, #tpu.memory_space<hbm>>
      tpu.wait_dma2 semaphore(%run_scoped3A : memref<!tpu.dma_semaphore, #tpu.memory_space<semaphore_mem>>) src(%dma_wait3A_105 : memref<10000xi32, #tpu.memory_space<hbm>>) dst(%arg8 : memref<10000xi32, #tpu.memory_space<vmem>>)
      tpu.yield
    }) : () -> ()
    "tpu.region"() ({
      %run_scoped3A = tpu.sem_alloc : memref<!tpu.dma_semaphore, #tpu.memory_space<semaphore_mem>>
      %dma_start3A_103 = arith.constant 0 : i32
      %dma_start3A_104 = arith.constant 0 : i32
      %dma_start3A_105 = tpu.memref_slice %arg4[%add3A, %dma_start3A_103, %dma_start3A_104] : memref<32x125x80xi32, #tpu.memory_space<hbm>> -> memref<1x125x80xi32, #tpu.memory_space<hbm>>
      %dma_start3A_106 = tpu.memref_squeeze %dma_start3A_105 : memref<1x125x80xi32, #tpu.memory_space<hbm>> -> memref<125x80xi32, #tpu.memory_space<hbm>>
      %dma_start3A_107 = arith.constant 0 : i32
      %dma_start3A_108 = arith.constant 0 : i32
      %dma_start3A_109 = tpu.memref_slice %arg4[%add3A, %dma_start3A_107, %dma_start3A_108] : memref<32x125x80xi32, #tpu.memory_space<hbm>> -> memref<1x125x80xi32, #tpu.memory_space<hbm>>
      %dma_start3A_110 = tpu.memref_squeeze %dma_start3A_109 : memref<1x125x80xi32, #tpu.memory_space<hbm>> -> memref<125x80xi32, #tpu.memory_space<hbm>>
      tpu.enqueue_dma source(%dma_start3A_110 : memref<125x80xi32, #tpu.memory_space<hbm>>) target(%arg9 : memref<125x80xi32, #tpu.memory_space<vmem>>) target_semaphore(%run_scoped3A : memref<!tpu.dma_semaphore, #tpu.memory_space<semaphore_mem>>)
      %dma_wait3A = arith.constant 0 : i32
      %dma_wait3A_111 = arith.constant 0 : i32
      %dma_wait3A_112 = tpu.memref_slice %arg4[%add3A, %dma_wait3A, %dma_wait3A_111] : memref<32x125x80xi32, #tpu.memory_space<hbm>> -> memref<1x125x80xi32, #tpu.memory_space<hbm>>
      %dma_wait3A_113 = tpu.memref_squeeze %dma_wait3A_112 : memref<1x125x80xi32, #tpu.memory_space<hbm>> -> memref<125x80xi32, #tpu.memory_space<hbm>>
      %dma_wait3A_114 = arith.constant 0 : i32
      %dma_wait3A_115 = arith.constant 0 : i32
      %dma_wait3A_116 = tpu.memref_slice %arg4[%add3A, %dma_wait3A_114, %dma_wait3A_115] : memref<32x125x80xi32, #tpu.memory_space<hbm>> -> memref<1x125x80xi32, #tpu.memory_space<hbm>>
      %dma_wait3A_117 = tpu.memref_squeeze %dma_wait3A_116 : memref<1x125x80xi32, #tpu.memory_space<hbm>> -> memref<125x80xi32, #tpu.memory_space<hbm>>
      tpu.wait_dma2 semaphore(%run_scoped3A : memref<!tpu.dma_semaphore, #tpu.memory_space<semaphore_mem>>) src(%dma_wait3A_117 : memref<125x80xi32, #tpu.memory_space<hbm>>) dst(%arg9 : memref<125x80xi32, #tpu.memory_space<vmem>>)
      tpu.yield
    }) : () -> ()
    %scan3A = arith.constant 0 : i32
    %scan3A_3 = arith.constant 0 : i32
    %scan3A_4 = arith.constant 80 : i32
    %scan3A_5 = arith.addi %scan3A_3, %scan3A_4 : i32
    %scan3A_6 = arith.constant 1 : i32
    scf.for %scan3A_103 = %scan3A_3 to %scan3A_5 step %scan3A_6  : i32 {
      %broadcast_in_dim3A = arith.constant 0.000000e+00 : f32
      %broadcast_in_dim3A_104 = vector.broadcast %broadcast_in_dim3A : f32 to vector<16xf32>
      %swap3A = arith.index_cast %scan3A_103 : i32 to index
      %swap3A_105 = arith.constant 0 : index
      %swap3A_106 = tpu.vector_load %arg6[%swap3A, %swap3A_105] {strides = array<i32>} : memref<80x128xf32, #tpu.memory_space<vmem>>, vector<1x16xf32>,
      %swap3A_107 = vector.shape_cast %swap3A_106 : vector<1x16xf32> to vector<16xf32>
      %swap3A_108 = vector.shape_cast %broadcast_in_dim3A_104 : vector<16xf32> to vector<1x16xf32>
      tpu.vector_store %arg6[%swap3A, %swap3A_105], %swap3A_108 {strides = array<i32>} : memref<80x128xf32, #tpu.memory_space<vmem>>, vector<1x16xf32>,
      %broadcast_in_dim3A_109 = arith.constant 0.000000e+00 : f32
      %broadcast_in_dim3A_110 = vector.broadcast %broadcast_in_dim3A_109 : f32 to vector<16xf32>
      %swap3A_111 = arith.index_cast %scan3A_103 : i32 to index
      %swap3A_112 = arith.constant 16 : index
      %swap3A_113 = tpu.vector_load %arg6[%swap3A_111, %swap3A_112] {strides = array<i32>} : memref<80x128xf32, #tpu.memory_space<vmem>>, vector<1x16xf32>,
      %swap3A_114 = vector.shape_cast %swap3A_113 : vector<1x16xf32> to vector<16xf32>
      %swap3A_115 = vector.shape_cast %broadcast_in_dim3A_110 : vector<16xf32> to vector<1x16xf32>
      tpu.vector_store %arg6[%swap3A_111, %swap3A_112], %swap3A_115 {strides = array<i32>} : memref<80x128xf32, #tpu.memory_space<vmem>>, vector<1x16xf32>,
      %broadcast_in_dim3A_116 = arith.constant 0.000000e+00 : f32
      %broadcast_in_dim3A_117 = vector.broadcast %broadcast_in_dim3A_116 : f32 to vector<16xf32>
      %swap3A_118 = arith.index_cast %scan3A_103 : i32 to index
      %swap3A_119 = arith.constant 32 : index
      %swap3A_120 = tpu.vector_load %arg6[%swap3A_118, %swap3A_119] {strides = array<i32>} : memref<80x128xf32, #tpu.memory_space<vmem>>, vector<1x16xf32>,
      %swap3A_121 = vector.shape_cast %swap3A_120 : vector<1x16xf32> to vector<16xf32>
      %swap3A_122 = vector.shape_cast %broadcast_in_dim3A_117 : vector<16xf32> to vector<1x16xf32>
      tpu.vector_store %arg6[%swap3A_118, %swap3A_119], %swap3A_122 {strides = array<i32>} : memref<80x128xf32, #tpu.memory_space<vmem>>, vector<1x16xf32>,
      %broadcast_in_dim3A_123 = arith.constant 0.000000e+00 : f32
      %broadcast_in_dim3A_124 = vector.broadcast %broadcast_in_dim3A_123 : f32 to vector<16xf32>
      %swap3A_125 = arith.index_cast %scan3A_103 : i32 to index
      %swap3A_126 = arith.constant 48 : index
      %swap3A_127 = tpu.vector_load %arg6[%swap3A_125, %swap3A_126] {strides = array<i32>} : memref<80x128xf32, #tpu.memory_space<vmem>>, vector<1x16xf32>,
      %swap3A_128 = vector.shape_cast %swap3A_127 : vector<1x16xf32> to vector<16xf32>
      %swap3A_129 = vector.shape_cast %broadcast_in_dim3A_124 : vector<16xf32> to vector<1x16xf32>
      tpu.vector_store %arg6[%swap3A_125, %swap3A_126], %swap3A_129 {strides = array<i32>} : memref<80x128xf32, #tpu.memory_space<vmem>>, vector<1x16xf32>,
      %broadcast_in_dim3A_130 = arith.constant 0.000000e+00 : f32
      %broadcast_in_dim3A_131 = vector.broadcast %broadcast_in_dim3A_130 : f32 to vector<16xf32>
      %swap3A_132 = arith.index_cast %scan3A_103 : i32 to index
      %swap3A_133 = arith.constant 64 : index
      %swap3A_134 = tpu.vector_load %arg6[%swap3A_132, %swap3A_133] {strides = array<i32>} : memref<80x128xf32, #tpu.memory_space<vmem>>, vector<1x16xf32>,
      %swap3A_135 = vector.shape_cast %swap3A_134 : vector<1x16xf32> to vector<16xf32>
      %swap3A_136 = vector.shape_cast %broadcast_in_dim3A_131 : vector<16xf32> to vector<1x16xf32>
      tpu.vector_store %arg6[%swap3A_132, %swap3A_133], %swap3A_136 {strides = array<i32>} : memref<80x128xf32, #tpu.memory_space<vmem>>, vector<1x16xf32>,
      %broadcast_in_dim3A_137 = arith.constant 0.000000e+00 : f32
      %broadcast_in_dim3A_138 = vector.broadcast %broadcast_in_dim3A_137 : f32 to vector<16xf32>
      %swap3A_139 = arith.index_cast %scan3A_103 : i32 to index
      %swap3A_140 = arith.constant 80 : index
      %swap3A_141 = tpu.vector_load %arg6[%swap3A_139, %swap3A_140] {strides = array<i32>} : memref<80x128xf32, #tpu.memory_space<vmem>>, vector<1x16xf32>,
      %swap3A_142 = vector.shape_cast %swap3A_141 : vector<1x16xf32> to vector<16xf32>
      %swap3A_143 = vector.shape_cast %broadcast_in_dim3A_138 : vector<16xf32> to vector<1x16xf32>
      tpu.vector_store %arg6[%swap3A_139, %swap3A_140], %swap3A_143 {strides = array<i32>} : memref<80x128xf32, #tpu.memory_space<vmem>>, vector<1x16xf32>,
      %broadcast_in_dim3A_144 = arith.constant 0.000000e+00 : f32
      %broadcast_in_dim3A_145 = vector.broadcast %broadcast_in_dim3A_144 : f32 to vector<16xf32>
      %swap3A_146 = arith.index_cast %scan3A_103 : i32 to index
      %swap3A_147 = arith.constant 96 : index
      %swap3A_148 = tpu.vector_load %arg6[%swap3A_146, %swap3A_147] {strides = array<i32>} : memref<80x128xf32, #tpu.memory_space<vmem>>, vector<1x16xf32>,
      %swap3A_149 = vector.shape_cast %swap3A_148 : vector<1x16xf32> to vector<16xf32>
      %swap3A_150 = vector.shape_cast %broadcast_in_dim3A_145 : vector<16xf32> to vector<1x16xf32>
      tpu.vector_store %arg6[%swap3A_146, %swap3A_147], %swap3A_150 {strides = array<i32>} : memref<80x128xf32, #tpu.memory_space<vmem>>, vector<1x16xf32>,
      %broadcast_in_dim3A_151 = arith.constant 0.000000e+00 : f32
      %broadcast_in_dim3A_152 = vector.broadcast %broadcast_in_dim3A_151 : f32 to vector<16xf32>
      %swap3A_153 = arith.index_cast %scan3A_103 : i32 to index
      %swap3A_154 = arith.constant 112 : index
      %swap3A_155 = tpu.vector_load %arg6[%swap3A_153, %swap3A_154] {strides = array<i32>} : memref<80x128xf32, #tpu.memory_space<vmem>>, vector<1x16xf32>,
      %swap3A_156 = vector.shape_cast %swap3A_155 : vector<1x16xf32> to vector<16xf32>
      %swap3A_157 = vector.shape_cast %broadcast_in_dim3A_152 : vector<16xf32> to vector<1x16xf32>
      tpu.vector_store %arg6[%swap3A_153, %swap3A_154], %swap3A_157 {strides = array<i32>} : memref<80x128xf32, #tpu.memory_space<vmem>>, vector<1x16xf32>,
    }
    %scan3A_7 = arith.constant 80 : i32
    %scan3A_8 = arith.constant 0 : i32
    %scan3A_9 = arith.constant 0 : i32
    %scan3A_10 = arith.constant 8 : i32
    %scan3A_11 = arith.addi %scan3A_9, %scan3A_10 : i32
    %scan3A_12 = arith.constant 1 : i32
    scf.for %scan3A_103 = %scan3A_9 to %scan3A_11 step %scan3A_12  : i32 {
      %mul3A_104 = arith.constant 16 : i32
      %mul3A_105 = arith.muli %scan3A_103, %mul3A_104 : i32
      %add3A_106 = arith.addi %arg1, %mul3A_105 : i32
      %lt3A_107 = arith.constant 125 : i32
      %lt3A_108 = arith.cmpi slt, %add3A_106, %lt3A_107 : i32
      %convert_element_type3A_109 = arith.extui %lt3A_108 : i1 to i32
      %cond3A_110 = arith.constant 0 : i32
      %cond3A_111 = arith.cmpi ne, %convert_element_type3A_109, %cond3A_110 : i32
      scf.if %cond3A_111 {
        %mul3A_112 = arith.constant 80 : i32
        %mul3A_113 = arith.muli %add3A_106, %mul3A_112 : i32
        "tpu.region"() ({
          %run_scoped3A = tpu.sem_alloc : memref<!tpu.dma_semaphore, #tpu.memory_space<semaphore_mem>>
          %dma_start3A_114 = arith.constant 0 : i32
          %dma_start3A_115 = tpu.memref_slice %arg10[%mul3A_113, %dma_start3A_114] : memref<10000x128xf32, #tpu.memory_space<vmem_shared>> -> memref<80x128xf32, #tpu.memory_space<vmem_shared>>
          %dma_start3A_116 = arith.constant 0 : i32
          %dma_start3A_117 = tpu.memref_slice %arg10[%mul3A_113, %dma_start3A_116] : memref<10000x128xf32, #tpu.memory_space<vmem_shared>> -> memref<80x128xf32, #tpu.memory_space<vmem_shared>>
          tpu.enqueue_dma source(%arg6 : memref<80x128xf32, #tpu.memory_space<vmem>>) target(%dma_start3A_117 : memref<80x128xf32, #tpu.memory_space<vmem_shared>>) target_semaphore(%run_scoped3A : memref<!tpu.dma_semaphore, #tpu.memory_space<semaphore_mem>>)
          %dma_wait3A = arith.constant 0 : i32
          %dma_wait3A_118 = tpu.memref_slice %arg10[%mul3A_113, %dma_wait3A] : memref<10000x128xf32, #tpu.memory_space<vmem_shared>> -> memref<80x128xf32, #tpu.memory_space<vmem_shared>>
          %dma_wait3A_119 = arith.constant 0 : i32
          %dma_wait3A_120 = tpu.memref_slice %arg10[%mul3A_113, %dma_wait3A_119] : memref<10000x128xf32, #tpu.memory_space<vmem_shared>> -> memref<80x128xf32, #tpu.memory_space<vmem_shared>>
          tpu.wait_dma2 semaphore(%run_scoped3A : memref<!tpu.dma_semaphore, #tpu.memory_space<semaphore_mem>>) src(%arg6 : memref<80x128xf32, #tpu.memory_space<vmem>>) dst(%dma_wait3A_120 : memref<80x128xf32, #tpu.memory_space<vmem_shared>>)
          tpu.yield
        }) : () -> ()
      } else {
      }
    }
    %scan3A_13 = arith.constant 8 : i32
    %dma_start3A = arith.constant 0 : i32
    %dma_start3A_14 = arith.constant 0 : i32
    %dma_start3A_15 = tpu.memref_slice %arg8[%dma_start3A_14] : memref<10000xi32, #tpu.memory_space<vmem>> -> memref<80xi32, #tpu.memory_space<vmem>>
    %dma_start3A_16 = arith.constant 0 : i32
    %dma_start3A_17 = arith.constant 0 : i32
    %dma_start3A_18 = tpu.memref_slice %arg2[%dma_start3A_16, %dma_start3A_17] : memref<10000x128xf32, #tpu.memory_space<hbm>> -> memref<10000x128xf32, #tpu.memory_space<hbm>>
    %dma_start3A_19 = tpu.memref_slice %arg11[%dma_start3A] : memref<2x!tpu.dma_semaphore, #tpu.memory_space<semaphore_mem>> -> memref<1x!tpu.dma_semaphore, #tpu.memory_space<semaphore_mem>>
    %dma_start3A_20 = tpu.memref_squeeze %dma_start3A_19 : memref<1x!tpu.dma_semaphore, #tpu.memory_space<semaphore_mem>> -> memref<!tpu.dma_semaphore, #tpu.memory_space<semaphore_mem>>
    tpu.enqueue_indirect_dma source(%dma_start3A_18 : memref<10000x128xf32, #tpu.memory_space<hbm>>) target(%arg6 : memref<80x128xf32, #tpu.memory_space<vmem>>) offsets(%dma_start3A_15 : memref<80xi32, #tpu.memory_space<vmem>>) semaphore(%dma_start3A_20 : memref<!tpu.dma_semaphore, #tpu.memory_space<semaphore_mem>>)
    %dma_start3A_21 = arith.constant 1 : i32
    %dma_start3A_22 = arith.constant 80 : i32
    %dma_start3A_23 = tpu.memref_slice %arg8[%dma_start3A_22] : memref<10000xi32, #tpu.memory_space<vmem>> -> memref<80xi32, #tpu.memory_space<vmem>>
    %dma_start3A_24 = arith.constant 0 : i32
    %dma_start3A_25 = arith.constant 0 : i32
    %dma_start3A_26 = tpu.memref_slice %arg2[%dma_start3A_24, %dma_start3A_25] : memref<10000x128xf32, #tpu.memory_space<hbm>> -> memref<10000x128xf32, #tpu.memory_space<hbm>>
    %dma_start3A_27 = tpu.memref_slice %arg11[%dma_start3A_21] : memref<2x!tpu.dma_semaphore, #tpu.memory_space<semaphore_mem>> -> memref<1x!tpu.dma_semaphore, #tpu.memory_space<semaphore_mem>>
    %dma_start3A_28 = tpu.memref_squeeze %dma_start3A_27 : memref<1x!tpu.dma_semaphore, #tpu.memory_space<semaphore_mem>> -> memref<!tpu.dma_semaphore, #tpu.memory_space<semaphore_mem>>
    tpu.enqueue_indirect_dma source(%dma_start3A_26 : memref<10000x128xf32, #tpu.memory_space<hbm>>) target(%arg7 : memref<80x128xf32, #tpu.memory_space<vmem>>) offsets(%dma_start3A_23 : memref<80xi32, #tpu.memory_space<vmem>>) semaphore(%dma_start3A_28 : memref<!tpu.dma_semaphore, #tpu.memory_space<semaphore_mem>>)
    %barrier3A = arith.constant 0 : index
    tpu.barrier barrier_id(%barrier3A)
    %scan3A_29 = arith.constant 0 : i32
    %scan3A_30 = arith.constant 0 : i32
    %scan3A_31 = arith.constant 63 : i32
    %scan3A_32 = arith.addi %scan3A_30, %scan3A_31 : i32
    %scan3A_33 = arith.constant 1 : i32
    scf.for %scan3A_103 = %scan3A_30 to %scan3A_32 step %scan3A_33  : i32 {
      %mul3A_104 = arith.constant 2 : i32
      %mul3A_105 = arith.muli %mul3A_104, %scan3A_103 : i32
      %add3A_106 = arith.constant 0 : i32
      %add3A_107 = arith.addi %mul3A_105, %add3A_106 : i32
      %lt3A_108 = arith.constant 125 : i32
      %lt3A_109 = arith.cmpi slt, %add3A_107, %lt3A_108 : i32
      %convert_element_type3A_110 = arith.extui %lt3A_109 : i1 to i32
      %cond3A_111 = arith.constant 0 : i32
      %cond3A_112 = arith.cmpi ne, %convert_element_type3A_110, %cond3A_111 : i32
      scf.if %cond3A_112 {
        %mul3A_122 = arith.constant 80 : i32
        %mul3A_123 = arith.muli %add3A_107, %mul3A_122 : i32
        %dma_wait3A = arith.constant 0 : i32
        %dma_wait3A_124 = tpu.memref_slice %arg8[%mul3A_123] : memref<10000xi32, #tpu.memory_space<vmem>> -> memref<80xi32, #tpu.memory_space<vmem>>
        %dma_wait3A_125 = arith.constant 0 : i32
        %dma_wait3A_126 = arith.constant 0 : i32
        %dma_wait3A_127 = tpu.memref_slice %arg2[%dma_wait3A_125, %dma_wait3A_126] : memref<10000x128xf32, #tpu.memory_space<hbm>> -> memref<10000x128xf32, #tpu.memory_space<hbm>>
        %dma_wait3A_128 = tpu.memref_slice %arg11[%dma_wait3A] : memref<2x!tpu.dma_semaphore, #tpu.memory_space<semaphore_mem>> -> memref<1x!tpu.dma_semaphore, #tpu.memory_space<semaphore_mem>>
        %dma_wait3A_129 = tpu.memref_squeeze %dma_wait3A_128 : memref<1x!tpu.dma_semaphore, #tpu.memory_space<semaphore_mem>> -> memref<!tpu.dma_semaphore, #tpu.memory_space<semaphore_mem>>
        tpu.wait_indirect_dma semaphore(%dma_wait3A_129 : memref<!tpu.dma_semaphore, #tpu.memory_space<semaphore_mem>>) src(%dma_wait3A_127 : memref<10000x128xf32, #tpu.memory_space<hbm>>) dst(%arg6 : memref<80x128xf32, #tpu.memory_space<vmem>>)
        "tpu.region"() ({
          %run_scoped3A = tpu.sem_alloc : memref<!tpu.dma_semaphore, #tpu.memory_space<semaphore_mem>>
          %dma_start3A_137 = arith.constant 0 : i32
          %dma_start3A_138 = tpu.memref_slice %arg9[%add3A_107, %dma_start3A_137] : memref<125x80xi32, #tpu.memory_space<vmem>> -> memref<1x80xi32, #tpu.memory_space<vmem>>
          %dma_start3A_139 = tpu.memref_squeeze %dma_start3A_138 : memref<1x80xi32, #tpu.memory_space<vmem>> -> memref<80xi32, #tpu.memory_space<vmem>>
          %dma_start3A_140 = arith.constant 0 : i32
          %dma_start3A_141 = arith.constant 0 : i32
          %dma_start3A_142 = tpu.memref_slice %arg10[%dma_start3A_140, %dma_start3A_141] : memref<10000x128xf32, #tpu.memory_space<vmem_shared>> -> memref<10000x128xf32, #tpu.memory_space<vmem_shared>>
          tpu.enqueue_indirect_dma source(%arg6 : memref<80x128xf32, #tpu.memory_space<vmem>>) target(%dma_start3A_142 : memref<10000x128xf32, #tpu.memory_space<vmem_shared>>) offsets(%dma_start3A_139 : memref<80xi32, #tpu.memory_space<vmem>>) semaphore(%run_scoped3A : memref<!tpu.dma_semaphore, #tpu.memory_space<semaphore_mem>>) {add = true}
          %dma_wait3A_143 = arith.constant 0 : i32
          %dma_wait3A_144 = tpu.memref_slice %arg9[%add3A_107, %dma_wait3A_143] : memref<125x80xi32, #tpu.memory_space<vmem>> -> memref<1x80xi32, #tpu.memory_space<vmem>>
          %dma_wait3A_145 = tpu.memref_squeeze %dma_wait3A_144 : memref<1x80xi32, #tpu.memory_space<vmem>> -> memref<80xi32, #tpu.memory_space<vmem>>
          %dma_wait3A_146 = arith.constant 0 : i32
          %dma_wait3A_147 = arith.constant 0 : i32
          %dma_wait3A_148 = tpu.memref_slice %arg10[%dma_wait3A_146, %dma_wait3A_147] : memref<10000x128xf32, #tpu.memory_space<vmem_shared>> -> memref<10000x128xf32, #tpu.memory_space<vmem_shared>>
          tpu.wait_indirect_dma semaphore(%run_scoped3A : memref<!tpu.dma_semaphore, #tpu.memory_space<semaphore_mem>>) src(%arg6 : memref<80x128xf32, #tpu.memory_space<vmem>>) dst(%dma_wait3A_148 : memref<10000x128xf32, #tpu.memory_space<vmem_shared>>)
          tpu.yield
        }) : () -> ()
        %add3A_130 = arith.constant 2 : i32
        %add3A_131 = arith.addi %add3A_107, %add3A_130 : i32
        %lt3A_132 = arith.constant 125 : i32
        %lt3A_133 = arith.cmpi slt, %add3A_131, %lt3A_132 : i32
        %convert_element_type3A_134 = arith.extui %lt3A_133 : i1 to i32
        %cond3A_135 = arith.constant 0 : i32
        %cond3A_136 = arith.cmpi ne, %convert_element_type3A_134, %cond3A_135 : i32
        scf.if %cond3A_136 {
          %add3A_137 = arith.constant 2 : i32
          %add3A_138 = arith.addi %add3A_107, %add3A_137 : i32
          %mul3A_139 = arith.constant 80 : i32
          %mul3A_140 = arith.muli %add3A_138, %mul3A_139 : i32
          %dma_start3A_141 = arith.constant 0 : i32
          %dma_start3A_142 = tpu.memref_slice %arg8[%mul3A_140] : memref<10000xi32, #tpu.memory_space<vmem>> -> memref<80xi32, #tpu.memory_space<vmem>>
          %dma_start3A_143 = arith.constant 0 : i32
          %dma_start3A_144 = arith.constant 0 : i32
          %dma_start3A_145 = tpu.memref_slice %arg2[%dma_start3A_143, %dma_start3A_144] : memref<10000x128xf32, #tpu.memory_space<hbm>> -> memref<10000x128xf32, #tpu.memory_space<hbm>>
          %dma_start3A_146 = tpu.memref_slice %arg11[%dma_start3A_141] : memref<2x!tpu.dma_semaphore, #tpu.memory_space<semaphore_mem>> -> memref<1x!tpu.dma_semaphore, #tpu.memory_space<semaphore_mem>>
          %dma_start3A_147 = tpu.memref_squeeze %dma_start3A_146 : memref<1x!tpu.dma_semaphore, #tpu.memory_space<semaphore_mem>> -> memref<!tpu.dma_semaphore, #tpu.memory_space<semaphore_mem>>
          tpu.enqueue_indirect_dma source(%dma_start3A_145 : memref<10000x128xf32, #tpu.memory_space<hbm>>) target(%arg6 : memref<80x128xf32, #tpu.memory_space<vmem>>) offsets(%dma_start3A_142 : memref<80xi32, #tpu.memory_space<vmem>>) semaphore(%dma_start3A_147 : memref<!tpu.dma_semaphore, #tpu.memory_space<semaphore_mem>>)
        } else {
        }
      } else {
      }
      %mul3A_113 = arith.constant 2 : i32
      %mul3A_114 = arith.muli %mul3A_113, %scan3A_103 : i32
      %add3A_115 = arith.constant 1 : i32
      %add3A_116 = arith.addi %mul3A_114, %add3A_115 : i32
      %lt3A_117 = arith.constant 125 : i32
      %lt3A_118 = arith.cmpi slt, %add3A_116, %lt3A_117 : i32
      %convert_element_type3A_119 = arith.extui %lt3A_118 : i1 to i32
      %cond3A_120 = arith.constant 0 : i32
      %cond3A_121 = arith.cmpi ne, %convert_element_type3A_119, %cond3A_120 : i32
      scf.if %cond3A_121 {
        %mul3A_122 = arith.constant 80 : i32
        %mul3A_123 = arith.muli %add3A_116, %mul3A_122 : i32
        %dma_wait3A = arith.constant 1 : i32
        %dma_wait3A_124 = tpu.memref_slice %arg8[%mul3A_123] : memref<10000xi32, #tpu.memory_space<vmem>> -> memref<80xi32, #tpu.memory_space<vmem>>
        %dma_wait3A_125 = arith.constant 0 : i32
        %dma_wait3A_126 = arith.constant 0 : i32
        %dma_wait3A_127 = tpu.memref_slice %arg2[%dma_wait3A_125, %dma_wait3A_126] : memref<10000x128xf32, #tpu.memory_space<hbm>> -> memref<10000x128xf32, #tpu.memory_space<hbm>>
        %dma_wait3A_128 = tpu.memref_slice %arg11[%dma_wait3A] : memref<2x!tpu.dma_semaphore, #tpu.memory_space<semaphore_mem>> -> memref<1x!tpu.dma_semaphore, #tpu.memory_space<semaphore_mem>>
        %dma_wait3A_129 = tpu.memref_squeeze %dma_wait3A_128 : memref<1x!tpu.dma_semaphore, #tpu.memory_space<semaphore_mem>> -> memref<!tpu.dma_semaphore, #tpu.memory_space<semaphore_mem>>
        tpu.wait_indirect_dma semaphore(%dma_wait3A_129 : memref<!tpu.dma_semaphore, #tpu.memory_space<semaphore_mem>>) src(%dma_wait3A_127 : memref<10000x128xf32, #tpu.memory_space<hbm>>) dst(%arg7 : memref<80x128xf32, #tpu.memory_space<vmem>>)
        "tpu.region"() ({
          %run_scoped3A = tpu.sem_alloc : memref<!tpu.dma_semaphore, #tpu.memory_space<semaphore_mem>>
          %dma_start3A_137 = arith.constant 0 : i32
          %dma_start3A_138 = tpu.memref_slice %arg9[%add3A_116, %dma_start3A_137] : memref<125x80xi32, #tpu.memory_space<vmem>> -> memref<1x80xi32, #tpu.memory_space<vmem>>
          %dma_start3A_139 = tpu.memref_squeeze %dma_start3A_138 : memref<1x80xi32, #tpu.memory_space<vmem>> -> memref<80xi32, #tpu.memory_space<vmem>>
          %dma_start3A_140 = arith.constant 0 : i32
          %dma_start3A_141 = arith.constant 0 : i32
          %dma_start3A_142 = tpu.memref_slice %arg10[%dma_start3A_140, %dma_start3A_141] : memref<10000x128xf32, #tpu.memory_space<vmem_shared>> -> memref<10000x128xf32, #tpu.memory_space<vmem_shared>>
          tpu.enqueue_indirect_dma source(%arg7 : memref<80x128xf32, #tpu.memory_space<vmem>>) target(%dma_start3A_142 : memref<10000x128xf32, #tpu.memory_space<vmem_shared>>) offsets(%dma_start3A_139 : memref<80xi32, #tpu.memory_space<vmem>>) semaphore(%run_scoped3A : memref<!tpu.dma_semaphore, #tpu.memory_space<semaphore_mem>>) {add = true}
          %dma_wait3A_143 = arith.constant 0 : i32
          %dma_wait3A_144 = tpu.memref_slice %arg9[%add3A_116, %dma_wait3A_143] : memref<125x80xi32, #tpu.memory_space<vmem>> -> memref<1x80xi32, #tpu.memory_space<vmem>>
          %dma_wait3A_145 = tpu.memref_squeeze %dma_wait3A_144 : memref<1x80xi32, #tpu.memory_space<vmem>> -> memref<80xi32, #tpu.memory_space<vmem>>
          %dma_wait3A_146 = arith.constant 0 : i32
          %dma_wait3A_147 = arith.constant 0 : i32
          %dma_wait3A_148 = tpu.memref_slice %arg10[%dma_wait3A_146, %dma_wait3A_147] : memref<10000x128xf32, #tpu.memory_space<vmem_shared>> -> memref<10000x128xf32, #tpu.memory_space<vmem_shared>>
          tpu.wait_indirect_dma semaphore(%run_scoped3A : memref<!tpu.dma_semaphore, #tpu.memory_space<semaphore_mem>>) src(%arg7 : memref<80x128xf32, #tpu.memory_space<vmem>>) dst(%dma_wait3A_148 : memref<10000x128xf32, #tpu.memory_space<vmem_shared>>)
          tpu.yield
        }) : () -> ()
        %add3A_130 = arith.constant 2 : i32
        %add3A_131 = arith.addi %add3A_116, %add3A_130 : i32
        %lt3A_132 = arith.constant 125 : i32
        %lt3A_133 = arith.cmpi slt, %add3A_131, %lt3A_132 : i32
        %convert_element_type3A_134 = arith.extui %lt3A_133 : i1 to i32
        %cond3A_135 = arith.constant 0 : i32
        %cond3A_136 = arith.cmpi ne, %convert_element_type3A_134, %cond3A_135 : i32
        scf.if %cond3A_136 {
          %add3A_137 = arith.constant 2 : i32
          %add3A_138 = arith.addi %add3A_116, %add3A_137 : i32
          %mul3A_139 = arith.constant 80 : i32
          %mul3A_140 = arith.muli %add3A_138, %mul3A_139 : i32
          %dma_start3A_141 = arith.constant 1 : i32
          %dma_start3A_142 = tpu.memref_slice %arg8[%mul3A_140] : memref<10000xi32, #tpu.memory_space<vmem>> -> memref<80xi32, #tpu.memory_space<vmem>>
          %dma_start3A_143 = arith.constant 0 : i32
          %dma_start3A_144 = arith.constant 0 : i32
          %dma_start3A_145 = tpu.memref_slice %arg2[%dma_start3A_143, %dma_start3A_144] : memref<10000x128xf32, #tpu.memory_space<hbm>> -> memref<10000x128xf32, #tpu.memory_space<hbm>>
          %dma_start3A_146 = tpu.memref_slice %arg11[%dma_start3A_141] : memref<2x!tpu.dma_semaphore, #tpu.memory_space<semaphore_mem>> -> memref<1x!tpu.dma_semaphore, #tpu.memory_space<semaphore_mem>>
          %dma_start3A_147 = tpu.memref_squeeze %dma_start3A_146 : memref<1x!tpu.dma_semaphore, #tpu.memory_space<semaphore_mem>> -> memref<!tpu.dma_semaphore, #tpu.memory_space<semaphore_mem>>
          tpu.enqueue_indirect_dma source(%dma_start3A_145 : memref<10000x128xf32, #tpu.memory_space<hbm>>) target(%arg7 : memref<80x128xf32, #tpu.memory_space<vmem>>) offsets(%dma_start3A_142 : memref<80xi32, #tpu.memory_space<vmem>>) semaphore(%dma_start3A_147 : memref<!tpu.dma_semaphore, #tpu.memory_space<semaphore_mem>>)
        } else {
        }
      } else {
      }
    }
    %scan3A_34 = arith.constant 63 : i32
    %barrier3A_35 = arith.constant 0 : index
    tpu.barrier barrier_id(%barrier3A_35)
    %add3A_36 = arith.constant 0 : i32
    %add3A_37 = arith.addi %arg1, %add3A_36 : i32
    %lt3A = arith.constant 125 : i32
    %lt3A_38 = arith.cmpi slt, %add3A_37, %lt3A : i32
    %convert_element_type3A = arith.extui %lt3A_38 : i1 to i32
    %cond3A = arith.constant 0 : i32
    %cond3A_39 = arith.cmpi ne, %convert_element_type3A, %cond3A : i32
    scf.if %cond3A_39 {
      %mul3A_103 = arith.constant 80 : i32
      %mul3A_104 = arith.muli %add3A_37, %mul3A_103 : i32
      "tpu.region"() ({
        %run_scoped3A = tpu.sem_alloc : memref<!tpu.dma_semaphore, #tpu.memory_space<semaphore_mem>>
        %dma_start3A_117 = arith.constant 0 : i32
        %dma_start3A_118 = tpu.memref_slice %arg10[%mul3A_104, %dma_start3A_117] : memref<10000x128xf32, #tpu.memory_space<vmem_shared>> -> memref<80x128xf32, #tpu.memory_space<vmem_shared>>
        %dma_start3A_119 = arith.constant 0 : i32
        %dma_start3A_120 = tpu.memref_slice %arg10[%mul3A_104, %dma_start3A_119] : memref<10000x128xf32, #tpu.memory_space<vmem_shared>> -> memref<80x128xf32, #tpu.memory_space<vmem_shared>>
        tpu.enqueue_dma source(%dma_start3A_120 : memref<80x128xf32, #tpu.memory_space<vmem_shared>>) target(%arg6 : memref<80x128xf32, #tpu.memory_space<vmem>>) target_semaphore(%run_scoped3A : memref<!tpu.dma_semaphore, #tpu.memory_space<semaphore_mem>>)
        %dma_wait3A = arith.constant 0 : i32
        %dma_wait3A_121 = tpu.memref_slice %arg10[%mul3A_104, %dma_wait3A] : memref<10000x128xf32, #tpu.memory_space<vmem_shared>> -> memref<80x128xf32, #tpu.memory_space<vmem_shared>>
        %dma_wait3A_122 = arith.constant 0 : i32
        %dma_wait3A_123 = tpu.memref_slice %arg10[%mul3A_104, %dma_wait3A_122] : memref<10000x128xf32, #tpu.memory_space<vmem_shared>> -> memref<80x128xf32, #tpu.memory_space<vmem_shared>>
        tpu.wait_dma2 semaphore(%run_scoped3A : memref<!tpu.dma_semaphore, #tpu.memory_space<semaphore_mem>>) src(%dma_wait3A_123 : memref<80x128xf32, #tpu.memory_space<vmem_shared>>) dst(%arg6 : memref<80x128xf32, #tpu.memory_space<vmem>>)
        tpu.yield
      }) : () -> ()
      %mul3A_105 = arith.constant 10000 : i32
      %mul3A_106 = arith.muli %arg0, %mul3A_105 : i32
      %mul3A_107 = arith.constant 80 : i32
      %mul3A_108 = arith.muli %add3A_37, %mul3A_107 : i32
      %add3A_109 = arith.addi %mul3A_106, %mul3A_108 : i32
      %dma_start3A_110 = arith.constant 0 : i32
      %dma_start3A_111 = arith.constant 0 : i32
      %dma_start3A_112 = tpu.memref_slice %arg5[%add3A_109, %dma_start3A_111] : memref<20000x128xf32, #tpu.memory_space<hbm>> -> memref<80x128xf32, #tpu.memory_space<hbm>>
      %dma_start3A_113 = tpu.memref_slice %arg11[%dma_start3A_110] : memref<2x!tpu.dma_semaphore, #tpu.memory_space<semaphore_mem>> -> memref<1x!tpu.dma_semaphore, #tpu.memory_space<semaphore_mem>>
      %dma_start3A_114 = tpu.memref_squeeze %dma_start3A_113 : memref<1x!tpu.dma_semaphore, #tpu.memory_space<semaphore_mem>> -> memref<!tpu.dma_semaphore, #tpu.memory_space<semaphore_mem>>
      %dma_start3A_115 = arith.constant 0 : i32
      %dma_start3A_116 = tpu.memref_slice %arg5[%add3A_109, %dma_start3A_115] : memref<20000x128xf32, #tpu.memory_space<hbm>> -> memref<80x128xf32, #tpu.memory_space<hbm>>
      tpu.enqueue_dma source(%arg6 : memref<80x128xf32, #tpu.memory_space<vmem>>) target(%dma_start3A_116 : memref<80x128xf32, #tpu.memory_space<hbm>>) target_semaphore(%dma_start3A_114 : memref<!tpu.dma_semaphore, #tpu.memory_space<semaphore_mem>>)
    } else {
    }
    %add3A_40 = arith.constant 16 : i32
    %add3A_41 = arith.addi %arg1, %add3A_40 : i32
    %lt3A_42 = arith.constant 125 : i32
    %lt3A_43 = arith.cmpi slt, %add3A_41, %lt3A_42 : i32
    %convert_element_type3A_44 = arith.extui %lt3A_43 : i1 to i32
    %cond3A_45 = arith.constant 0 : i32
    %cond3A_46 = arith.cmpi ne, %convert_element_type3A_44, %cond3A_45 : i32
    scf.if %cond3A_46 {
      %mul3A_103 = arith.constant 80 : i32
      %mul3A_104 = arith.muli %add3A_41, %mul3A_103 : i32
      "tpu.region"() ({
        %run_scoped3A = tpu.sem_alloc : memref<!tpu.dma_semaphore, #tpu.memory_space<semaphore_mem>>
        %dma_start3A_117 = arith.constant 0 : i32
        %dma_start3A_118 = tpu.memref_slice %arg10[%mul3A_104, %dma_start3A_117] : memref<10000x128xf32, #tpu.memory_space<vmem_shared>> -> memref<80x128xf32, #tpu.memory_space<vmem_shared>>
        %dma_start3A_119 = arith.constant 0 : i32
        %dma_start3A_120 = tpu.memref_slice %arg10[%mul3A_104, %dma_start3A_119] : memref<10000x128xf32, #tpu.memory_space<vmem_shared>> -> memref<80x128xf32, #tpu.memory_space<vmem_shared>>
        tpu.enqueue_dma source(%dma_start3A_120 : memref<80x128xf32, #tpu.memory_space<vmem_shared>>) target(%arg7 : memref<80x128xf32, #tpu.memory_space<vmem>>) target_semaphore(%run_scoped3A : memref<!tpu.dma_semaphore, #tpu.memory_space<semaphore_mem>>)
        %dma_wait3A = arith.constant 0 : i32
        %dma_wait3A_121 = tpu.memref_slice %arg10[%mul3A_104, %dma_wait3A] : memref<10000x128xf32, #tpu.memory_space<vmem_shared>> -> memref<80x128xf32, #tpu.memory_space<vmem_shared>>
        %dma_wait3A_122 = arith.constant 0 : i32
        %dma_wait3A_123 = tpu.memref_slice %arg10[%mul3A_104, %dma_wait3A_122] : memref<10000x128xf32, #tpu.memory_space<vmem_shared>> -> memref<80x128xf32, #tpu.memory_space<vmem_shared>>
        tpu.wait_dma2 semaphore(%run_scoped3A : memref<!tpu.dma_semaphore, #tpu.memory_space<semaphore_mem>>) src(%dma_wait3A_123 : memref<80x128xf32, #tpu.memory_space<vmem_shared>>) dst(%arg7 : memref<80x128xf32, #tpu.memory_space<vmem>>)
        tpu.yield
      }) : () -> ()
      %mul3A_105 = arith.constant 10000 : i32
      %mul3A_106 = arith.muli %arg0, %mul3A_105 : i32
      %mul3A_107 = arith.constant 80 : i32
      %mul3A_108 = arith.muli %add3A_41, %mul3A_107 : i32
      %add3A_109 = arith.addi %mul3A_106, %mul3A_108 : i32
      %dma_start3A_110 = arith.constant 1 : i32
      %dma_start3A_111 = arith.constant 0 : i32
      %dma_start3A_112 = tpu.memref_slice %arg5[%add3A_109, %dma_start3A_111] : memref<20000x128xf32, #tpu.memory_space<hbm>> -> memref<80x128xf32, #tpu.memory_space<hbm>>
      %dma_start3A_113 = tpu.memref_slice %arg11[%dma_start3A_110] : memref<2x!tpu.dma_semaphore, #tpu.memory_space<semaphore_mem>> -> memref<1x!tpu.dma_semaphore, #tpu.memory_space<semaphore_mem>>
      %dma_start3A_114 = tpu.memref_squeeze %dma_start3A_113 : memref<1x!tpu.dma_semaphore, #tpu.memory_space<semaphore_mem>> -> memref<!tpu.dma_semaphore, #tpu.memory_space<semaphore_mem>>
      %dma_start3A_115 = arith.constant 0 : i32
      %dma_start3A_116 = tpu.memref_slice %arg5[%add3A_109, %dma_start3A_115] : memref<20000x128xf32, #tpu.memory_space<hbm>> -> memref<80x128xf32, #tpu.memory_space<hbm>>
      tpu.enqueue_dma source(%arg7 : memref<80x128xf32, #tpu.memory_space<vmem>>) target(%dma_start3A_116 : memref<80x128xf32, #tpu.memory_space<hbm>>) target_semaphore(%dma_start3A_114 : memref<!tpu.dma_semaphore, #tpu.memory_space<semaphore_mem>>)
    } else {
    }
    %add3A_47 = arith.constant 32 : i32
    %add3A_48 = arith.addi %arg1, %add3A_47 : i32
    %lt3A_49 = arith.constant 125 : i32
    %lt3A_50 = arith.cmpi slt, %add3A_48, %lt3A_49 : i32
    %convert_element_type3A_51 = arith.extui %lt3A_50 : i1 to i32
    %cond3A_52 = arith.constant 0 : i32
    %cond3A_53 = arith.cmpi ne, %convert_element_type3A_51, %cond3A_52 : i32
    scf.if %cond3A_53 {
      %mul3A_103 = arith.constant 10000 : i32
      %mul3A_104 = arith.muli %arg0, %mul3A_103 : i32
      %sub3A = arith.constant 32 : i32
      %sub3A_105 = arith.subi %add3A_48, %sub3A : i32
      %mul3A_106 = arith.constant 80 : i32
      %mul3A_107 = arith.muli %sub3A_105, %mul3A_106 : i32
      %add3A_108 = arith.addi %mul3A_104, %mul3A_107 : i32
      %dma_wait3A = arith.constant 0 : i32
      %dma_wait3A_109 = arith.constant 0 : i32
      %dma_wait3A_110 = tpu.memref_slice %arg5[%add3A_108, %dma_wait3A_109] : memref<20000x128xf32, #tpu.memory_space<hbm>> -> memref<80x128xf32, #tpu.memory_space<hbm>>
      %dma_wait3A_111 = tpu.memref_slice %arg11[%dma_wait3A] : memref<2x!tpu.dma_semaphore, #tpu.memory_space<semaphore_mem>> -> memref<1x!tpu.dma_semaphore, #tpu.memory_space<semaphore_mem>>
      %dma_wait3A_112 = tpu.memref_squeeze %dma_wait3A_111 : memref<1x!tpu.dma_semaphore, #tpu.memory_space<semaphore_mem>> -> memref<!tpu.dma_semaphore, #tpu.memory_space<semaphore_mem>>
      %dma_wait3A_113 = arith.constant 0 : i32
      %dma_wait3A_114 = tpu.memref_slice %arg5[%add3A_108, %dma_wait3A_113] : memref<20000x128xf32, #tpu.memory_space<hbm>> -> memref<80x128xf32, #tpu.memory_space<hbm>>
      tpu.wait_dma2 semaphore(%dma_wait3A_112 : memref<!tpu.dma_semaphore, #tpu.memory_space<semaphore_mem>>) src(%arg6 : memref<80x128xf32, #tpu.memory_space<vmem>>) dst(%dma_wait3A_114 : memref<80x128xf32, #tpu.memory_space<hbm>>)
      %mul3A_115 = arith.constant 80 : i32
      %mul3A_116 = arith.muli %add3A_48, %mul3A_115 : i32
      "tpu.region"() ({
        %run_scoped3A = tpu.sem_alloc : memref<!tpu.dma_semaphore, #tpu.memory_space<semaphore_mem>>
        %dma_start3A_129 = arith.constant 0 : i32
        %dma_start3A_130 = tpu.memref_slice %arg10[%mul3A_116, %dma_start3A_129] : memref<10000x128xf32, #tpu.memory_space<vmem_shared>> -> memref<80x128xf32, #tpu.memory_space<vmem_shared>>
        %dma_start3A_131 = arith.constant 0 : i32
        %dma_start3A_132 = tpu.memref_slice %arg10[%mul3A_116, %dma_start3A_131] : memref<10000x128xf32, #tpu.memory_space<vmem_shared>> -> memref<80x128xf32, #tpu.memory_space<vmem_shared>>
        tpu.enqueue_dma source(%dma_start3A_132 : memref<80x128xf32, #tpu.memory_space<vmem_shared>>) target(%arg6 : memref<80x128xf32, #tpu.memory_space<vmem>>) target_semaphore(%run_scoped3A : memref<!tpu.dma_semaphore, #tpu.memory_space<semaphore_mem>>)
        %dma_wait3A_133 = arith.constant 0 : i32
        %dma_wait3A_134 = tpu.memref_slice %arg10[%mul3A_116, %dma_wait3A_133] : memref<10000x128xf32, #tpu.memory_space<vmem_shared>> -> memref<80x128xf32, #tpu.memory_space<vmem_shared>>
        %dma_wait3A_135 = arith.constant 0 : i32
        %dma_wait3A_136 = tpu.memref_slice %arg10[%mul3A_116, %dma_wait3A_135] : memref<10000x128xf32, #tpu.memory_space<vmem_shared>> -> memref<80x128xf32, #tpu.memory_space<vmem_shared>>
        tpu.wait_dma2 semaphore(%run_scoped3A : memref<!tpu.dma_semaphore, #tpu.memory_space<semaphore_mem>>) src(%dma_wait3A_136 : memref<80x128xf32, #tpu.memory_space<vmem_shared>>) dst(%arg6 : memref<80x128xf32, #tpu.memory_space<vmem>>)
        tpu.yield
      }) : () -> ()
      %mul3A_117 = arith.constant 10000 : i32
      %mul3A_118 = arith.muli %arg0, %mul3A_117 : i32
      %mul3A_119 = arith.constant 80 : i32
      %mul3A_120 = arith.muli %add3A_48, %mul3A_119 : i32
      %add3A_121 = arith.addi %mul3A_118, %mul3A_120 : i32
      %dma_start3A_122 = arith.constant 0 : i32
      %dma_start3A_123 = arith.constant 0 : i32
      %dma_start3A_124 = tpu.memref_slice %arg5[%add3A_121, %dma_start3A_123] : memref<20000x128xf32, #tpu.memory_space<hbm>> -> memref<80x128xf32, #tpu.memory_space<hbm>>
      %dma_start3A_125 = tpu.memref_slice %arg11[%dma_start3A_122] : memref<2x!tpu.dma_semaphore, #tpu.memory_space<semaphore_mem>> -> memref<1x!tpu.dma_semaphore, #tpu.memory_space<semaphore_mem>>
      %dma_start3A_126 = tpu.memref_squeeze %dma_start3A_125 : memref<1x!tpu.dma_semaphore, #tpu.memory_space<semaphore_mem>> -> memref<!tpu.dma_semaphore, #tpu.memory_space<semaphore_mem>>
      %dma_start3A_127 = arith.constant 0 : i32
      %dma_start3A_128 = tpu.memref_slice %arg5[%add3A_121, %dma_start3A_127] : memref<20000x128xf32, #tpu.memory_space<hbm>> -> memref<80x128xf32, #tpu.memory_space<hbm>>
      tpu.enqueue_dma source(%arg6 : memref<80x128xf32, #tpu.memory_space<vmem>>) target(%dma_start3A_128 : memref<80x128xf32, #tpu.memory_space<hbm>>) target_semaphore(%dma_start3A_126 : memref<!tpu.dma_semaphore, #tpu.memory_space<semaphore_mem>>)
    } else {
    }
    %add3A_54 = arith.constant 48 : i32
    %add3A_55 = arith.addi %arg1, %add3A_54 : i32
    %lt3A_56 = arith.constant 125 : i32
    %lt3A_57 = arith.cmpi slt, %add3A_55, %lt3A_56 : i32
    %convert_element_type3A_58 = arith.extui %lt3A_57 : i1 to i32
    %cond3A_59 = arith.constant 0 : i32
    %cond3A_60 = arith.cmpi ne, %convert_element_type3A_58, %cond3A_59 : i32
    scf.if %cond3A_60 {
      %mul3A_103 = arith.constant 10000 : i32
      %mul3A_104 = arith.muli %arg0, %mul3A_103 : i32
      %sub3A = arith.constant 32 : i32
      %sub3A_105 = arith.subi %add3A_55, %sub3A : i32
      %mul3A_106 = arith.constant 80 : i32
      %mul3A_107 = arith.muli %sub3A_105, %mul3A_106 : i32
      %add3A_108 = arith.addi %mul3A_104, %mul3A_107 : i32
      %dma_wait3A = arith.constant 1 : i32
      %dma_wait3A_109 = arith.constant 0 : i32
      %dma_wait3A_110 = tpu.memref_slice %arg5[%add3A_108, %dma_wait3A_109] : memref<20000x128xf32, #tpu.memory_space<hbm>> -> memref<80x128xf32, #tpu.memory_space<hbm>>
      %dma_wait3A_111 = tpu.memref_slice %arg11[%dma_wait3A] : memref<2x!tpu.dma_semaphore, #tpu.memory_space<semaphore_mem>> -> memref<1x!tpu.dma_semaphore, #tpu.memory_space<semaphore_mem>>
      %dma_wait3A_112 = tpu.memref_squeeze %dma_wait3A_111 : memref<1x!tpu.dma_semaphore, #tpu.memory_space<semaphore_mem>> -> memref<!tpu.dma_semaphore, #tpu.memory_space<semaphore_mem>>
      %dma_wait3A_113 = arith.constant 0 : i32
      %dma_wait3A_114 = tpu.memref_slice %arg5[%add3A_108, %dma_wait3A_113] : memref<20000x128xf32, #tpu.memory_space<hbm>> -> memref<80x128xf32, #tpu.memory_space<hbm>>
      tpu.wait_dma2 semaphore(%dma_wait3A_112 : memref<!tpu.dma_semaphore, #tpu.memory_space<semaphore_mem>>) src(%arg7 : memref<80x128xf32, #tpu.memory_space<vmem>>) dst(%dma_wait3A_114 : memref<80x128xf32, #tpu.memory_space<hbm>>)
      %mul3A_115 = arith.constant 80 : i32
      %mul3A_116 = arith.muli %add3A_55, %mul3A_115 : i32
      "tpu.region"() ({
        %run_scoped3A = tpu.sem_alloc : memref<!tpu.dma_semaphore, #tpu.memory_space<semaphore_mem>>
        %dma_start3A_129 = arith.constant 0 : i32
        %dma_start3A_130 = tpu.memref_slice %arg10[%mul3A_116, %dma_start3A_129] : memref<10000x128xf32, #tpu.memory_space<vmem_shared>> -> memref<80x128xf32, #tpu.memory_space<vmem_shared>>
        %dma_start3A_131 = arith.constant 0 : i32
        %dma_start3A_132 = tpu.memref_slice %arg10[%mul3A_116, %dma_start3A_131] : memref<10000x128xf32, #tpu.memory_space<vmem_shared>> -> memref<80x128xf32, #tpu.memory_space<vmem_shared>>
        tpu.enqueue_dma source(%dma_start3A_132 : memref<80x128xf32, #tpu.memory_space<vmem_shared>>) target(%arg7 : memref<80x128xf32, #tpu.memory_space<vmem>>) target_semaphore(%run_scoped3A : memref<!tpu.dma_semaphore, #tpu.memory_space<semaphore_mem>>)
        %dma_wait3A_133 = arith.constant 0 : i32
        %dma_wait3A_134 = tpu.memref_slice %arg10[%mul3A_116, %dma_wait3A_133] : memref<10000x128xf32, #tpu.memory_space<vmem_shared>> -> memref<80x128xf32, #tpu.memory_space<vmem_shared>>
        %dma_wait3A_135 = arith.constant 0 : i32
        %dma_wait3A_136 = tpu.memref_slice %arg10[%mul3A_116, %dma_wait3A_135] : memref<10000x128xf32, #tpu.memory_space<vmem_shared>> -> memref<80x128xf32, #tpu.memory_space<vmem_shared>>
        tpu.wait_dma2 semaphore(%run_scoped3A : memref<!tpu.dma_semaphore, #tpu.memory_space<semaphore_mem>>) src(%dma_wait3A_136 : memref<80x128xf32, #tpu.memory_space<vmem_shared>>) dst(%arg7 : memref<80x128xf32, #tpu.memory_space<vmem>>)
        tpu.yield
      }) : () -> ()
      %mul3A_117 = arith.constant 10000 : i32
      %mul3A_118 = arith.muli %arg0, %mul3A_117 : i32
      %mul3A_119 = arith.constant 80 : i32
      %mul3A_120 = arith.muli %add3A_55, %mul3A_119 : i32
      %add3A_121 = arith.addi %mul3A_118, %mul3A_120 : i32
      %dma_start3A_122 = arith.constant 1 : i32
      %dma_start3A_123 = arith.constant 0 : i32
      %dma_start3A_124 = tpu.memref_slice %arg5[%add3A_121, %dma_start3A_123] : memref<20000x128xf32, #tpu.memory_space<hbm>> -> memref<80x128xf32, #tpu.memory_space<hbm>>
      %dma_start3A_125 = tpu.memref_slice %arg11[%dma_start3A_122] : memref<2x!tpu.dma_semaphore, #tpu.memory_space<semaphore_mem>> -> memref<1x!tpu.dma_semaphore, #tpu.memory_space<semaphore_mem>>
      %dma_start3A_126 = tpu.memref_squeeze %dma_start3A_125 : memref<1x!tpu.dma_semaphore, #tpu.memory_space<semaphore_mem>> -> memref<!tpu.dma_semaphore, #tpu.memory_space<semaphore_mem>>
      %dma_start3A_127 = arith.constant 0 : i32
      %dma_start3A_128 = tpu.memref_slice %arg5[%add3A_121, %dma_start3A_127] : memref<20000x128xf32, #tpu.memory_space<hbm>> -> memref<80x128xf32, #tpu.memory_space<hbm>>
      tpu.enqueue_dma source(%arg7 : memref<80x128xf32, #tpu.memory_space<vmem>>) target(%dma_start3A_128 : memref<80x128xf32, #tpu.memory_space<hbm>>) target_semaphore(%dma_start3A_126 : memref<!tpu.dma_semaphore, #tpu.memory_space<semaphore_mem>>)
    } else {
    }
    %add3A_61 = arith.constant 64 : i32
    %add3A_62 = arith.addi %arg1, %add3A_61 : i32
    %lt3A_63 = arith.constant 125 : i32
    %lt3A_64 = arith.cmpi slt, %add3A_62, %lt3A_63 : i32
    %convert_element_type3A_65 = arith.extui %lt3A_64 : i1 to i32
    %cond3A_66 = arith.constant 0 : i32
    %cond3A_67 = arith.cmpi ne, %convert_element_type3A_65, %cond3A_66 : i32
    scf.if %cond3A_67 {
      %mul3A_103 = arith.constant 10000 : i32
      %mul3A_104 = arith.muli %arg0, %mul3A_103 : i32
      %sub3A = arith.constant 32 : i32
      %sub3A_105 = arith.subi %add3A_62, %sub3A : i32
      %mul3A_106 = arith.constant 80 : i32
      %mul3A_107 = arith.muli %sub3A_105, %mul3A_106 : i32
      %add3A_108 = arith.addi %mul3A_104, %mul3A_107 : i32
      %dma_wait3A = arith.constant 0 : i32
      %dma_wait3A_109 = arith.constant 0 : i32
      %dma_wait3A_110 = tpu.memref_slice %arg5[%add3A_108, %dma_wait3A_109] : memref<20000x128xf32, #tpu.memory_space<hbm>> -> memref<80x128xf32, #tpu.memory_space<hbm>>
      %dma_wait3A_111 = tpu.memref_slice %arg11[%dma_wait3A] : memref<2x!tpu.dma_semaphore, #tpu.memory_space<semaphore_mem>> -> memref<1x!tpu.dma_semaphore, #tpu.memory_space<semaphore_mem>>
      %dma_wait3A_112 = tpu.memref_squeeze %dma_wait3A_111 : memref<1x!tpu.dma_semaphore, #tpu.memory_space<semaphore_mem>> -> memref<!tpu.dma_semaphore, #tpu.memory_space<semaphore_mem>>
      %dma_wait3A_113 = arith.constant 0 : i32
      %dma_wait3A_114 = tpu.memref_slice %arg5[%add3A_108, %dma_wait3A_113] : memref<20000x128xf32, #tpu.memory_space<hbm>> -> memref<80x128xf32, #tpu.memory_space<hbm>>
      tpu.wait_dma2 semaphore(%dma_wait3A_112 : memref<!tpu.dma_semaphore, #tpu.memory_space<semaphore_mem>>) src(%arg6 : memref<80x128xf32, #tpu.memory_space<vmem>>) dst(%dma_wait3A_114 : memref<80x128xf32, #tpu.memory_space<hbm>>)
      %mul3A_115 = arith.constant 80 : i32
      %mul3A_116 = arith.muli %add3A_62, %mul3A_115 : i32
      "tpu.region"() ({
        %run_scoped3A = tpu.sem_alloc : memref<!tpu.dma_semaphore, #tpu.memory_space<semaphore_mem>>
        %dma_start3A_129 = arith.constant 0 : i32
        %dma_start3A_130 = tpu.memref_slice %arg10[%mul3A_116, %dma_start3A_129] : memref<10000x128xf32, #tpu.memory_space<vmem_shared>> -> memref<80x128xf32, #tpu.memory_space<vmem_shared>>
        %dma_start3A_131 = arith.constant 0 : i32
        %dma_start3A_132 = tpu.memref_slice %arg10[%mul3A_116, %dma_start3A_131] : memref<10000x128xf32, #tpu.memory_space<vmem_shared>> -> memref<80x128xf32, #tpu.memory_space<vmem_shared>>
        tpu.enqueue_dma source(%dma_start3A_132 : memref<80x128xf32, #tpu.memory_space<vmem_shared>>) target(%arg6 : memref<80x128xf32, #tpu.memory_space<vmem>>) target_semaphore(%run_scoped3A : memref<!tpu.dma_semaphore, #tpu.memory_space<semaphore_mem>>)
        %dma_wait3A_133 = arith.constant 0 : i32
        %dma_wait3A_134 = tpu.memref_slice %arg10[%mul3A_116, %dma_wait3A_133] : memref<10000x128xf32, #tpu.memory_space<vmem_shared>> -> memref<80x128xf32, #tpu.memory_space<vmem_shared>>
        %dma_wait3A_135 = arith.constant 0 : i32
        %dma_wait3A_136 = tpu.memref_slice %arg10[%mul3A_116, %dma_wait3A_135] : memref<10000x128xf32, #tpu.memory_space<vmem_shared>> -> memref<80x128xf32, #tpu.memory_space<vmem_shared>>
        tpu.wait_dma2 semaphore(%run_scoped3A : memref<!tpu.dma_semaphore, #tpu.memory_space<semaphore_mem>>) src(%dma_wait3A_136 : memref<80x128xf32, #tpu.memory_space<vmem_shared>>) dst(%arg6 : memref<80x128xf32, #tpu.memory_space<vmem>>)
        tpu.yield
      }) : () -> ()
      %mul3A_117 = arith.constant 10000 : i32
      %mul3A_118 = arith.muli %arg0, %mul3A_117 : i32
      %mul3A_119 = arith.constant 80 : i32
      %mul3A_120 = arith.muli %add3A_62, %mul3A_119 : i32
      %add3A_121 = arith.addi %mul3A_118, %mul3A_120 : i32
      %dma_start3A_122 = arith.constant 0 : i32
      %dma_start3A_123 = arith.constant 0 : i32
      %dma_start3A_124 = tpu.memref_slice %arg5[%add3A_121, %dma_start3A_123] : memref<20000x128xf32, #tpu.memory_space<hbm>> -> memref<80x128xf32, #tpu.memory_space<hbm>>
      %dma_start3A_125 = tpu.memref_slice %arg11[%dma_start3A_122] : memref<2x!tpu.dma_semaphore, #tpu.memory_space<semaphore_mem>> -> memref<1x!tpu.dma_semaphore, #tpu.memory_space<semaphore_mem>>
      %dma_start3A_126 = tpu.memref_squeeze %dma_start3A_125 : memref<1x!tpu.dma_semaphore, #tpu.memory_space<semaphore_mem>> -> memref<!tpu.dma_semaphore, #tpu.memory_space<semaphore_mem>>
      %dma_start3A_127 = arith.constant 0 : i32
      %dma_start3A_128 = tpu.memref_slice %arg5[%add3A_121, %dma_start3A_127] : memref<20000x128xf32, #tpu.memory_space<hbm>> -> memref<80x128xf32, #tpu.memory_space<hbm>>
      tpu.enqueue_dma source(%arg6 : memref<80x128xf32, #tpu.memory_space<vmem>>) target(%dma_start3A_128 : memref<80x128xf32, #tpu.memory_space<hbm>>) target_semaphore(%dma_start3A_126 : memref<!tpu.dma_semaphore, #tpu.memory_space<semaphore_mem>>)
    } else {
    }
    %add3A_68 = arith.constant 80 : i32
    %add3A_69 = arith.addi %arg1, %add3A_68 : i32
    %lt3A_70 = arith.constant 125 : i32
    %lt3A_71 = arith.cmpi slt, %add3A_69, %lt3A_70 : i32
    %convert_element_type3A_72 = arith.extui %lt3A_71 : i1 to i32
    %cond3A_73 = arith.constant 0 : i32
    %cond3A_74 = arith.cmpi ne, %convert_element_type3A_72, %cond3A_73 : i32
    scf.if %cond3A_74 {
      %mul3A_103 = arith.constant 10000 : i32
      %mul3A_104 = arith.muli %arg0, %mul3A_103 : i32
      %sub3A = arith.constant 32 : i32
      %sub3A_105 = arith.subi %add3A_69, %sub3A : i32
      %mul3A_106 = arith.constant 80 : i32
      %mul3A_107 = arith.muli %sub3A_105, %mul3A_106 : i32
      %add3A_108 = arith.addi %mul3A_104, %mul3A_107 : i32
      %dma_wait3A = arith.constant 1 : i32
      %dma_wait3A_109 = arith.constant 0 : i32
      %dma_wait3A_110 = tpu.memref_slice %arg5[%add3A_108, %dma_wait3A_109] : memref<20000x128xf32, #tpu.memory_space<hbm>> -> memref<80x128xf32, #tpu.memory_space<hbm>>
      %dma_wait3A_111 = tpu.memref_slice %arg11[%dma_wait3A] : memref<2x!tpu.dma_semaphore, #tpu.memory_space<semaphore_mem>> -> memref<1x!tpu.dma_semaphore, #tpu.memory_space<semaphore_mem>>
      %dma_wait3A_112 = tpu.memref_squeeze %dma_wait3A_111 : memref<1x!tpu.dma_semaphore, #tpu.memory_space<semaphore_mem>> -> memref<!tpu.dma_semaphore, #tpu.memory_space<semaphore_mem>>
      %dma_wait3A_113 = arith.constant 0 : i32
      %dma_wait3A_114 = tpu.memref_slice %arg5[%add3A_108, %dma_wait3A_113] : memref<20000x128xf32, #tpu.memory_space<hbm>> -> memref<80x128xf32, #tpu.memory_space<hbm>>
      tpu.wait_dma2 semaphore(%dma_wait3A_112 : memref<!tpu.dma_semaphore, #tpu.memory_space<semaphore_mem>>) src(%arg7 : memref<80x128xf32, #tpu.memory_space<vmem>>) dst(%dma_wait3A_114 : memref<80x128xf32, #tpu.memory_space<hbm>>)
      %mul3A_115 = arith.constant 80 : i32
      %mul3A_116 = arith.muli %add3A_69, %mul3A_115 : i32
      "tpu.region"() ({
        %run_scoped3A = tpu.sem_alloc : memref<!tpu.dma_semaphore, #tpu.memory_space<semaphore_mem>>
        %dma_start3A_129 = arith.constant 0 : i32
        %dma_start3A_130 = tpu.memref_slice %arg10[%mul3A_116, %dma_start3A_129] : memref<10000x128xf32, #tpu.memory_space<vmem_shared>> -> memref<80x128xf32, #tpu.memory_space<vmem_shared>>
        %dma_start3A_131 = arith.constant 0 : i32
        %dma_start3A_132 = tpu.memref_slice %arg10[%mul3A_116, %dma_start3A_131] : memref<10000x128xf32, #tpu.memory_space<vmem_shared>> -> memref<80x128xf32, #tpu.memory_space<vmem_shared>>
        tpu.enqueue_dma source(%dma_start3A_132 : memref<80x128xf32, #tpu.memory_space<vmem_shared>>) target(%arg7 : memref<80x128xf32, #tpu.memory_space<vmem>>) target_semaphore(%run_scoped3A : memref<!tpu.dma_semaphore, #tpu.memory_space<semaphore_mem>>)
        %dma_wait3A_133 = arith.constant 0 : i32
        %dma_wait3A_134 = tpu.memref_slice %arg10[%mul3A_116, %dma_wait3A_133] : memref<10000x128xf32, #tpu.memory_space<vmem_shared>> -> memref<80x128xf32, #tpu.memory_space<vmem_shared>>
        %dma_wait3A_135 = arith.constant 0 : i32
        %dma_wait3A_136 = tpu.memref_slice %arg10[%mul3A_116, %dma_wait3A_135] : memref<10000x128xf32, #tpu.memory_space<vmem_shared>> -> memref<80x128xf32, #tpu.memory_space<vmem_shared>>
        tpu.wait_dma2 semaphore(%run_scoped3A : memref<!tpu.dma_semaphore, #tpu.memory_space<semaphore_mem>>) src(%dma_wait3A_136 : memref<80x128xf32, #tpu.memory_space<vmem_shared>>) dst(%arg7 : memref<80x128xf32, #tpu.memory_space<vmem>>)
        tpu.yield
      }) : () -> ()
      %mul3A_117 = arith.constant 10000 : i32
      %mul3A_118 = arith.muli %arg0, %mul3A_117 : i32
      %mul3A_119 = arith.constant 80 : i32
      %mul3A_120 = arith.muli %add3A_69, %mul3A_119 : i32
      %add3A_121 = arith.addi %mul3A_118, %mul3A_120 : i32
      %dma_start3A_122 = arith.constant 1 : i32
      %dma_start3A_123 = arith.constant 0 : i32
      %dma_start3A_124 = tpu.memref_slice %arg5[%add3A_121, %dma_start3A_123] : memref<20000x128xf32, #tpu.memory_space<hbm>> -> memref<80x128xf32, #tpu.memory_space<hbm>>
      %dma_start3A_125 = tpu.memref_slice %arg11[%dma_start3A_122] : memref<2x!tpu.dma_semaphore, #tpu.memory_space<semaphore_mem>> -> memref<1x!tpu.dma_semaphore, #tpu.memory_space<semaphore_mem>>
      %dma_start3A_126 = tpu.memref_squeeze %dma_start3A_125 : memref<1x!tpu.dma_semaphore, #tpu.memory_space<semaphore_mem>> -> memref<!tpu.dma_semaphore, #tpu.memory_space<semaphore_mem>>
      %dma_start3A_127 = arith.constant 0 : i32
      %dma_start3A_128 = tpu.memref_slice %arg5[%add3A_121, %dma_start3A_127] : memref<20000x128xf32, #tpu.memory_space<hbm>> -> memref<80x128xf32, #tpu.memory_space<hbm>>
      tpu.enqueue_dma source(%arg7 : memref<80x128xf32, #tpu.memory_space<vmem>>) target(%dma_start3A_128 : memref<80x128xf32, #tpu.memory_space<hbm>>) target_semaphore(%dma_start3A_126 : memref<!tpu.dma_semaphore, #tpu.memory_space<semaphore_mem>>)
    } else {
    }
    %add3A_75 = arith.constant 96 : i32
    %add3A_76 = arith.addi %arg1, %add3A_75 : i32
    %lt3A_77 = arith.constant 125 : i32
    %lt3A_78 = arith.cmpi slt, %add3A_76, %lt3A_77 : i32
    %convert_element_type3A_79 = arith.extui %lt3A_78 : i1 to i32
    %cond3A_80 = arith.constant 0 : i32
    %cond3A_81 = arith.cmpi ne, %convert_element_type3A_79, %cond3A_80 : i32
    scf.if %cond3A_81 {
      %mul3A_103 = arith.constant 10000 : i32
      %mul3A_104 = arith.muli %arg0, %mul3A_103 : i32
      %sub3A = arith.constant 32 : i32
      %sub3A_105 = arith.subi %add3A_76, %sub3A : i32
      %mul3A_106 = arith.constant 80 : i32
      %mul3A_107 = arith.muli %sub3A_105, %mul3A_106 : i32
      %add3A_108 = arith.addi %mul3A_104, %mul3A_107 : i32
      %dma_wait3A = arith.constant 0 : i32
      %dma_wait3A_109 = arith.constant 0 : i32
      %dma_wait3A_110 = tpu.memref_slice %arg5[%add3A_108, %dma_wait3A_109] : memref<20000x128xf32, #tpu.memory_space<hbm>> -> memref<80x128xf32, #tpu.memory_space<hbm>>
      %dma_wait3A_111 = tpu.memref_slice %arg11[%dma_wait3A] : memref<2x!tpu.dma_semaphore, #tpu.memory_space<semaphore_mem>> -> memref<1x!tpu.dma_semaphore, #tpu.memory_space<semaphore_mem>>
      %dma_wait3A_112 = tpu.memref_squeeze %dma_wait3A_111 : memref<1x!tpu.dma_semaphore, #tpu.memory_space<semaphore_mem>> -> memref<!tpu.dma_semaphore, #tpu.memory_space<semaphore_mem>>
      %dma_wait3A_113 = arith.constant 0 : i32
      %dma_wait3A_114 = tpu.memref_slice %arg5[%add3A_108, %dma_wait3A_113] : memref<20000x128xf32, #tpu.memory_space<hbm>> -> memref<80x128xf32, #tpu.memory_space<hbm>>
      tpu.wait_dma2 semaphore(%dma_wait3A_112 : memref<!tpu.dma_semaphore, #tpu.memory_space<semaphore_mem>>) src(%arg6 : memref<80x128xf32, #tpu.memory_space<vmem>>) dst(%dma_wait3A_114 : memref<80x128xf32, #tpu.memory_space<hbm>>)
      %mul3A_115 = arith.constant 80 : i32
      %mul3A_116 = arith.muli %add3A_76, %mul3A_115 : i32
      "tpu.region"() ({
        %run_scoped3A = tpu.sem_alloc : memref<!tpu.dma_semaphore, #tpu.memory_space<semaphore_mem>>
        %dma_start3A_129 = arith.constant 0 : i32
        %dma_start3A_130 = tpu.memref_slice %arg10[%mul3A_116, %dma_start3A_129] : memref<10000x128xf32, #tpu.memory_space<vmem_shared>> -> memref<80x128xf32, #tpu.memory_space<vmem_shared>>
        %dma_start3A_131 = arith.constant 0 : i32
        %dma_start3A_132 = tpu.memref_slice %arg10[%mul3A_116, %dma_start3A_131] : memref<10000x128xf32, #tpu.memory_space<vmem_shared>> -> memref<80x128xf32, #tpu.memory_space<vmem_shared>>
        tpu.enqueue_dma source(%dma_start3A_132 : memref<80x128xf32, #tpu.memory_space<vmem_shared>>) target(%arg6 : memref<80x128xf32, #tpu.memory_space<vmem>>) target_semaphore(%run_scoped3A : memref<!tpu.dma_semaphore, #tpu.memory_space<semaphore_mem>>)
        %dma_wait3A_133 = arith.constant 0 : i32
        %dma_wait3A_134 = tpu.memref_slice %arg10[%mul3A_116, %dma_wait3A_133] : memref<10000x128xf32, #tpu.memory_space<vmem_shared>> -> memref<80x128xf32, #tpu.memory_space<vmem_shared>>
        %dma_wait3A_135 = arith.constant 0 : i32
        %dma_wait3A_136 = tpu.memref_slice %arg10[%mul3A_116, %dma_wait3A_135] : memref<10000x128xf32, #tpu.memory_space<vmem_shared>> -> memref<80x128xf32, #tpu.memory_space<vmem_shared>>
        tpu.wait_dma2 semaphore(%run_scoped3A : memref<!tpu.dma_semaphore, #tpu.memory_space<semaphore_mem>>) src(%dma_wait3A_136 : memref<80x128xf32, #tpu.memory_space<vmem_shared>>) dst(%arg6 : memref<80x128xf32, #tpu.memory_space<vmem>>)
        tpu.yield
      }) : () -> ()
      %mul3A_117 = arith.constant 10000 : i32
      %mul3A_118 = arith.muli %arg0, %mul3A_117 : i32
      %mul3A_119 = arith.constant 80 : i32
      %mul3A_120 = arith.muli %add3A_76, %mul3A_119 : i32
      %add3A_121 = arith.addi %mul3A_118, %mul3A_120 : i32
      %dma_start3A_122 = arith.constant 0 : i32
      %dma_start3A_123 = arith.constant 0 : i32
      %dma_start3A_124 = tpu.memref_slice %arg5[%add3A_121, %dma_start3A_123] : memref<20000x128xf32, #tpu.memory_space<hbm>> -> memref<80x128xf32, #tpu.memory_space<hbm>>
      %dma_start3A_125 = tpu.memref_slice %arg11[%dma_start3A_122] : memref<2x!tpu.dma_semaphore, #tpu.memory_space<semaphore_mem>> -> memref<1x!tpu.dma_semaphore, #tpu.memory_space<semaphore_mem>>
      %dma_start3A_126 = tpu.memref_squeeze %dma_start3A_125 : memref<1x!tpu.dma_semaphore, #tpu.memory_space<semaphore_mem>> -> memref<!tpu.dma_semaphore, #tpu.memory_space<semaphore_mem>>
      %dma_start3A_127 = arith.constant 0 : i32
      %dma_start3A_128 = tpu.memref_slice %arg5[%add3A_121, %dma_start3A_127] : memref<20000x128xf32, #tpu.memory_space<hbm>> -> memref<80x128xf32, #tpu.memory_space<hbm>>
      tpu.enqueue_dma source(%arg6 : memref<80x128xf32, #tpu.memory_space<vmem>>) target(%dma_start3A_128 : memref<80x128xf32, #tpu.memory_space<hbm>>) target_semaphore(%dma_start3A_126 : memref<!tpu.dma_semaphore, #tpu.memory_space<semaphore_mem>>)
    } else {
    }
    %add3A_82 = arith.constant 112 : i32
    %add3A_83 = arith.addi %arg1, %add3A_82 : i32
    %lt3A_84 = arith.constant 125 : i32
    %lt3A_85 = arith.cmpi slt, %add3A_83, %lt3A_84 : i32
    %convert_element_type3A_86 = arith.extui %lt3A_85 : i1 to i32
    %cond3A_87 = arith.constant 0 : i32
    %cond3A_88 = arith.cmpi ne, %convert_element_type3A_86, %cond3A_87 : i32
    scf.if %cond3A_88 {
      %mul3A_103 = arith.constant 10000 : i32
      %mul3A_104 = arith.muli %arg0, %mul3A_103 : i32
      %sub3A = arith.constant 32 : i32
      %sub3A_105 = arith.subi %add3A_83, %sub3A : i32
      %mul3A_106 = arith.constant 80 : i32
      %mul3A_107 = arith.muli %sub3A_105, %mul3A_106 : i32
      %add3A_108 = arith.addi %mul3A_104, %mul3A_107 : i32
      %dma_wait3A = arith.constant 1 : i32
      %dma_wait3A_109 = arith.constant 0 : i32
      %dma_wait3A_110 = tpu.memref_slice %arg5[%add3A_108, %dma_wait3A_109] : memref<20000x128xf32, #tpu.memory_space<hbm>> -> memref<80x128xf32, #tpu.memory_space<hbm>>
      %dma_wait3A_111 = tpu.memref_slice %arg11[%dma_wait3A] : memref<2x!tpu.dma_semaphore, #tpu.memory_space<semaphore_mem>> -> memref<1x!tpu.dma_semaphore, #tpu.memory_space<semaphore_mem>>
      %dma_wait3A_112 = tpu.memref_squeeze %dma_wait3A_111 : memref<1x!tpu.dma_semaphore, #tpu.memory_space<semaphore_mem>> -> memref<!tpu.dma_semaphore, #tpu.memory_space<semaphore_mem>>
      %dma_wait3A_113 = arith.constant 0 : i32
      %dma_wait3A_114 = tpu.memref_slice %arg5[%add3A_108, %dma_wait3A_113] : memref<20000x128xf32, #tpu.memory_space<hbm>> -> memref<80x128xf32, #tpu.memory_space<hbm>>
      tpu.wait_dma2 semaphore(%dma_wait3A_112 : memref<!tpu.dma_semaphore, #tpu.memory_space<semaphore_mem>>) src(%arg7 : memref<80x128xf32, #tpu.memory_space<vmem>>) dst(%dma_wait3A_114 : memref<80x128xf32, #tpu.memory_space<hbm>>)
      %mul3A_115 = arith.constant 80 : i32
      %mul3A_116 = arith.muli %add3A_83, %mul3A_115 : i32
      "tpu.region"() ({
        %run_scoped3A = tpu.sem_alloc : memref<!tpu.dma_semaphore, #tpu.memory_space<semaphore_mem>>
        %dma_start3A_129 = arith.constant 0 : i32
        %dma_start3A_130 = tpu.memref_slice %arg10[%mul3A_116, %dma_start3A_129] : memref<10000x128xf32, #tpu.memory_space<vmem_shared>> -> memref<80x128xf32, #tpu.memory_space<vmem_shared>>
        %dma_start3A_131 = arith.constant 0 : i32
        %dma_start3A_132 = tpu.memref_slice %arg10[%mul3A_116, %dma_start3A_131] : memref<10000x128xf32, #tpu.memory_space<vmem_shared>> -> memref<80x128xf32, #tpu.memory_space<vmem_shared>>
        tpu.enqueue_dma source(%dma_start3A_132 : memref<80x128xf32, #tpu.memory_space<vmem_shared>>) target(%arg7 : memref<80x128xf32, #tpu.memory_space<vmem>>) target_semaphore(%run_scoped3A : memref<!tpu.dma_semaphore, #tpu.memory_space<semaphore_mem>>)
        %dma_wait3A_133 = arith.constant 0 : i32
        %dma_wait3A_134 = tpu.memref_slice %arg10[%mul3A_116, %dma_wait3A_133] : memref<10000x128xf32, #tpu.memory_space<vmem_shared>> -> memref<80x128xf32, #tpu.memory_space<vmem_shared>>
        %dma_wait3A_135 = arith.constant 0 : i32
        %dma_wait3A_136 = tpu.memref_slice %arg10[%mul3A_116, %dma_wait3A_135] : memref<10000x128xf32, #tpu.memory_space<vmem_shared>> -> memref<80x128xf32, #tpu.memory_space<vmem_shared>>
        tpu.wait_dma2 semaphore(%run_scoped3A : memref<!tpu.dma_semaphore, #tpu.memory_space<semaphore_mem>>) src(%dma_wait3A_136 : memref<80x128xf32, #tpu.memory_space<vmem_shared>>) dst(%arg7 : memref<80x128xf32, #tpu.memory_space<vmem>>)
        tpu.yield
      }) : () -> ()
      %mul3A_117 = arith.constant 10000 : i32
      %mul3A_118 = arith.muli %arg0, %mul3A_117 : i32
      %mul3A_119 = arith.constant 80 : i32
      %mul3A_120 = arith.muli %add3A_83, %mul3A_119 : i32
      %add3A_121 = arith.addi %mul3A_118, %mul3A_120 : i32
      %dma_start3A_122 = arith.constant 1 : i32
      %dma_start3A_123 = arith.constant 0 : i32
      %dma_start3A_124 = tpu.memref_slice %arg5[%add3A_121, %dma_start3A_123] : memref<20000x128xf32, #tpu.memory_space<hbm>> -> memref<80x128xf32, #tpu.memory_space<hbm>>
      %dma_start3A_125 = tpu.memref_slice %arg11[%dma_start3A_122] : memref<2x!tpu.dma_semaphore, #tpu.memory_space<semaphore_mem>> -> memref<1x!tpu.dma_semaphore, #tpu.memory_space<semaphore_mem>>
      %dma_start3A_126 = tpu.memref_squeeze %dma_start3A_125 : memref<1x!tpu.dma_semaphore, #tpu.memory_space<semaphore_mem>> -> memref<!tpu.dma_semaphore, #tpu.memory_space<semaphore_mem>>
      %dma_start3A_127 = arith.constant 0 : i32
      %dma_start3A_128 = tpu.memref_slice %arg5[%add3A_121, %dma_start3A_127] : memref<20000x128xf32, #tpu.memory_space<hbm>> -> memref<80x128xf32, #tpu.memory_space<hbm>>
      tpu.enqueue_dma source(%arg7 : memref<80x128xf32, #tpu.memory_space<vmem>>) target(%dma_start3A_128 : memref<80x128xf32, #tpu.memory_space<hbm>>) target_semaphore(%dma_start3A_126 : memref<!tpu.dma_semaphore, #tpu.memory_space<semaphore_mem>>)
    } else {
    }
    %add3A_89 = arith.constant 96 : i32
    %add3A_90 = arith.addi %arg1, %add3A_89 : i32
    %lt3A_91 = arith.constant 125 : i32
    %lt3A_92 = arith.cmpi slt, %add3A_90, %lt3A_91 : i32
    %convert_element_type3A_93 = arith.extui %lt3A_92 : i1 to i32
    %cond3A_94 = arith.constant 0 : i32
    %cond3A_95 = arith.cmpi ne, %convert_element_type3A_93, %cond3A_94 : i32
    scf.if %cond3A_95 {
      %mul3A_103 = arith.constant 10000 : i32
      %mul3A_104 = arith.muli %arg0, %mul3A_103 : i32
      %mul3A_105 = arith.constant 80 : i32
      %mul3A_106 = arith.muli %add3A_90, %mul3A_105 : i32
      %add3A_107 = arith.addi %mul3A_104, %mul3A_106 : i32
      %dma_wait3A = arith.constant 0 : i32
      %dma_wait3A_108 = arith.constant 0 : i32
      %dma_wait3A_109 = tpu.memref_slice %arg5[%add3A_107, %dma_wait3A_108] : memref<20000x128xf32, #tpu.memory_space<hbm>> -> memref<80x128xf32, #tpu.memory_space<hbm>>
      %dma_wait3A_110 = tpu.memref_slice %arg11[%dma_wait3A] : memref<2x!tpu.dma_semaphore, #tpu.memory_space<semaphore_mem>> -> memref<1x!tpu.dma_semaphore, #tpu.memory_space<semaphore_mem>>
      %dma_wait3A_111 = tpu.memref_squeeze %dma_wait3A_110 : memref<1x!tpu.dma_semaphore, #tpu.memory_space<semaphore_mem>> -> memref<!tpu.dma_semaphore, #tpu.memory_space<semaphore_mem>>
      %dma_wait3A_112 = arith.constant 0 : i32
      %dma_wait3A_113 = tpu.memref_slice %arg5[%add3A_107, %dma_wait3A_112] : memref<20000x128xf32, #tpu.memory_space<hbm>> -> memref<80x128xf32, #tpu.memory_space<hbm>>
      tpu.wait_dma2 semaphore(%dma_wait3A_111 : memref<!tpu.dma_semaphore, #tpu.memory_space<semaphore_mem>>) src(%arg6 : memref<80x128xf32, #tpu.memory_space<vmem>>) dst(%dma_wait3A_113 : memref<80x128xf32, #tpu.memory_space<hbm>>)
    } else {
    }
    %add3A_96 = arith.constant 112 : i32
    %add3A_97 = arith.addi %arg1, %add3A_96 : i32
    %lt3A_98 = arith.constant 125 : i32
    %lt3A_99 = arith.cmpi slt, %add3A_97, %lt3A_98 : i32
    %convert_element_type3A_100 = arith.extui %lt3A_99 : i1 to i32
    %cond3A_101 = arith.constant 0 : i32
    %cond3A_102 = arith.cmpi ne, %convert_element_type3A_100, %cond3A_101 : i32
    scf.if %cond3A_102 {
      %mul3A_103 = arith.constant 10000 : i32
      %mul3A_104 = arith.muli %arg0, %mul3A_103 : i32
      %mul3A_105 = arith.constant 80 : i32
      %mul3A_106 = arith.muli %add3A_97, %mul3A_105 : i32
      %add3A_107 = arith.addi %mul3A_104, %mul3A_106 : i32
      %dma_wait3A = arith.constant 1 : i32
      %dma_wait3A_108 = arith.constant 0 : i32
      %dma_wait3A_109 = tpu.memref_slice %arg5[%add3A_107, %dma_wait3A_108] : memref<20000x128xf32, #tpu.memory_space<hbm>> -> memref<80x128xf32, #tpu.memory_space<hbm>>
      %dma_wait3A_110 = tpu.memref_slice %arg11[%dma_wait3A] : memref<2x!tpu.dma_semaphore, #tpu.memory_space<semaphore_mem>> -> memref<1x!tpu.dma_semaphore, #tpu.memory_space<semaphore_mem>>
      %dma_wait3A_111 = tpu.memref_squeeze %dma_wait3A_110 : memref<1x!tpu.dma_semaphore, #tpu.memory_space<semaphore_mem>> -> memref<!tpu.dma_semaphore, #tpu.memory_space<semaphore_mem>>
      %dma_wait3A_112 = arith.constant 0 : i32
      %dma_wait3A_113 = tpu.memref_slice %arg5[%add3A_107, %dma_wait3A_112] : memref<20000x128xf32, #tpu.memory_space<hbm>> -> memref<80x128xf32, #tpu.memory_space<hbm>>
      tpu.wait_dma2 semaphore(%dma_wait3A_111 : memref<!tpu.dma_semaphore, #tpu.memory_space<semaphore_mem>>) src(%arg7 : memref<80x128xf32, #tpu.memory_space<vmem>>) dst(%dma_wait3A_113 : memref<80x128xf32, #tpu.memory_space<hbm>>)
    } else {
    }
    return
  }
}

module attributes {stable_mosaic.version = 14 : i64} {
  func.func @_mlp_kernel(%arg0: i32, %arg1: memref<2000x128xf32, #tpu.memory_space<vmem>>, %arg2: memref<2000x128xf32, #tpu.memory_space<vmem>>, %arg3: memref<2000x128xf32, #tpu.memory_space<vmem>>, %arg4: memref<128x128xf32, #tpu.memory_space<vmem>>, %arg5: memref<1x128xf32, #tpu.memory_space<vmem>>, %arg6: memref<1x128xf32, #tpu.memory_space<vmem>>, %arg7: memref<1x128xf32, #tpu.memory_space<vmem>>, %arg8: memref<128x128xf32, #tpu.memory_space<vmem>>, %arg9: memref<1x128xf32, #tpu.memory_space<vmem>>, %arg10: memref<1x128xf32, #tpu.memory_space<vmem>>, %arg11: memref<1x128xf32, #tpu.memory_space<vmem>>, %arg12: memref<2000x128xf32, #tpu.memory_space<vmem>>) attributes {dimension_semantics = [#tpu.dimension_semantics<arbitrary>], iteration_bounds = array<i64: 5>, scalar_prefetch = 0 : i64, scratch_operands = 0 : i64, tpu.core_type = #tpu.core_type<tc>, window_params = [{transform_indices = @transform_0, window_bounds = array<i64: 2000, 128>}, {transform_indices = @transform_1, window_bounds = array<i64: 2000, 128>}, {transform_indices = @transform_2, window_bounds = array<i64: 2000, 128>}, {pipeline_mode = #tpu.pipeline_mode<synchronous>, transform_indices = @transform_3, window_bounds = array<i64: 128, 128>}, {pipeline_mode = #tpu.pipeline_mode<synchronous>, transform_indices = @transform_4, window_bounds = array<i64: 1, 128>}, {pipeline_mode = #tpu.pipeline_mode<synchronous>, transform_indices = @transform_5, window_bounds = array<i64: 1, 128>}, {pipeline_mode = #tpu.pipeline_mode<synchronous>, transform_indices = @transform_6, window_bounds = array<i64: 1, 128>}, {pipeline_mode = #tpu.pipeline_mode<synchronous>, transform_indices = @transform_7, window_bounds = array<i64: 128, 128>}, {pipeline_mode = #tpu.pipeline_mode<synchronous>, transform_indices = @transform_8, window_bounds = array<i64: 1, 128>}, {pipeline_mode = #tpu.pipeline_mode<synchronous>, transform_indices = @transform_9, window_bounds = array<i64: 1, 128>}, {pipeline_mode = #tpu.pipeline_mode<synchronous>, transform_indices = @transform_10, window_bounds = array<i64: 1, 128>}, {transform_indices = @transform_11, window_bounds = array<i64: 2000, 128>}]} {
    %get3A = arith.constant 0 : index
    %get3A_0 = arith.constant 0 : index
    %get3A_1 = vector.load %arg1[%get3A, %get3A_0] : memref<2000x128xf32, #tpu.memory_space<vmem>>, vector<2000x128xf32>
    %get3A_2 = arith.constant 0 : index
    %get3A_3 = arith.constant 0 : index
    %get3A_4 = vector.load %arg2[%get3A_2, %get3A_3] : memref<2000x128xf32, #tpu.memory_space<vmem>>, vector<2000x128xf32>
    %add3A = arith.addf %get3A_1, %get3A_4 : vector<2000x128xf32>
    %get3A_5 = arith.constant 0 : index
    %get3A_6 = arith.constant 0 : index
    %get3A_7 = vector.load %arg3[%get3A_5, %get3A_6] : memref<2000x128xf32, #tpu.memory_space<vmem>>, vector<2000x128xf32>
    %add3A_8 = arith.addf %add3A, %get3A_7 : vector<2000x128xf32>
    %get3A_9 = arith.constant 0 : index
    %get3A_10 = arith.constant 0 : index
    %get3A_11 = vector.load %arg4[%get3A_9, %get3A_10] : memref<128x128xf32, #tpu.memory_space<vmem>>, vector<128x128xf32>
    %dot_general3A = arith.constant dense<0.000000e+00> : vector<2000x128xf32>
    %dot_general3A_12 = tpu.matmul %add3A_8, %get3A_11, %dot_general3A {dimension_numbers = #tpu.dot_dimension_numbers<[1], [0], [0], [1], [0, 0, 1, 1], [], []>, transpose_lhs_hint = false} : vector<2000x128xf32>, vector<128x128xf32>, vector<2000x128xf32> -> vector<2000x128xf32>
    %get3A_13 = arith.constant 0 : index
    %get3A_14 = arith.constant 0 : index
    %get3A_15 = vector.load %arg5[%get3A_13, %get3A_14] : memref<1x128xf32, #tpu.memory_space<vmem>>, vector<1x128xf32>
    %add3A_16 = vector.broadcast %get3A_15 : vector<1x128xf32> to vector<2000x128xf32>
    %add3A_17 = arith.addf %dot_general3A_12, %add3A_16 : vector<2000x128xf32>
    %get3A_18 = arith.constant 0 : index
    %get3A_19 = arith.constant 0 : index
    %get3A_20 = vector.load %arg6[%get3A_18, %get3A_19] : memref<1x128xf32, #tpu.memory_space<vmem>>, vector<1x128xf32>
    %get3A_21 = arith.constant 0 : index
    %get3A_22 = arith.constant 0 : index
    %get3A_23 = vector.load %arg7[%get3A_21, %get3A_22] : memref<1x128xf32, #tpu.memory_space<vmem>>, vector<1x128xf32>
    %reduce_sum3A = arith.constant dense<0.000000e+00> : vector<2000xf32>
    %reduce_sum3A_24 = vector.multi_reduction <add>, %add3A_17, %reduce_sum3A [1] : vector<2000x128xf32> to vector<2000xf32>
    %broadcast_in_dim3A = vector.shape_cast %reduce_sum3A_24 : vector<2000xf32> to vector<2000x1xf32>
    %div3A = arith.constant 1.280000e+02 : f32
    %div3A_25 = vector.broadcast %div3A : f32 to vector<2000x1xf32>
    %div3A_26 = arith.divf %broadcast_in_dim3A, %div3A_25 : vector<2000x1xf32>
    %sub3A = vector.broadcast %div3A_26 : vector<2000x1xf32> to vector<2000x128xf32>
    %sub3A_27 = arith.subf %add3A_17, %sub3A : vector<2000x128xf32>
    %integer_pow3A = arith.mulf %sub3A_27, %sub3A_27 : vector<2000x128xf32>
    %reduce_sum3A_28 = arith.constant dense<0.000000e+00> : vector<2000xf32>
    %reduce_sum3A_29 = vector.multi_reduction <add>, %integer_pow3A, %reduce_sum3A_28 [1] : vector<2000x128xf32> to vector<2000xf32>
    %broadcast_in_dim3A_30 = vector.shape_cast %reduce_sum3A_29 : vector<2000xf32> to vector<2000x1xf32>
    %div3A_31 = arith.constant 1.280000e+02 : f32
    %div3A_32 = vector.broadcast %div3A_31 : f32 to vector<2000x1xf32>
    %div3A_33 = arith.divf %broadcast_in_dim3A_30, %div3A_32 : vector<2000x1xf32>
    %sub3A_34 = vector.broadcast %div3A_26 : vector<2000x1xf32> to vector<2000x128xf32>
    %sub3A_35 = arith.subf %add3A_17, %sub3A_34 : vector<2000x128xf32>
    %add3A_36 = arith.constant 9.99999974E-6 : f32
    %add3A_37 = vector.broadcast %add3A_36 : f32 to vector<2000x1xf32>
    %add3A_38 = arith.addf %div3A_33, %add3A_37 : vector<2000x1xf32>
    %sqrt3A = math.sqrt %add3A_38 : vector<2000x1xf32>
    %div3A_39 = vector.broadcast %sqrt3A : vector<2000x1xf32> to vector<2000x128xf32>
    %div3A_40 = arith.divf %sub3A_35, %div3A_39 : vector<2000x128xf32>
    %mul3A = vector.broadcast %get3A_20 : vector<1x128xf32> to vector<2000x128xf32>
    %mul3A_41 = arith.mulf %div3A_40, %mul3A : vector<2000x128xf32>
    %add3A_42 = vector.broadcast %get3A_23 : vector<1x128xf32> to vector<2000x128xf32>
    %add3A_43 = arith.addf %mul3A_41, %add3A_42 : vector<2000x128xf32>
    %get3A_44 = arith.constant 0 : index
    %get3A_45 = arith.constant 0 : index
    %get3A_46 = vector.load %arg8[%get3A_44, %get3A_45] : memref<128x128xf32, #tpu.memory_space<vmem>>, vector<128x128xf32>
    %dot_general3A_47 = arith.constant dense<0.000000e+00> : vector<2000x128xf32>
    %dot_general3A_48 = tpu.matmul %add3A_43, %get3A_46, %dot_general3A_47 {dimension_numbers = #tpu.dot_dimension_numbers<[1], [0], [0], [1], [0, 0, 1, 1], [], []>, transpose_lhs_hint = false} : vector<2000x128xf32>, vector<128x128xf32>, vector<2000x128xf32> -> vector<2000x128xf32>
    %get3A_49 = arith.constant 0 : index
    %get3A_50 = arith.constant 0 : index
    %get3A_51 = vector.load %arg9[%get3A_49, %get3A_50] : memref<1x128xf32, #tpu.memory_space<vmem>>, vector<1x128xf32>
    %add3A_52 = vector.broadcast %get3A_51 : vector<1x128xf32> to vector<2000x128xf32>
    %add3A_53 = arith.addf %dot_general3A_48, %add3A_52 : vector<2000x128xf32>
    %get3A_54 = arith.constant 0 : index
    %get3A_55 = arith.constant 0 : index
    %get3A_56 = vector.load %arg10[%get3A_54, %get3A_55] : memref<1x128xf32, #tpu.memory_space<vmem>>, vector<1x128xf32>
    %get3A_57 = arith.constant 0 : index
    %get3A_58 = arith.constant 0 : index
    %get3A_59 = vector.load %arg11[%get3A_57, %get3A_58] : memref<1x128xf32, #tpu.memory_space<vmem>>, vector<1x128xf32>
    %reduce_sum3A_60 = arith.constant dense<0.000000e+00> : vector<2000xf32>
    %reduce_sum3A_61 = vector.multi_reduction <add>, %add3A_53, %reduce_sum3A_60 [1] : vector<2000x128xf32> to vector<2000xf32>
    %broadcast_in_dim3A_62 = vector.shape_cast %reduce_sum3A_61 : vector<2000xf32> to vector<2000x1xf32>
    %div3A_63 = arith.constant 1.280000e+02 : f32
    %div3A_64 = vector.broadcast %div3A_63 : f32 to vector<2000x1xf32>
    %div3A_65 = arith.divf %broadcast_in_dim3A_62, %div3A_64 : vector<2000x1xf32>
    %sub3A_66 = vector.broadcast %div3A_65 : vector<2000x1xf32> to vector<2000x128xf32>
    %sub3A_67 = arith.subf %add3A_53, %sub3A_66 : vector<2000x128xf32>
    %integer_pow3A_68 = arith.mulf %sub3A_67, %sub3A_67 : vector<2000x128xf32>
    %reduce_sum3A_69 = arith.constant dense<0.000000e+00> : vector<2000xf32>
    %reduce_sum3A_70 = vector.multi_reduction <add>, %integer_pow3A_68, %reduce_sum3A_69 [1] : vector<2000x128xf32> to vector<2000xf32>
    %broadcast_in_dim3A_71 = vector.shape_cast %reduce_sum3A_70 : vector<2000xf32> to vector<2000x1xf32>
    %div3A_72 = arith.constant 1.280000e+02 : f32
    %div3A_73 = vector.broadcast %div3A_72 : f32 to vector<2000x1xf32>
    %div3A_74 = arith.divf %broadcast_in_dim3A_71, %div3A_73 : vector<2000x1xf32>
    %sub3A_75 = vector.broadcast %div3A_65 : vector<2000x1xf32> to vector<2000x128xf32>
    %sub3A_76 = arith.subf %add3A_53, %sub3A_75 : vector<2000x128xf32>
    %add3A_77 = arith.constant 9.99999974E-6 : f32
    %add3A_78 = vector.broadcast %add3A_77 : f32 to vector<2000x1xf32>
    %add3A_79 = arith.addf %div3A_74, %add3A_78 : vector<2000x1xf32>
    %sqrt3A_80 = math.sqrt %add3A_79 : vector<2000x1xf32>
    %div3A_81 = vector.broadcast %sqrt3A_80 : vector<2000x1xf32> to vector<2000x128xf32>
    %div3A_82 = arith.divf %sub3A_76, %div3A_81 : vector<2000x128xf32>
    %mul3A_83 = vector.broadcast %get3A_56 : vector<1x128xf32> to vector<2000x128xf32>
    %mul3A_84 = arith.mulf %div3A_82, %mul3A_83 : vector<2000x128xf32>
    %add3A_85 = vector.broadcast %get3A_59 : vector<1x128xf32> to vector<2000x128xf32>
    %add3A_86 = arith.addf %mul3A_84, %add3A_85 : vector<2000x128xf32>
    %max3A = arith.constant 0.000000e+00 : f32
    %max3A_87 = vector.broadcast %max3A : f32 to vector<2000x128xf32>
    %max3A_88 = arith.maximumf %add3A_86, %max3A_87 : vector<2000x128xf32>
    %swap3A = arith.constant 0 : index
    %swap3A_89 = arith.constant 0 : index
    %swap3A_90 = vector.load %arg12[%swap3A, %swap3A_89] : memref<2000x128xf32, #tpu.memory_space<vmem>>, vector<2000x128xf32>
    tpu.vector_store %arg12[%swap3A, %swap3A_89], %max3A_88 {strides = array<i32>} : memref<2000x128xf32, #tpu.memory_space<vmem>>, vector<2000x128xf32>,
    return
  }
  func.func @transform_0(%arg0: i32) -> (i32, i32) {
    %add3A = arith.constant 0 : i32
    %add3A_0 = arith.addi %arg0, %add3A : i32
    %c0_i32 = arith.constant 0 : i32
    %c0_i32_1 = arith.constant 0 : i32
    return %add3A_0, %c0_i32 : i32, i32
  }
  func.func @transform_1(%arg0: i32) -> (i32, i32) {
    %add3A = arith.constant 0 : i32
    %add3A_0 = arith.addi %arg0, %add3A : i32
    %c0_i32 = arith.constant 0 : i32
    %c0_i32_1 = arith.constant 0 : i32
    return %add3A_0, %c0_i32 : i32, i32
  }
  func.func @transform_2(%arg0: i32) -> (i32, i32) {
    %add3A = arith.constant 5 : i32
    %add3A_0 = arith.addi %arg0, %add3A : i32
    %c0_i32 = arith.constant 0 : i32
    %c0_i32_1 = arith.constant 0 : i32
    return %add3A_0, %c0_i32 : i32, i32
  }
  func.func @transform_3(%arg0: i32) -> (i32, i32) {
    %c0_i32 = arith.constant 0 : i32
    %c0_i32_0 = arith.constant 0 : i32
    %c0_i32_1 = arith.constant 0 : i32
    return %c0_i32, %c0_i32_0 : i32, i32
  }
  func.func @transform_4(%arg0: i32) -> (i32, i32) {
    %c0_i32 = arith.constant 0 : i32
    %c0_i32_0 = arith.constant 0 : i32
    %c0_i32_1 = arith.constant 0 : i32
    return %c0_i32, %c0_i32_0 : i32, i32
  }
  func.func @transform_5(%arg0: i32) -> (i32, i32) {
    %c0_i32 = arith.constant 0 : i32
    %c0_i32_0 = arith.constant 0 : i32
    %c0_i32_1 = arith.constant 0 : i32
    return %c0_i32, %c0_i32_0 : i32, i32
  }
  func.func @transform_6(%arg0: i32) -> (i32, i32) {
    %c0_i32 = arith.constant 0 : i32
    %c0_i32_0 = arith.constant 0 : i32
    %c0_i32_1 = arith.constant 0 : i32
    return %c0_i32, %c0_i32_0 : i32, i32
  }
  func.func @transform_7(%arg0: i32) -> (i32, i32) {
    %c0_i32 = arith.constant 0 : i32
    %c0_i32_0 = arith.constant 0 : i32
    %c0_i32_1 = arith.constant 0 : i32
    return %c0_i32, %c0_i32_0 : i32, i32
  }
  func.func @transform_8(%arg0: i32) -> (i32, i32) {
    %c0_i32 = arith.constant 0 : i32
    %c0_i32_0 = arith.constant 0 : i32
    %c0_i32_1 = arith.constant 0 : i32
    return %c0_i32, %c0_i32_0 : i32, i32
  }
  func.func @transform_9(%arg0: i32) -> (i32, i32) {
    %c0_i32 = arith.constant 0 : i32
    %c0_i32_0 = arith.constant 0 : i32
    %c0_i32_1 = arith.constant 0 : i32
    return %c0_i32, %c0_i32_0 : i32, i32
  }
  func.func @transform_10(%arg0: i32) -> (i32, i32) {
    %c0_i32 = arith.constant 0 : i32
    %c0_i32_0 = arith.constant 0 : i32
    %c0_i32_1 = arith.constant 0 : i32
    return %c0_i32, %c0_i32_0 : i32, i32
  }
  func.func @transform_11(%arg0: i32) -> (i32, i32) {
    %add3A = arith.constant 0 : i32
    %add3A_0 = arith.addi %arg0, %add3A : i32
    %c0_i32 = arith.constant 0 : i32
    %c0_i32_1 = arith.constant 0 : i32
    return %add3A_0, %c0_i32 : i32, i32
  }
}

module attributes {stable_mosaic.version = 14 : i64} {
  func.func @_mlp_pool_kernel(%arg0: i32, %arg1: memref<2000x128xf32, #tpu.memory_space<vmem>>, %arg2: memref<2000x128xf32, #tpu.memory_space<vmem>>, %arg3: memref<2000x128xf32, #tpu.memory_space<vmem>>, %arg4: memref<128x128xf32, #tpu.memory_space<vmem>>, %arg5: memref<1x128xf32, #tpu.memory_space<vmem>>, %arg6: memref<1x128xf32, #tpu.memory_space<vmem>>, %arg7: memref<1x128xf32, #tpu.memory_space<vmem>>, %arg8: memref<128x128xf32, #tpu.memory_space<vmem>>, %arg9: memref<1x128xf32, #tpu.memory_space<vmem>>, %arg10: memref<1x128xf32, #tpu.memory_space<vmem>>, %arg11: memref<1x128xf32, #tpu.memory_space<vmem>>, %arg12: memref<1x1x2000xi32, #tpu.memory_space<vmem>>, %arg13: memref<128x128xf32, #tpu.memory_space<vmem>>, %arg14: memref<1x128xf32, #tpu.memory_space<vmem>>, %arg15: memref<16x128xf32, #tpu.memory_space<vmem>>, %arg16: memref<16x128xf32, #tpu.memory_space<vmem>>, %arg17: memref<16x1xf32, #tpu.memory_space<vmem>>) attributes {dimension_semantics = [#tpu.dimension_semantics<arbitrary>], iteration_bounds = array<i64: 5>, scalar_prefetch = 0 : i64, scratch_operands = 2 : i64, tpu.core_type = #tpu.core_type<tc>, window_params = [{transform_indices = @transform_0, window_bounds = array<i64: 2000, 128>}, {transform_indices = @transform_1, window_bounds = array<i64: 2000, 128>}, {transform_indices = @transform_2, window_bounds = array<i64: 2000, 128>}, {pipeline_mode = #tpu.pipeline_mode<synchronous>, transform_indices = @transform_3, window_bounds = array<i64: 128, 128>}, {pipeline_mode = #tpu.pipeline_mode<synchronous>, transform_indices = @transform_4, window_bounds = array<i64: 1, 128>}, {pipeline_mode = #tpu.pipeline_mode<synchronous>, transform_indices = @transform_5, window_bounds = array<i64: 1, 128>}, {pipeline_mode = #tpu.pipeline_mode<synchronous>, transform_indices = @transform_6, window_bounds = array<i64: 1, 128>}, {pipeline_mode = #tpu.pipeline_mode<synchronous>, transform_indices = @transform_7, window_bounds = array<i64: 128, 128>}, {pipeline_mode = #tpu.pipeline_mode<synchronous>, transform_indices = @transform_8, window_bounds = array<i64: 1, 128>}, {pipeline_mode = #tpu.pipeline_mode<synchronous>, transform_indices = @transform_9, window_bounds = array<i64: 1, 128>}, {pipeline_mode = #tpu.pipeline_mode<synchronous>, transform_indices = @transform_10, window_bounds = array<i64: 1, 128>}, {transform_indices = @transform_11, window_bounds = array<i64: 1, 1, 2000>}, {pipeline_mode = #tpu.pipeline_mode<synchronous>, transform_indices = @transform_12, window_bounds = array<i64: 128, 128>}, {pipeline_mode = #tpu.pipeline_mode<synchronous>, transform_indices = @transform_13, window_bounds = array<i64: 1, 128>}, {pipeline_mode = #tpu.pipeline_mode<synchronous>, transform_indices = @transform_14, window_bounds = array<i64: 16, 128>}]} {
    %get3A = arith.constant 0 : index
    %get3A_0 = arith.constant 0 : index
    %get3A_1 = vector.load %arg1[%get3A, %get3A_0] : memref<2000x128xf32, #tpu.memory_space<vmem>>, vector<2000x128xf32>
    %get3A_2 = arith.constant 0 : index
    %get3A_3 = arith.constant 0 : index
    %get3A_4 = vector.load %arg2[%get3A_2, %get3A_3] : memref<2000x128xf32, #tpu.memory_space<vmem>>, vector<2000x128xf32>
    %add3A = arith.addf %get3A_1, %get3A_4 : vector<2000x128xf32>
    %get3A_5 = arith.constant 0 : index
    %get3A_6 = arith.constant 0 : index
    %get3A_7 = vector.load %arg3[%get3A_5, %get3A_6] : memref<2000x128xf32, #tpu.memory_space<vmem>>, vector<2000x128xf32>
    %add3A_8 = arith.addf %add3A, %get3A_7 : vector<2000x128xf32>
    %get3A_9 = arith.constant 0 : index
    %get3A_10 = arith.constant 0 : index
    %get3A_11 = vector.load %arg4[%get3A_9, %get3A_10] : memref<128x128xf32, #tpu.memory_space<vmem>>, vector<128x128xf32>
    %dot_general3A = arith.constant dense<0.000000e+00> : vector<2000x128xf32>
    %dot_general3A_12 = tpu.matmul %add3A_8, %get3A_11, %dot_general3A {dimension_numbers = #tpu.dot_dimension_numbers<[1], [0], [0], [1], [0, 0, 1, 1], [], []>, transpose_lhs_hint = false} : vector<2000x128xf32>, vector<128x128xf32>, vector<2000x128xf32> -> vector<2000x128xf32>
    %get3A_13 = arith.constant 0 : index
    %get3A_14 = arith.constant 0 : index
    %get3A_15 = vector.load %arg5[%get3A_13, %get3A_14] : memref<1x128xf32, #tpu.memory_space<vmem>>, vector<1x128xf32>
    %add3A_16 = vector.broadcast %get3A_15 : vector<1x128xf32> to vector<2000x128xf32>
    %add3A_17 = arith.addf %dot_general3A_12, %add3A_16 : vector<2000x128xf32>
    %get3A_18 = arith.constant 0 : index
    %get3A_19 = arith.constant 0 : index
    %get3A_20 = vector.load %arg6[%get3A_18, %get3A_19] : memref<1x128xf32, #tpu.memory_space<vmem>>, vector<1x128xf32>
    %get3A_21 = arith.constant 0 : index
    %get3A_22 = arith.constant 0 : index
    %get3A_23 = vector.load %arg7[%get3A_21, %get3A_22] : memref<1x128xf32, #tpu.memory_space<vmem>>, vector<1x128xf32>
    %reduce_sum3A = arith.constant dense<0.000000e+00> : vector<2000xf32>
    %reduce_sum3A_24 = vector.multi_reduction <add>, %add3A_17, %reduce_sum3A [1] : vector<2000x128xf32> to vector<2000xf32>
    %broadcast_in_dim3A = vector.shape_cast %reduce_sum3A_24 : vector<2000xf32> to vector<2000x1xf32>
    %div3A = arith.constant 1.280000e+02 : f32
    %div3A_25 = vector.broadcast %div3A : f32 to vector<2000x1xf32>
    %div3A_26 = arith.divf %broadcast_in_dim3A, %div3A_25 : vector<2000x1xf32>
    %sub3A = vector.broadcast %div3A_26 : vector<2000x1xf32> to vector<2000x128xf32>
    %sub3A_27 = arith.subf %add3A_17, %sub3A : vector<2000x128xf32>
    %integer_pow3A = arith.mulf %sub3A_27, %sub3A_27 : vector<2000x128xf32>
    %reduce_sum3A_28 = arith.constant dense<0.000000e+00> : vector<2000xf32>
    %reduce_sum3A_29 = vector.multi_reduction <add>, %integer_pow3A, %reduce_sum3A_28 [1] : vector<2000x128xf32> to vector<2000xf32>
    %broadcast_in_dim3A_30 = vector.shape_cast %reduce_sum3A_29 : vector<2000xf32> to vector<2000x1xf32>
    %div3A_31 = arith.constant 1.280000e+02 : f32
    %div3A_32 = vector.broadcast %div3A_31 : f32 to vector<2000x1xf32>
    %div3A_33 = arith.divf %broadcast_in_dim3A_30, %div3A_32 : vector<2000x1xf32>
    %sub3A_34 = vector.broadcast %div3A_26 : vector<2000x1xf32> to vector<2000x128xf32>
    %sub3A_35 = arith.subf %add3A_17, %sub3A_34 : vector<2000x128xf32>
    %add3A_36 = arith.constant 9.99999974E-6 : f32
    %add3A_37 = vector.broadcast %add3A_36 : f32 to vector<2000x1xf32>
    %add3A_38 = arith.addf %div3A_33, %add3A_37 : vector<2000x1xf32>
    %sqrt3A = math.sqrt %add3A_38 : vector<2000x1xf32>
    %div3A_39 = vector.broadcast %sqrt3A : vector<2000x1xf32> to vector<2000x128xf32>
    %div3A_40 = arith.divf %sub3A_35, %div3A_39 : vector<2000x128xf32>
    %mul3A = vector.broadcast %get3A_20 : vector<1x128xf32> to vector<2000x128xf32>
    %mul3A_41 = arith.mulf %div3A_40, %mul3A : vector<2000x128xf32>
    %add3A_42 = vector.broadcast %get3A_23 : vector<1x128xf32> to vector<2000x128xf32>
    %add3A_43 = arith.addf %mul3A_41, %add3A_42 : vector<2000x128xf32>
    %get3A_44 = arith.constant 0 : index
    %get3A_45 = arith.constant 0 : index
    %get3A_46 = vector.load %arg8[%get3A_44, %get3A_45] : memref<128x128xf32, #tpu.memory_space<vmem>>, vector<128x128xf32>
    %dot_general3A_47 = arith.constant dense<0.000000e+00> : vector<2000x128xf32>
    %dot_general3A_48 = tpu.matmul %add3A_43, %get3A_46, %dot_general3A_47 {dimension_numbers = #tpu.dot_dimension_numbers<[1], [0], [0], [1], [0, 0, 1, 1], [], []>, transpose_lhs_hint = false} : vector<2000x128xf32>, vector<128x128xf32>, vector<2000x128xf32> -> vector<2000x128xf32>
    %get3A_49 = arith.constant 0 : index
    %get3A_50 = arith.constant 0 : index
    %get3A_51 = vector.load %arg9[%get3A_49, %get3A_50] : memref<1x128xf32, #tpu.memory_space<vmem>>, vector<1x128xf32>
    %add3A_52 = vector.broadcast %get3A_51 : vector<1x128xf32> to vector<2000x128xf32>
    %add3A_53 = arith.addf %dot_general3A_48, %add3A_52 : vector<2000x128xf32>
    %get3A_54 = arith.constant 0 : index
    %get3A_55 = arith.constant 0 : index
    %get3A_56 = vector.load %arg10[%get3A_54, %get3A_55] : memref<1x128xf32, #tpu.memory_space<vmem>>, vector<1x128xf32>
    %get3A_57 = arith.constant 0 : index
    %get3A_58 = arith.constant 0 : index
    %get3A_59 = vector.load %arg11[%get3A_57, %get3A_58] : memref<1x128xf32, #tpu.memory_space<vmem>>, vector<1x128xf32>
    %reduce_sum3A_60 = arith.constant dense<0.000000e+00> : vector<2000xf32>
    %reduce_sum3A_61 = vector.multi_reduction <add>, %add3A_53, %reduce_sum3A_60 [1] : vector<2000x128xf32> to vector<2000xf32>
    %broadcast_in_dim3A_62 = vector.shape_cast %reduce_sum3A_61 : vector<2000xf32> to vector<2000x1xf32>
    %div3A_63 = arith.constant 1.280000e+02 : f32
    %div3A_64 = vector.broadcast %div3A_63 : f32 to vector<2000x1xf32>
    %div3A_65 = arith.divf %broadcast_in_dim3A_62, %div3A_64 : vector<2000x1xf32>
    %sub3A_66 = vector.broadcast %div3A_65 : vector<2000x1xf32> to vector<2000x128xf32>
    %sub3A_67 = arith.subf %add3A_53, %sub3A_66 : vector<2000x128xf32>
    %integer_pow3A_68 = arith.mulf %sub3A_67, %sub3A_67 : vector<2000x128xf32>
    %reduce_sum3A_69 = arith.constant dense<0.000000e+00> : vector<2000xf32>
    %reduce_sum3A_70 = vector.multi_reduction <add>, %integer_pow3A_68, %reduce_sum3A_69 [1] : vector<2000x128xf32> to vector<2000xf32>
    %broadcast_in_dim3A_71 = vector.shape_cast %reduce_sum3A_70 : vector<2000xf32> to vector<2000x1xf32>
    %div3A_72 = arith.constant 1.280000e+02 : f32
    %div3A_73 = vector.broadcast %div3A_72 : f32 to vector<2000x1xf32>
    %div3A_74 = arith.divf %broadcast_in_dim3A_71, %div3A_73 : vector<2000x1xf32>
    %sub3A_75 = vector.broadcast %div3A_65 : vector<2000x1xf32> to vector<2000x128xf32>
    %sub3A_76 = arith.subf %add3A_53, %sub3A_75 : vector<2000x128xf32>
    %add3A_77 = arith.constant 9.99999974E-6 : f32
    %add3A_78 = vector.broadcast %add3A_77 : f32 to vector<2000x1xf32>
    %add3A_79 = arith.addf %div3A_74, %add3A_78 : vector<2000x1xf32>
    %sqrt3A_80 = math.sqrt %add3A_79 : vector<2000x1xf32>
    %div3A_81 = vector.broadcast %sqrt3A_80 : vector<2000x1xf32> to vector<2000x128xf32>
    %div3A_82 = arith.divf %sub3A_76, %div3A_81 : vector<2000x128xf32>
    %mul3A_83 = vector.broadcast %get3A_56 : vector<1x128xf32> to vector<2000x128xf32>
    %mul3A_84 = arith.mulf %div3A_82, %mul3A_83 : vector<2000x128xf32>
    %add3A_85 = vector.broadcast %get3A_59 : vector<1x128xf32> to vector<2000x128xf32>
    %add3A_86 = arith.addf %mul3A_84, %add3A_85 : vector<2000x128xf32>
    %max3A = arith.constant 0.000000e+00 : f32
    %max3A_87 = vector.broadcast %max3A : f32 to vector<2000x128xf32>
    %max3A_88 = arith.maximumf %add3A_86, %max3A_87 : vector<2000x128xf32>
    %get3A_89 = arith.constant 0 : index
    %get3A_90 = arith.constant 0 : index
    %get3A_91 = arith.constant 0 : index
    %get3A_92 = vector.load %arg12[%get3A_89, %get3A_90, %get3A_91] : memref<1x1x2000xi32, #tpu.memory_space<vmem>>, vector<1x1x2000xi32>
    %get3A_93 = vector.shape_cast %get3A_92 : vector<1x1x2000xi32> to vector<1x2000xi32>
    %iota3A = tpu.iota {dimensions = array<i32: 0>} : vector<16x2000xi32>
    %eq3A = vector.broadcast %get3A_93 : vector<1x2000xi32> to vector<16x2000xi32>
    %eq3A_94 = arith.cmpi eq, %iota3A, %eq3A : vector<16x2000xi32>
    %convert_element_type3A = arith.extui %eq3A_94 : vector<16x2000xi1> to vector<16x2000xi32>
    %convert_element_type3A_95 = arith.sitofp %convert_element_type3A : vector<16x2000xi32> to vector<16x2000xf32>
    %dot_general3A_96 = arith.constant dense<0.000000e+00> : vector<16x128xf32>
    %dot_general3A_97 = tpu.matmul %convert_element_type3A_95, %max3A_88, %dot_general3A_96 {dimension_numbers = #tpu.dot_dimension_numbers<[1], [0], [0], [1], [0, 0, 1, 1], [], []>, transpose_lhs_hint = false} : vector<16x2000xf32>, vector<2000x128xf32>, vector<16x128xf32> -> vector<16x128xf32>
    %reduce_sum3A_98 = arith.constant dense<0.000000e+00> : vector<16xf32>
    %reduce_sum3A_99 = vector.multi_reduction <add>, %convert_element_type3A_95, %reduce_sum3A_98 [1] : vector<16x2000xf32> to vector<16xf32>
    %broadcast_in_dim3A_100 = vector.shape_cast %reduce_sum3A_99 : vector<16xf32> to vector<16x1xf32>
    %eq3A_101 = arith.constant 0 : i32
    %eq3A_102 = arith.cmpi eq, %arg0, %eq3A_101 : i32
    %convert_element_type3A_103 = arith.extui %eq3A_102 : i1 to i32
    %cond3A = arith.constant 0 : i32
    %cond3A_104 = arith.cmpi ne, %convert_element_type3A_103, %cond3A : i32
    scf.if %cond3A_104 {
      %broadcast_in_dim3A_123 = arith.constant 0.000000e+00 : f32
      %broadcast_in_dim3A_124 = vector.broadcast %broadcast_in_dim3A_123 : f32 to vector<16x128xf32>
      %swap3A_125 = arith.constant 0 : index
      %swap3A_126 = arith.constant 0 : index
      %swap3A_127 = vector.load %arg16[%swap3A_125, %swap3A_126] : memref<16x128xf32, #tpu.memory_space<vmem>>, vector<16x128xf32>
      tpu.vector_store %arg16[%swap3A_125, %swap3A_126], %broadcast_in_dim3A_124 {strides = array<i32>} : memref<16x128xf32, #tpu.memory_space<vmem>>, vector<16x128xf32>,
      %broadcast_in_dim3A_128 = arith.constant 0.000000e+00 : f32
      %broadcast_in_dim3A_129 = vector.broadcast %broadcast_in_dim3A_128 : f32 to vector<16x1xf32>
      %swap3A_130 = arith.constant 0 : index
      %swap3A_131 = arith.constant 0 : index
      %swap3A_132 = vector.load %arg17[%swap3A_130, %swap3A_131] : memref<16x1xf32, #tpu.memory_space<vmem>>, vector<16x1xf32>
      tpu.vector_store %arg17[%swap3A_130, %swap3A_131], %broadcast_in_dim3A_129 {strides = array<i32>} : memref<16x1xf32, #tpu.memory_space<vmem>>, vector<16x1xf32>,
    } else {
    }
    %get3A_105 = arith.constant 0 : index
    %get3A_106 = arith.constant 0 : index
    %get3A_107 = vector.load %arg16[%get3A_105, %get3A_106] : memref<16x128xf32, #tpu.memory_space<vmem>>, vector<16x128xf32>
    %add3A_108 = arith.addf %get3A_107, %dot_general3A_97 : vector<16x128xf32>
    %swap3A = arith.constant 0 : index
    %swap3A_109 = arith.constant 0 : index
    %swap3A_110 = vector.load %arg16[%swap3A, %swap3A_109] : memref<16x128xf32, #tpu.memory_space<vmem>>, vector<16x128xf32>
    tpu.vector_store %arg16[%swap3A, %swap3A_109], %add3A_108 {strides = array<i32>} : memref<16x128xf32, #tpu.memory_space<vmem>>, vector<16x128xf32>,
    %get3A_111 = arith.constant 0 : index
    %get3A_112 = arith.constant 0 : index
    %get3A_113 = vector.load %arg17[%get3A_111, %get3A_112] : memref<16x1xf32, #tpu.memory_space<vmem>>, vector<16x1xf32>
    %add3A_114 = arith.addf %get3A_113, %broadcast_in_dim3A_100 : vector<16x1xf32>
    %swap3A_115 = arith.constant 0 : index
    %swap3A_116 = arith.constant 0 : index
    %swap3A_117 = vector.load %arg17[%swap3A_115, %swap3A_116] : memref<16x1xf32, #tpu.memory_space<vmem>>, vector<16x1xf32>
    tpu.vector_store %arg17[%swap3A_115, %swap3A_116], %add3A_114 {strides = array<i32>} : memref<16x1xf32, #tpu.memory_space<vmem>>, vector<16x1xf32>,
    %eq3A_118 = arith.constant 4 : i32
    %eq3A_119 = arith.cmpi eq, %arg0, %eq3A_118 : i32
    %convert_element_type3A_120 = arith.extui %eq3A_119 : i1 to i32
    %cond3A_121 = arith.constant 0 : i32
    %cond3A_122 = arith.cmpi ne, %convert_element_type3A_120, %cond3A_121 : i32
    scf.if %cond3A_122 {
      %get3A_123 = arith.constant 0 : index
      %get3A_124 = arith.constant 0 : index
      %get3A_125 = vector.load %arg16[%get3A_123, %get3A_124] : memref<16x128xf32, #tpu.memory_space<vmem>>, vector<16x128xf32>
      %get3A_126 = arith.constant 0 : index
      %get3A_127 = arith.constant 0 : index
      %get3A_128 = vector.load %arg17[%get3A_126, %get3A_127] : memref<16x1xf32, #tpu.memory_space<vmem>>, vector<16x1xf32>
      %max3A_129 = arith.constant 1.000000e+00 : f32
      %max3A_130 = vector.broadcast %max3A_129 : f32 to vector<16x1xf32>
      %max3A_131 = arith.maximumf %get3A_128, %max3A_130 : vector<16x1xf32>
      %div3A_132 = vector.broadcast %max3A_131 : vector<16x1xf32> to vector<16x128xf32>
      %div3A_133 = arith.divf %get3A_125, %div3A_132 : vector<16x128xf32>
      %get3A_134 = arith.constant 0 : index
      %get3A_135 = arith.constant 0 : index
      %get3A_136 = vector.load %arg13[%get3A_134, %get3A_135] : memref<128x128xf32, #tpu.memory_space<vmem>>, vector<128x128xf32>
      %dot_general3A_137 = arith.constant dense<0.000000e+00> : vector<16x128xf32>
      %dot_general3A_138 = tpu.matmul %div3A_133, %get3A_136, %dot_general3A_137 {dimension_numbers = #tpu.dot_dimension_numbers<[1], [0], [0], [1], [0, 0, 1, 1], [], []>, transpose_lhs_hint = false} : vector<16x128xf32>, vector<128x128xf32>, vector<16x128xf32> -> vector<16x128xf32>
      %get3A_139 = arith.constant 0 : index
      %get3A_140 = arith.constant 0 : index
      %get3A_141 = vector.load %arg14[%get3A_139, %get3A_140] : memref<1x128xf32, #tpu.memory_space<vmem>>, vector<1x128xf32>
      %add3A_142 = vector.broadcast %get3A_141 : vector<1x128xf32> to vector<16x128xf32>
      %add3A_143 = arith.addf %dot_general3A_138, %add3A_142 : vector<16x128xf32>
      %swap3A_144 = arith.constant 0 : index
      %swap3A_145 = arith.constant 0 : index
      %swap3A_146 = vector.load %arg15[%swap3A_144, %swap3A_145] : memref<16x128xf32, #tpu.memory_space<vmem>>, vector<16x128xf32>
      tpu.vector_store %arg15[%swap3A_144, %swap3A_145], %add3A_143 {strides = array<i32>} : memref<16x128xf32, #tpu.memory_space<vmem>>, vector<16x128xf32>,
    } else {
    }
    return
  }
  func.func @transform_0(%arg0: i32) -> (i32, i32) {
    %add3A = arith.constant 0 : i32
    %add3A_0 = arith.addi %arg0, %add3A : i32
    %c0_i32 = arith.constant 0 : i32
    %c0_i32_1 = arith.constant 0 : i32
    return %add3A_0, %c0_i32 : i32, i32
  }
  func.func @transform_1(%arg0: i32) -> (i32, i32) {
    %add3A = arith.constant 0 : i32
    %add3A_0 = arith.addi %arg0, %add3A : i32
    %c0_i32 = arith.constant 0 : i32
    %c0_i32_1 = arith.constant 0 : i32
    return %add3A_0, %c0_i32 : i32, i32
  }
  func.func @transform_2(%arg0: i32) -> (i32, i32) {
    %add3A = arith.constant 5 : i32
    %add3A_0 = arith.addi %arg0, %add3A : i32
    %c0_i32 = arith.constant 0 : i32
    %c0_i32_1 = arith.constant 0 : i32
    return %add3A_0, %c0_i32 : i32, i32
  }
  func.func @transform_3(%arg0: i32) -> (i32, i32) {
    %c0_i32 = arith.constant 0 : i32
    %c0_i32_0 = arith.constant 0 : i32
    %c0_i32_1 = arith.constant 0 : i32
    return %c0_i32, %c0_i32_0 : i32, i32
  }
  func.func @transform_4(%arg0: i32) -> (i32, i32) {
    %c0_i32 = arith.constant 0 : i32
    %c0_i32_0 = arith.constant 0 : i32
    %c0_i32_1 = arith.constant 0 : i32
    return %c0_i32, %c0_i32_0 : i32, i32
  }
  func.func @transform_5(%arg0: i32) -> (i32, i32) {
    %c0_i32 = arith.constant 0 : i32
    %c0_i32_0 = arith.constant 0 : i32
    %c0_i32_1 = arith.constant 0 : i32
    return %c0_i32, %c0_i32_0 : i32, i32
  }
  func.func @transform_6(%arg0: i32) -> (i32, i32) {
    %c0_i32 = arith.constant 0 : i32
    %c0_i32_0 = arith.constant 0 : i32
    %c0_i32_1 = arith.constant 0 : i32
    return %c0_i32, %c0_i32_0 : i32, i32
  }
  func.func @transform_7(%arg0: i32) -> (i32, i32) {
    %c0_i32 = arith.constant 0 : i32
    %c0_i32_0 = arith.constant 0 : i32
    %c0_i32_1 = arith.constant 0 : i32
    return %c0_i32, %c0_i32_0 : i32, i32
  }
  func.func @transform_8(%arg0: i32) -> (i32, i32) {
    %c0_i32 = arith.constant 0 : i32
    %c0_i32_0 = arith.constant 0 : i32
    %c0_i32_1 = arith.constant 0 : i32
    return %c0_i32, %c0_i32_0 : i32, i32
  }
  func.func @transform_9(%arg0: i32) -> (i32, i32) {
    %c0_i32 = arith.constant 0 : i32
    %c0_i32_0 = arith.constant 0 : i32
    %c0_i32_1 = arith.constant 0 : i32
    return %c0_i32, %c0_i32_0 : i32, i32
  }
  func.func @transform_10(%arg0: i32) -> (i32, i32) {
    %c0_i32 = arith.constant 0 : i32
    %c0_i32_0 = arith.constant 0 : i32
    %c0_i32_1 = arith.constant 0 : i32
    return %c0_i32, %c0_i32_0 : i32, i32
  }
  func.func @transform_11(%arg0: i32) -> (i32, i32, i32) {
    %c0_i32 = arith.constant 0 : i32
    %c0_i32_0 = arith.constant 0 : i32
    %c0_i32_1 = arith.constant 0 : i32
    return %arg0, %c0_i32, %c0_i32_0 : i32, i32, i32
  }
  func.func @transform_12(%arg0: i32) -> (i32, i32) {
    %c0_i32 = arith.constant 0 : i32
    %c0_i32_0 = arith.constant 0 : i32
    %c0_i32_1 = arith.constant 0 : i32
    return %c0_i32, %c0_i32_0 : i32, i32
  }
  func.func @transform_13(%arg0: i32) -> (i32, i32) {
    %c0_i32 = arith.constant 0 : i32
    %c0_i32_0 = arith.constant 0 : i32
    %c0_i32_1 = arith.constant 0 : i32
    return %c0_i32, %c0_i32_0 : i32, i32
  }
  func.func @transform_14(%arg0: i32) -> (i32, i32) {
    %c0_i32 = arith.constant 0 : i32
    %c0_i32_0 = arith.constant 0 : i32
    %c0_i32_1 = arith.constant 0 : i32
    return %c0_i32, %c0_i32_0 : i32, i32
  }
}

</mosaic_0001>

<sc_bundles>
// kernel: kernel.6.cloned.1.call-start
scs
__scs_entry_jumppad:
0x0: {  	(pc) =	sbr.rel $0x88, $3  }
0x1: {  	(tag) =	ssettag $0x0;
	lr =	simm.s32 $0x1  }
0x2: {  	[smem:$0x3F8C] =	sst lr;
	_ =	strace $0xD0000000  }
0x3: {  	_ = 	snop  }
0x4: {  	_ = 	snop  }
0x5: {  	_ = 	snop  }
0x6: {  	_ = 	snop  }
0x7: {  	_ = 	snop  }
__scs_overlays_trampoline_lowered:
0x8: {  	[smem:$0x3F9B] =	sst s0  }
0x9: {  	[smem:$0x3F9C] =	sst s1  }
0xa: {  	[smem:$0x3F9D] =	sst s2  }
0xb: {  	[smem:$0x3F9E] =	sst s3  }
0xc: {  	[smem:$0x3F9F] =	sst s4  }
0xd: {  	[smem:$0x3FA0] =	sst s5  }
0xe: {  	[smem:$0x3FA1] =	sst s6  }
0xf: {  	[smem:$0x3FA2] =	sst s7  }
0x10: {  	[smem:$0x3FA3] =	sst s8  }
0x11: {  	[smem:$0x3FA4] =	sst s9;
	s0 =	simm.s32 @!p0 $0x0  }
0x12: {  	s1 =	sld [smem:$0x3F8A];
	s0 =	simm.s32 @p0 $0x1  }
0x13: {  	[smem:$0x3FA5] =	sst s0;
	s0 =	simm.s32 @!p1 $0x0  }
0x14: {  	s2 =	sld [smem:$0x3F89];
	s0 =	simm.s32 @p1 $0x1  }
0x15: {  	[smem:$0x3FA6] =	sst s0;
	s0 =	simm.s32 @!p2 $0x0  }
0x16: {  	s3 =	sld [smem:$0x3FDB];
	s0 =	simm.s32 @p2 $0x1  }
0x17: {  	s4 =	simm.s32 $0x1BF5;
	[smem:$0x3FA8] =	sst s0  }
0x18: {  	s0 =	sld [smem:$0x3F8B];
	_ =	swait.ge [sflag:s4], $0x0  }
0x19: {  	s7 =	sld [smem:$0x3F8C]  }
0x1a: {  	s8 =	sadd.s32 $0xFFFFE003, lr  }
0x1b: {  	s9 =	sadd.s32 $0xFFFFFEF7, lr;
	s5 =	simm.s32 $0xFFFFFFFF;
	p2 =	slt.u32 s8, $0xFFFFF086  }
0x1c: {  	p1 =	slt.u32 s9, $0xF7A;
	s5 =	simm.s32 @!p2 $0x0  }
0x1d: {  	s5 =	simm.s32 @p1 $0x1;
	p0 =	seq.s32 s7, s2  }
0x1e: {  	s7 =	smul.u32 @!p0 $0xF7A, s2;
	p2 =	seq.s32 @!p0 s5, $0x0  }
0x1f: {  	s9 =	smul.u32 $0xF7A, s1;
	s8 =	simm.s32 @!p0 $0x1BF5;
	p2 =	por !p2, p0  }
0x20: {  	[sflag:s8] =	ssyncset.s32 @!p0 $0xFFFFF086;
	s6 =	sadd.s32 @!p0 s3, s7;
	s7 =	simm.s32 @!p0 $0x108  }
0x21: {  	s3 =	sadd.s32 s3, s9;
	s6 =	sadd.s32 @!p0 $0x88, s6;
	s7 =	simm.s32 @p2 $0x1082  }
0x22: {  	[simem:s7], [sflag:s8] =	dma.local @!p0 [hbm:s6], $0xF7A  }
0x23: {  	s9 =	sor.u32 $0xD0000000, s2;
	s6 =	simm.s32 $0x108;
	_ =	swait.ge @!p0 [sflag:s8], $0x0  }
0x24: {  	s3 =	sadd.s32 $0x88, s3;
	s6 =	simm.s32 @!p1 $0x1082;
	[sflag:s4] =	ssyncset.s32 $0xFFFFF086  }
0x25: {  	[simem:s6], [sflag:s4] =	dma.local [hbm:s3], $0xF7A  }
0x26: {  	[smem:$0x3F8C] =	sst s1;
	(tag) =	ssettag s2;
	_ =	strace s9  }
0x27: {  	s1 =	sld [smem:$0x3F9C]  }
0x28: {  	s2 =	sld [smem:$0x3F9D]  }
0x29: {  	s4 =	sld [smem:$0x3F9F]  }
0x2a: {  	p0 =	seq.s32 s5, $0x0;
	s5 =	sld [smem:$0x3FA0]  }
0x2b: {  	s6 =	sld [smem:$0x3FA1]  }
0x2c: {  	s7 =	sld [smem:$0x3FA2]  }
0x2d: {  	s3 =	simm.s32 $0x108;
	s8 =	sld [smem:$0x3FA3]  }
0x2e: {  	s3 =	simm.s32 @!p0 $0x1082;
	s9 =	sld [smem:$0x3FA4]  }
0x2f: {  	lr =	sadd.s32 s0, s3;
	s0 =	sld [smem:$0x3F9B]  }
0x30: {  	s3 =	sld [smem:$0x3F9E]  }
0x31: {  	[smem:$0x3FA7] =	sst s10  }
0x32: {  	s10 =	sld [smem:$0x3FA5];
	_ =	sdelay $0x3  }
0x33: {  	p0 =	seq.s32 s10, $0x1;
	s10 =	sld [smem:$0x3FA7];
	_ =	sdelay $0x3  }
0x34: {  	[smem:$0x3FA7] =	sst s10  }
0x35: {  	s10 =	sld [smem:$0x3FA6];
	_ =	sdelay $0x3  }
0x36: {  	p1 =	seq.s32 s10, $0x1;
	s10 =	sld [smem:$0x3FA7];
	_ =	sdelay $0x3  }
0x37: {  	[smem:$0x3FA7] =	sst s10  }
0x38: {  	s10 =	sld [smem:$0x3FA8]  }
0x39: {  	_ = 	snop;
	(pc) =	sbr.ind lr, $3  }
0x3a: {  	_ = 	snop  }
0x3b: {  	_ = 	snop  }
0x3c: {  	p2 =	seq.s32 s10, $0x1;
	s10 =	sld [smem:$0x3FA7]  }
0x3d: {  	_ =	shalt  }
0x3e: {  	_ =	shalt  }
0x3f: {  	_ =	shalt  }
0x40: {  	_ =	shalt  }
0x41: {  	_ =	shalt  }
0x42: {  	_ =	shalt  }
0x43: {  	_ =	shalt  }
0x44: {  	_ =	shalt  }
0x45: {  	_ =	shalt  }
0x46: {  	_ =	shalt  }
0x47: {  	_ =	shalt  }
0x48: {  	_ =	shalt  }
0x49: {  	_ =	shalt  }
0x4a: {  	_ =	shalt  }
0x4b: {  	_ =	shalt  }
0x4c: {  	_ =	shalt  }
0x4d: {  	_ =	shalt  }
0x4e: {  	_ =	shalt  }
0x4f: {  	_ =	shalt  }
0x50: {  	_ =	shalt  }
0x51: {  	_ =	shalt  }
0x52: {  	_ =	shalt  }
0x53: {  	_ =	shalt  }
0x54: {  	_ =	shalt  }
0x55: {  	_ =	shalt  }
0x56: {  	_ =	shalt  }
0x57: {  	_ =	shalt  }
0x58: {  	_ =	shalt  }
0x59: {  	_ =	shalt  }
0x5a: {  	_ =	shalt  }
0x5b: {  	_ =	shalt  }
0x5c: {  	_ =	shalt  }
0x5d: {  	_ =	shalt  }
0x5e: {  	_ =	shalt  }
0x5f: {  	_ =	shalt  }
0x60: {  	_ =	shalt  }
0x61: {  	_ =	shalt  }
0x62: {  	_ =	shalt  }
0x63: {  	_ =	shalt  }
0x64: {  	_ =	shalt  }
0x65: {  	_ =	shalt  }
0x66: {  	_ =	shalt  }
0x67: {  	_ =	shalt  }
0x68: {  	_ =	shalt  }
0x69: {  	_ =	shalt  }
0x6a: {  	_ =	shalt  }
0x6b: {  	_ =	shalt  }
0x6c: {  	_ =	shalt  }
0x6d: {  	_ =	shalt  }
0x6e: {  	_ =	shalt  }
0x6f: {  	_ =	shalt  }
0x70: {  	_ =	shalt  }
0x71: {  	_ =	shalt  }
0x72: {  	_ =	shalt  }
0x73: {  	_ =	shalt  }
0x74: {  	_ =	shalt  }
0x75: {  	_ =	shalt  }
0x76: {  	_ =	shalt  }
0x77: {  	_ =	shalt  }
0x78: {  	_ =	shalt  }
0x79: {  	_ =	shalt  }
0x7a: {  	_ =	shalt  }
0x7b: {  	_ =	shalt  }
0x7c: {  	_ =	shalt  }
0x7d: {  	_ =	shalt  }
0x7e: {  	_ =	shalt  }
0x7f: {  	_ =	shalt  }
0x80: {  	_ =	shalt  }
0x81: {  	_ =	shalt  }
0x82: {  	_ =	shalt  }
0x83: {  	_ =	shalt  }
0x84: {  	_ =	shalt  }
0x85: {  	_ =	shalt  }
0x86: {  	_ =	shalt  }
0x87: {  	_ =	shalt  }
.Lfunc_end0:
.L_simem_size_0:
called_computation_lowered:
.L_overlay_start_0:
0x88: {  	s2 =	sld [smem:$0x3FD9]  }
0x89: {  	s3 =	sld [smem:$0x3FFE];
	_ =	sdelay $0x1  }
0x8a: {  	s1 =	srdreg.scid  }
0x8b: {  	s0 =	sand.u32 $0x1, s1  }
0x8c: {  	s17 =	sshll.u32 s0, $0xA;
	s2 =	sadd.s32 s3, s2  }
0x8d: {  	s2 =	sadd.s32 s2, s17  }
0x8e: {  	[smem:$0x3FB3] =	sst s2  }
0x8f: {  	_ = 	snop  }
0x90: {  	s2 =	sld [smem:$0x3FC9];
	(tm) =	ssettm $0x1  }
0x91: {  	s18 =	sld [smem:$0x3FFB];
	_ =	sdelay $0x3  }
0x92: {  	_ =	strace s18  }
0x93: {  	s3 =	sld [smem:$0x3FFC];
	_ =	sdelay $0x3  }
0x94: {  	_ =	strace s3  }
0x95: {  	s3 =	sld [smem:$0x3FFD];
	_ =	sdelay $0x3  }
0x96: {  	_ =	strace s3  }
0x97: {  	_ =	strace $0x8FFFFFFF  }
0x98: {  	s19 =	sld [smem:$0x3FDB];
	_ =	sdelay $0x1  }
0x99: {  	s4 =	simm.s32 $_scs_section_size  }
0x9a: {  	s5 =	simm.s32 $_size__tile_overlayer_lowered;
	s6 =	simm.s32 $_tile_overlayer_lowered  }
0x9b: {  	s22 =	simm.s32 $0x1BFF;
	s21 =	sshll.u32 s6, $0x1;
	s3 =	sadd.s32 s4, s19  }
0x9c: {  	s7 =	simm.s32 $0x0;
	s20 =	sshll.u32 s5, $0x1;
	s5 =	sadd.s32 s21, s3  }
0x9d: {  	[timem:s7], [sflag:s22] =	dma.local [hbm:s5], s20  }
0x9e: {  	_ =	swait.ge [sflag:s22], s20  }
0x9f: {  	s4 =	ssub.s32 $0x0, s20;
	[sflag:s22] =	ssyncset.done $0x0  }
0xa0: {  	[sflag:s22] =	ssyncadd.s32 s4;
	_ =	sdelay $0x1  }
0xa1: {  	s23 =	simm.s32 $0x1B8B  }
0xa2: {  	_ =	swait.ge [sflag:s23], $0x1  }
0xa3: {  	[sflag:s23] =	ssyncset.done $0x0  }
0xa4: {  	s25 =	simm.s32 $0x1B8E;
	s24 =	sld [smem:$0x3FFE];
	[sflag:s23] =	ssyncadd.s32 $0xFFFFFFFF  }
0xa5: {  	s26 =	simm.s32 $execute0_lowered;
	[smem:$0x3FD2] =	sst s25  }
0xa6: {  	s5 =	sshll.u32 s26, $0x1;
	_ =	strace $0x80000046;
	[dreg:$0x1] =	wrdreg $0xFFFFFFFF  }
0xa7: {  	s28 =	simm.s32 $_size_execute0_lowered;
	s3 =	sadd.s32 s3, s5;
	[dreg:$0x0] =	wrdreg $0x0  }
0xa8: {  	s5 =	sshll.u32 s28, $0x1;
	[dreg:$0x2] =	wrdreg s3  }
0xa9: {  	[dreg:$0x3] =	wrdreg s5  }
0xaa: {  	[dreg:$0x4] =	wrdreg $0xC0  }
0xab: {  	_ =	task [dreg:s7], $0x5FFFF  }
0xac: {  	[dreg:$0x1] =	wrdreg $0xFFFFFFFF  }
0xad: {  	[dreg:$0x0] =	wrdreg $0x60  }
0xae: {  	[dreg:$0x2] =	wrdreg s2  }
0xaf: {  	[dreg:$0x3] =	wrdreg s24  }
0xb0: {  	[dreg:$0x4] =	wrdreg $0xB7800  }
0xb1: {  	[dreg:$0x5] =	wrdreg $0x9  }
0xb2: {  	_ =	task.clear_ibuf [dreg:s7], $0x6FFFF;
	_ =	strace $0x90000046  }
0xb3: {  	s29 =	simm.s32 $0x9;
	_ =	strace $0x80000048  }
0xb4: {  	_ =	swait.ge [sflag:s29], $0x1  }
0xb5: {  	[sflag:s29] =	ssyncadd.s32 $0xFFFFFFFF  }
0xb6: {  	_ =	strace $0x90000048  }
0xb7: {  	_ =	sfence  }
0xb8: {  	s30 =	sld [smem:$0x0];
	_ =	sdelay $0x2  }
0xb9: {  	s31 =	sshll.u32 s1, $0xD;
	s1 =	sshrl.u32 s1, $0x2  }
0xba: {  	s3 =	sand.u32 $0x4000, s31;
	s1 =	sadd.s32 s1, s30  }
0xbb: {  	s0 =	sor.u32 s3, s0;
	s1 =	sshll.u32 s1, $0x11  }
0xbc: {  	s0 =	sor.u32 s1, s0  }
0xbd: {  	s0 =	sadd.s32 $0x8F2B, s0  }
0xbe: {  	[sflag:s0] =	ssyncadd.remote.s32 $0x1  }
0xbf: {  	_ =	sfence.sel $0xFFFF  }
0xc0: {  	[dreg:$0x0] =	wrdreg $0xFFFFFFFF;
	(pc) =	sbr.abs _section_cstart, $3  }
0xc1: {  	[dreg:$0x1] =	wrdreg $0xFFFFFFFF  }
0xc2: {  	_ =	task.clear_ibuf [dreg:s7], $0x2FFFF;
	_ =	strace $0x9FFFFFFF  }
0xc3: {  	(tm) =	ssettm $0x7FFFFFFF  }
tec
execute0_lowered:
.L_overlay_start_1:
0x0: {  	(tag) =	ssettag $0x1  }
0x1: {  	s1 =	rddreg [dreg:$0x0];
	s0 =	srdreg.scid  }
0x2: {  	s26 =	stileid.u32;
	s2 =	rddreg [dreg:$0x1]  }
0x3: {  	s3 =	rddreg [dreg:$0x2];
	s28 =	simm.s32 $0x50;
	s30 =	simm.s32 $0x2800  }
0x4: {  	s31 =	simm.s32 $0x1;
	s0 =	sand.u32 $0x1, s0;
	s8 =	smul.u32 $0xA000, s26  }
0x5: {  	s4 =	sshll.u32 s26, $0x1;
	s11 =	smul.u32 $0x50, s26;
	s12 =	sor.u32 $0x10, s26  }
0x6: {  	s16 =	sor.u32 $0x20, s26;
	s20 =	sor.u32 $0x40, s26;
	s21 =	sor.u32 $0x60, s26  }
0x7: {  	s25 =	sor.u32 $0x70, s26;
	p1 =	sgt.u32 s26, $0xC;
	s17 =	smul.u32 $0x2710, s0  }
0x8: {  	s5 =	sor.u32 s0, s4;
	s4 =	simm.s32 $0x0;
	s10 =	smul.u32 $0xA000, s12  }
0x9: {  	s7 =	ssub.s32 $0x2, s0;
	s0 =	sadd.s32 $0x1D400, s2;
	s23 =	smul.u32 $0x50, s25  }
0xa: {  	p0 =	sgt.u32 s25, $0x7C;
	s6 =	smul.u32 $0x4E2, s5;
	[smem:$0x7FF] =	sst s4  }
0xb: {  	s5 =	sshll.u32 s5, $0xB;
	s9 =	sshrl.u32 s7, $0x1;
	s8 =	sshrl.u32 s8, $0x2  }
0xc: {  	_ =	strace $0x80000047;
	s5 =	sadd.s32 s5, s2;
	s13 =	sadd.s32 s11, s17  }
0xd: {  	s15 =	sshrl.u32 s10, $0x2;
	s11 =	smul.u32 $0x50, s16;
	s6 =	sadd.s32 s6, s2  }
0xe: {  	s2 =	ssub.s32 s7, s9;
	s5 =	sadd.s32 $0xD400, s5;
	s7 =	sadd.s32 s8, s3  }
0xf: {  	s14 =	sshll.u32 s13, $0x4;
	s9 =	sadd.s32 s15, s3;
	s15 =	smul.u32 $0xA000, s20  }
0x10: {  	s13 =	sor.u32 $0x30, s26;
	[dreg:$0x5] =	wrdreg s5;
	s5 =	smul.u32 $0x50, s12  }
0x11: {  	s6 =	sadd.s32 $0x3600, s6;
	s8 =	sadd.s32 s0, s14;
	s12 =	smul.u32 $0xA000, s16  }
0x12: {  	s18 =	sadd.s32 s17, s11;
	s14 =	smul.u32 $0xA000, s13;
	s5 =	sadd.s32 s17, s5  }
0x13: {  	s13 =	smul.u32 $0x50, s13;
	[dreg:$0x4] =	wrdreg s6;
	s5 =	sshll.u32 s5, $0x4  }
0x14: {  	s19 =	sshrl.u32 s12, $0x2;
	s10 =	sadd.s32 s0, s5;
	s5 =	sshll.u32 s18, $0x4  }
0x15: {  	s18 =	sor.u32 $0x50, s26;
	s12 =	sadd.s32 s0, s5;
	s5 =	smul.u32 $0x50, s20  }
0x16: {  	s15 =	sshrl.u32 s15, $0x2;
	s11 =	sadd.s32 s19, s3;
	s19 =	smul.u32 $0xA000, s18  }
0x17: {  	s14 =	sshrl.u32 s14, $0x2;
	s13 =	sadd.s32 s17, s13;
	s18 =	smul.u32 $0x50, s18  }
0x18: {  	s15 =	sadd.s32 s15, s3;
	s16 =	sshll.u32 s13, $0x4;
	s20 =	smul.u32 $0xA000, s21  }
0x19: {  	s13 =	sadd.s32 s14, s3;
	s14 =	sadd.s32 s0, s16;
	s21 =	smul.u32 $0x50, s21  }
0x1a: {  	s5 =	sadd.s32 s17, s5;
	s22 =	sadd.s32 s17, s18;
	s19 =	sshrl.u32 s19, $0x2  }
0x1b: {  	s20 =	sshrl.u32 s20, $0x2;
	s21 =	sadd.s32 s17, s21;
	s5 =	sshll.u32 s5, $0x4  }
0x1c: {  	s24 =	sshll.u32 s21, $0x4;
	s16 =	sadd.s32 s0, s5;
	s5 =	sshll.u32 s22, $0x4  }
0x1d: {  	s22 =	sadd.s32 s17, s23;
	s23 =	smul.u32 $0xA000, s25;
	s17 =	sadd.s32 s19, s3  }
0x1e: {  	s19 =	sadd.s32 s20, s3;
	s20 =	sadd.s32 s0, s24;
	s24 =	simm.s32 $0x5000  }
0x1f: {  	s25 =	simm.s32 $0x3;
	s18 =	sadd.s32 s0, s5;
	s22 =	sshll.u32 s22, $0x4  }
0x20: {  	s29 =	sshrl.u32 s23, $0x2;
	s22 =	sadd.s32 s0, s22;
	s23 =	smax.u32 s2, $0x1  }
0x21: {  	v0 =	vimm.f32 $0.0e+00;
	s2 =	simm.s32 $0x2;
	s0 =	simm.s32 $0x0;
	s21 =	sadd.s32 s29, s3  }
.LBB2_1:
0x22: {  	s5 =	rddreg [dreg:$0x4]  }
0x23: {  	[tilespmem:s24], [sflag:$0x3] =	stream.linear.gather [hbm4b:s5+s4], $0x2710, $0x38;
	[tilespmem:$0x1F000] =	vst v63  }
0x24: {  	_ =	swait.ge [sflag:s25], $0x2710  }
0x25: {  	[sflag:s25] =	ssyncset.done $0x0  }
0x26: {  	s6 =	simm.s32 $0x7780;
	s26 =	rddreg [dreg:$0x5];
	[sflag:s25] =	ssyncadd.s32 $0xFFFFD8F0  }
0x27: {  	[tilespmem:s6], [sflag:$0x3] =	stream.linear.gather [hbm4b:s26+s4], $0x3E80, $0x38;
	[tilespmem:$0x1F000] =	vst v63  }
0x28: {  	_ =	swait.ge [sflag:s25], $0x3E80  }
0x29: {  	[sflag:s25] =	ssyncset.done $0x0  }
0x2a: {  	s29 =	simm.s32 $0x200;
	s26 =	simm.s32 $0x0;
	[sflag:s25] =	ssyncadd.s32 $0xFFFFC180  }
.LBB2_2:
0x2b: {  	p2 =	sne.s32 s29, $0x9E00;
	[tilespmem:s26+$0x70] =	vst v0  }
0x2c: {  	[tilespmem:s26+$0x0] =	vst v0  }
0x2d: {  	[tilespmem:s26+$0x10] =	vst v0  }
.Ltmp0:
0x2e: {  	[tilespmem:s26+$0x20] =	vst v0;
	(pc) =	sbr.rel @p2 .LBB2_2-.Ltmp0, $4  }
0x2f: {  	[tilespmem:s26+$0x30] =	vst v0  }
0x30: {  	[tilespmem:s26+$0x40] =	vst v0  }
0x31: {  	[tilespmem:s26+$0x50] =	vst v0  }
0x32: {  	[tilespmem:s26+$0x60] =	vst v0;
	s26 =	sshra.s32 s29, $0x2;
	s29 =	sadd.s32 $0x200, s29  }
0x33: {  	[tilespmem:s26+$0x70] =	vst v0  }
0x34: {  	[tilespmem:s26+$0x0] =	vst v0  }
0x35: {  	[tilespmem:s26+$0x10] =	vst v0  }
0x36: {  	[tilespmem:s26+$0x20] =	vst v0  }
0x37: {  	[tilespmem:s26+$0x30] =	vst v0  }
0x38: {  	[tilespmem:s26+$0x40] =	vst v0  }
0x39: {  	[tilespmem:s26+$0x50] =	vst v0  }
0x3a: {  	[tilespmem:s26+$0x60] =	vst v0  }
0x3b: {  	[spmem:s7] =	stream.linear.scatter [tilespmem:s4], [sflag:$0x3], $0x2800, $0x38;
	[tilespmem:$0x1F000] =	vst v63  }
0x3c: {  	_ =	swait.ge [sflag:s25], $0x2800  }
0x3d: {  	[sflag:s25] =	ssyncset.done $0x0  }
0x3e: {  	[sflag:s25] =	ssyncadd.s32 $0xFFFFD800  }
0x3f: {  	[spmem:s9] =	stream.linear.scatter [tilespmem:s4], [sflag:$0x3], $0x2800, $0x38;
	[tilespmem:$0x1F000] =	vst v63  }
0x40: {  	_ =	swait.ge [sflag:s25], $0x2800  }
0x41: {  	[sflag:s25] =	ssyncset.done $0x0  }
0x42: {  	[sflag:s25] =	ssyncadd.s32 $0xFFFFD800  }
0x43: {  	[spmem:s11] =	stream.linear.scatter [tilespmem:s4], [sflag:$0x3], $0x2800, $0x38;
	[tilespmem:$0x1F000] =	vst v63  }
0x44: {  	_ =	swait.ge [sflag:s25], $0x2800  }
0x45: {  	[sflag:s25] =	ssyncset.done $0x0  }
0x46: {  	[sflag:s25] =	ssyncadd.s32 $0xFFFFD800  }
0x47: {  	[spmem:s13] =	stream.linear.scatter [tilespmem:s4], [sflag:$0x3], $0x2800, $0x38;
	[tilespmem:$0x1F000] =	vst v63  }
0x48: {  	_ =	swait.ge [sflag:s25], $0x2800  }
0x49: {  	[sflag:s25] =	ssyncset.done $0x0  }
0x4a: {  	[sflag:s25] =	ssyncadd.s32 $0xFFFFD800  }
0x4b: {  	[spmem:s15] =	stream.linear.scatter [tilespmem:s4], [sflag:$0x3], $0x2800, $0x38;
	[tilespmem:$0x1F000] =	vst v63  }
0x4c: {  	_ =	swait.ge [sflag:s25], $0x2800  }
0x4d: {  	[sflag:s25] =	ssyncset.done $0x0  }
0x4e: {  	[sflag:s25] =	ssyncadd.s32 $0xFFFFD800  }
0x4f: {  	[spmem:s17] =	stream.linear.scatter [tilespmem:s4], [sflag:$0x3], $0x2800, $0x38;
	[tilespmem:$0x1F000] =	vst v63  }
0x50: {  	_ =	swait.ge [sflag:s25], $0x2800  }
0x51: {  	[sflag:s25] =	ssyncset.done $0x0  }
0x52: {  	[sflag:s25] =	ssyncadd.s32 $0xFFFFD800  }
0x53: {  	[spmem:s19] =	stream.linear.scatter [tilespmem:s4], [sflag:$0x3], $0x2800, $0x38;
	[tilespmem:$0x1F000] =	vst v63  }
0x54: {  	_ =	swait.ge [sflag:s25], $0x2800  }
0x55: {  	[sflag:s25] =	ssyncset.done $0x0  }
0x56: {  	s5 =	simm.s32 @!p0 $0x0;
	[sflag:s25] =	ssyncadd.s32 $0xFFFFD800  }
0x57: {  	[spmem:s21] =	stream.linear.scatter @!p0 [tilespmem:s5], [sflag:$0x3], $0x2800, $0x38;
	[tilespmem:$0x1F000] =	vst v63  }
0x58: {  	s5 =	simm.s32 @!p0 $0x3  }
0x59: {  	_ =	swait.ge @!p0 [sflag:s5], $0x2800  }
0x5a: {  	[sflag:s5] =	ssyncset.done @!p0 $0x0  }
0x5b: {  	s26 =	simm.s32 $0x0;
	[sflag:s5] =	ssyncadd.s32 @!p0 $0xFFFFD800  }
0x5c: {  	[tilespmem:s26], [sflag:$0x1] =	stream.indirect.gather [hbm4b:s1+s28], $0x80, s24, s28, $0xb8;
	[tilespmem:$0x1F000] =	vst v63  }
0x5d: {  	s6 =	simm.s32 $0x5050  }
0x5e: {  	[tilespmem:s30], [sflag:$0x2] =	stream.indirect.gather [hbm4b:s1+s28], $0x80, s6, s28, $0xb8;
	[tilespmem:$0x1F000] =	vst v63  }
0x5f: {  	[bflag:$0x0] =	sbarrier.arrive $0xFFFF  }
0x60: {  	_ =	swait.ge [sflag:s31], $0x2800  }
0x61: {  	[sflag:s31] =	ssyncset.done $0x0  }
0x62: {  	s26 =	simm.s32 $0x7780;
	[sflag:s31] =	ssyncadd.s32 $0xFFFFD800  }
0x63: {  	[spmem:s3] =	stream.indirect.scatter.add.f32 [tilespmem:s4], [sflag:$0x3], $0x80, s26, s28, $0xb8;
	[tilespmem:$0x1F000] =	vst v63  }
0x64: {  	_ =	swait.ge [sflag:s25], $0x2800  }
0x65: {  	[sflag:s25] =	ssyncset.done $0x0  }
0x66: {  	s6 =	simm.s32 $0x50A0;
	[sflag:s25] =	ssyncadd.s32 $0xFFFFD800  }
0x67: {  	[tilespmem:s4], [sflag:$0x1] =	stream.indirect.gather [hbm4b:s1+s28], $0x80, s6, s28, $0xb8;
	[tilespmem:$0x1F000] =	vst v63  }
0x68: {  	_ =	swait.ge [sflag:s2], $0x2800  }
0x69: {  	[sflag:s2] =	ssyncset.done $0x0  }
0x6a: {  	s26 =	simm.s32 $0x7800;
	[sflag:s2] =	ssyncadd.s32 $0xFFFFD800  }
0x6b: {  	[spmem:s3] =	stream.indirect.scatter.add.f32 [tilespmem:s30], [sflag:$0x3], $0x80, s26, s28, $0xb8;
	[tilespmem:$0x1F000] =	vst v63  }
0x6c: {  	_ =	swait.ge [sflag:s25], $0x2800  }
0x6d: {  	s29 =	simm.s32 $0x400;
	[sflag:s25] =	ssyncset.done $0x0  }
0x6e: {  	s5 =	simm.s32 $0x50F0;
	s26 =	simm.s32 $0x5140;
	[sflag:s25] =	ssyncadd.s32 $0xFFFFD800  }
.LBB2_4:
0x6f: {  	[tilespmem:s30], [sflag:$0x2] =	stream.indirect.gather [hbm4b:s1+s28], $0x80, s5, s28, $0xb8;
	[tilespmem:$0x1F000] =	vst v63  }
0x70: {  	s5 =	smov.u32 s29  }
0x71: {  	p2 =	sne.s32 s29, $0xF000;
	s29 =	sadd.s32 $0x400, s29;
	_ =	swait.ge [sflag:s31], $0x2800  }
0x72: {  	s5 =	sshra.s32 s5, $0x2;
	[sflag:s31] =	ssyncset.done $0x0  }
0x73: {  	s6 =	sadd.s32 $0x7780, s5;
	[sflag:s31] =	ssyncadd.s32 $0xFFFFD800  }
0x74: {  	[spmem:s3] =	stream.indirect.scatter.add.f32 [tilespmem:s4], [sflag:$0x3], $0x80, s6, s28, $0xb8;
	[tilespmem:$0x1F000] =	vst v63  }
0x75: {  	_ =	swait.ge [sflag:s25], $0x2800  }
0x76: {  	[sflag:s25] =	ssyncset.done $0x0  }
0x77: {  	[sflag:s25] =	ssyncadd.s32 $0xFFFFD800  }
0x78: {  	[tilespmem:s4], [sflag:$0x1] =	stream.indirect.gather [hbm4b:s1+s28], $0x80, s26, s28, $0xb8;
	[tilespmem:$0x1F000] =	vst v63  }
0x79: {  	_ =	swait.ge [sflag:s2], $0x2800  }
0x7a: {  	[sflag:s2] =	ssyncset.done $0x0  }
.Ltmp1:
0x7b: {  	s5 =	sadd.s32 $0x7800, s5;
	[sflag:s2] =	ssyncadd.s32 $0xFFFFD800;
	(pc) =	sbr.rel @p2 .LBB2_4-.Ltmp1, $4  }
0x7c: {  	[spmem:s3] =	stream.indirect.scatter.add.f32 [tilespmem:s30], [sflag:$0x3], $0x80, s5, s28, $0xb8;
	[tilespmem:$0x1F000] =	vst v63  }
0x7d: {  	_ =	swait.ge [sflag:s25], $0x2800  }
0x7e: {  	[sflag:s25] =	ssyncset.done $0x0  }
0x7f: {  	s5 =	sadd.s32 $0x50, s26;
	s26 =	sadd.s32 $0xA0, s26;
	[sflag:s25] =	ssyncadd.s32 $0xFFFFD800  }
0x80: {  	[tilespmem:s30], [sflag:$0x2] =	stream.indirect.gather [hbm4b:s1+s28], $0x80, s5, s28, $0xb8;
	[tilespmem:$0x1F000] =	vst v63  }
0x81: {  	_ =	swait.ge [sflag:s31], $0x2800  }
0x82: {  	[sflag:s31] =	ssyncset.done $0x0  }
0x83: {  	s6 =	simm.s32 $0xB480;
	[sflag:s31] =	ssyncadd.s32 $0xFFFFD800  }
0x84: {  	[spmem:s3] =	stream.indirect.scatter.add.f32 [tilespmem:s4], [sflag:$0x3], $0x80, s6, s28, $0xb8;
	[tilespmem:$0x1F000] =	vst v63  }
0x85: {  	_ =	swait.ge [sflag:s25], $0x2800  }
0x86: {  	[sflag:s25] =	ssyncset.done $0x0  }
0x87: {  	[sflag:s25] =	ssyncadd.s32 $0xFFFFD800  }
0x88: {  	[tilespmem:s4], [sflag:$0x1] =	stream.indirect.gather [hbm4b:s1+s28], $0x80, s26, s28, $0xb8;
	[tilespmem:$0x1F000] =	vst v63  }
0x89: {  	_ =	swait.ge [sflag:s2], $0x2800  }
0x8a: {  	[sflag:s2] =	ssyncset.done $0x0  }
0x8b: {  	s26 =	simm.s32 $0xB500;
	[sflag:s2] =	ssyncadd.s32 $0xFFFFD800  }
0x8c: {  	[spmem:s3] =	stream.indirect.scatter.add.f32 [tilespmem:s30], [sflag:$0x3], $0x80, s26, s28, $0xb8;
	[tilespmem:$0x1F000] =	vst v63  }
0x8d: {  	_ =	swait.ge [sflag:s25], $0x2800  }
0x8e: {  	[sflag:s25] =	ssyncset.done $0x0  }
0x8f: {  	[sflag:s25] =	ssyncadd.s32 $0xFFFFD800  }
0x90: {  	_ =	swait.ge [sflag:s31], $0x2800  }
0x91: {  	[sflag:s31] =	ssyncset.done $0x0  }
0x92: {  	s29 =	simm.s32 $0xB580;
	[sflag:s31] =	ssyncadd.s32 $0xFFFFD800  }
0x93: {  	[spmem:s3] =	stream.indirect.scatter.add.f32 [tilespmem:s4], [sflag:$0x3], $0x80, s29, s28, $0xb8;
	[tilespmem:$0x1F000] =	vst v63  }
0x94: {  	_ =	swait.ge [sflag:s25], $0x2800  }
0x95: {  	[sflag:s25] =	ssyncset.done $0x0  }
0x96: {  	[sflag:s25] =	ssyncadd.s32 $0xFFFFD800  }
0x97: {  	[bflag:$0x0] =	sbarrier.arrive $0xFFFF  }
0x98: {  	[tilespmem:s4], [sflag:$0x3] =	stream.linear.gather [spmem:s7], $0x2800, $0x38;
	[tilespmem:$0x1F000] =	vst v63  }
0x99: {  	_ =	swait.ge [sflag:s25], $0x2800  }
0x9a: {  	[sflag:s25] =	ssyncset.done $0x0  }
0x9b: {  	[sflag:s25] =	ssyncadd.s32 $0xFFFFD800  }
0x9c: {  	[hbm4b:s8+s4] =	stream.linear.scatter [tilespmem:s4], [sflag:$0x1], $0x2800, $0x38;
	[tilespmem:$0x1F000] =	vst v63  }
0x9d: {  	_ = 	snop  }
0x9e: {  	[tilespmem:s30], [sflag:$0x3] =	stream.linear.gather [spmem:s9], $0x2800, $0x38;
	[tilespmem:$0x1F000] =	vst v63  }
0x9f: {  	_ =	swait.ge [sflag:s25], $0x2800  }
0xa0: {  	[sflag:s25] =	ssyncset.done $0x0  }
0xa1: {  	[sflag:s25] =	ssyncadd.s32 $0xFFFFD800  }
0xa2: {  	[hbm4b:s10+s4] =	stream.linear.scatter [tilespmem:s30], [sflag:$0x2], $0x2800, $0x38;
	[tilespmem:$0x1F000] =	vst v63  }
0xa3: {  	_ =	swait.ge [sflag:s31], $0x2800  }
0xa4: {  	[sflag:s31] =	ssyncset.done $0x0  }
0xa5: {  	[sflag:s31] =	ssyncadd.s32 $0xFFFFD800  }
0xa6: {  	[tilespmem:s4], [sflag:$0x3] =	stream.linear.gather [spmem:s11], $0x2800, $0x38;
	[tilespmem:$0x1F000] =	vst v63  }
0xa7: {  	_ =	swait.ge [sflag:s25], $0x2800  }
0xa8: {  	[sflag:s25] =	ssyncset.done $0x0  }
0xa9: {  	[sflag:s25] =	ssyncadd.s32 $0xFFFFD800  }
0xaa: {  	[hbm4b:s12+s4] =	stream.linear.scatter [tilespmem:s4], [sflag:$0x1], $0x2800, $0x38;
	[tilespmem:$0x1F000] =	vst v63  }
0xab: {  	_ =	swait.ge [sflag:s2], $0x2800  }
0xac: {  	[sflag:s2] =	ssyncset.done $0x0  }
0xad: {  	[sflag:s2] =	ssyncadd.s32 $0xFFFFD800  }
0xae: {  	[tilespmem:s30], [sflag:$0x3] =	stream.linear.gather [spmem:s13], $0x2800, $0x38;
	[tilespmem:$0x1F000] =	vst v63  }
0xaf: {  	_ =	swait.ge [sflag:s25], $0x2800  }
0xb0: {  	[sflag:s25] =	ssyncset.done $0x0  }
0xb1: {  	[sflag:s25] =	ssyncadd.s32 $0xFFFFD800  }
0xb2: {  	[hbm4b:s14+s4] =	stream.linear.scatter [tilespmem:s30], [sflag:$0x2], $0x2800, $0x38;
	[tilespmem:$0x1F000] =	vst v63  }
0xb3: {  	_ =	swait.ge [sflag:s31], $0x2800  }
0xb4: {  	[sflag:s31] =	ssyncset.done $0x0  }
0xb5: {  	[sflag:s31] =	ssyncadd.s32 $0xFFFFD800  }
0xb6: {  	[tilespmem:s4], [sflag:$0x3] =	stream.linear.gather [spmem:s15], $0x2800, $0x38;
	[tilespmem:$0x1F000] =	vst v63  }
0xb7: {  	_ =	swait.ge [sflag:s25], $0x2800  }
0xb8: {  	[sflag:s25] =	ssyncset.done $0x0  }
0xb9: {  	[sflag:s25] =	ssyncadd.s32 $0xFFFFD800  }
0xba: {  	[hbm4b:s16+s4] =	stream.linear.scatter [tilespmem:s4], [sflag:$0x1], $0x2800, $0x38;
	[tilespmem:$0x1F000] =	vst v63  }
0xbb: {  	_ =	swait.ge [sflag:s2], $0x2800  }
0xbc: {  	[sflag:s2] =	ssyncset.done $0x0  }
0xbd: {  	[sflag:s2] =	ssyncadd.s32 $0xFFFFD800  }
0xbe: {  	[tilespmem:s30], [sflag:$0x3] =	stream.linear.gather [spmem:s17], $0x2800, $0x38;
	[tilespmem:$0x1F000] =	vst v63  }
0xbf: {  	_ =	swait.ge [sflag:s25], $0x2800  }
0xc0: {  	[sflag:s25] =	ssyncset.done $0x0  }
0xc1: {  	[sflag:s25] =	ssyncadd.s32 $0xFFFFD800  }
0xc2: {  	[hbm4b:s18+s4] =	stream.linear.scatter [tilespmem:s30], [sflag:$0x2], $0x2800, $0x38;
	[tilespmem:$0x1F000] =	vst v63  }
0xc3: {  	_ =	swait.ge [sflag:s31], $0x2800  }
0xc4: {  	[sflag:s31] =	ssyncset.done $0x0  }
0xc5: {  	[sflag:s31] =	ssyncadd.s32 $0xFFFFD800  }
0xc6: {  	[tilespmem:s4], [sflag:$0x3] =	stream.linear.gather [spmem:s19], $0x2800, $0x38;
	[tilespmem:$0x1F000] =	vst v63  }
0xc7: {  	_ =	swait.ge [sflag:s25], $0x2800  }
0xc8: {  	[sflag:s25] =	ssyncset.done $0x0  }
0xc9: {  	s5 =	simm.s32 @!p1 $0x2;
	[sflag:s25] =	ssyncadd.s32 $0xFFFFD800  }
0xca: {  	[hbm4b:s20+s4] =	stream.linear.scatter [tilespmem:s4], [sflag:$0x1], $0x2800, $0x38;
	[tilespmem:$0x1F000] =	vst v63  }
0xcb: {  	_ =	swait.ge @!p1 [sflag:s5], $0x2800  }
0xcc: {  	[sflag:s5] =	ssyncset.done @!p1 $0x0  }
0xcd: {  	s6 =	simm.s32 @!p1 $0x2800;
	s26 =	simm.s32 @!p1 $0x3;
	[sflag:s5] =	ssyncadd.s32 @!p1 $0xFFFFD800  }
0xce: {  	[tilespmem:s6], [sflag:$0x3] =	stream.linear.gather @!p1 [spmem:s21], $0x2800, $0x38;
	[tilespmem:$0x1F000] =	vst v63  }
0xcf: {  	_ =	swait.ge @!p1 [sflag:s26], $0x2800  }
0xd0: {  	[sflag:s26] =	ssyncset.done @!p1 $0x0  }
0xd1: {  	[sflag:s26] =	ssyncadd.s32 @!p1 $0xFFFFD800;
	s26 =	simm.s32 @!p1 $0x0  }
0xd2: {  	[hbm4b:s22+s26] =	stream.linear.scatter @!p1 [tilespmem:s6], [sflag:$0x2], $0x2800, $0x38;
	[tilespmem:$0x1F000] =	vst v63  }
0xd3: {  	s0 =	sadd.s32 $0x1, s0;
	s6 =	simm.s32 @!p1 $0x1  }
0xd4: {  	p2 =	sne.s32 s0, s23;
	_ =	swait.ge @!p1 [sflag:s6], $0x2800  }
.Ltmp2:
0xd5: {  	[sflag:s6] =	ssyncset.done @!p1 $0x0;
	(pc) =	sbr.rel @p2 .LBB2_1-.Ltmp2, $4  }
0xd6: {  	s5 =	simm.s32 @p1 $0x1;
	[sflag:s6] =	ssyncadd.s32 @!p1 $0xFFFFD800  }
0xd7: {  	_ =	swait.ge [sflag:s5], $0x2800  }
0xd8: {  	[sflag:s5] =	ssyncset.done $0x0  }
0xd9: {  	[sflag:s5] =	ssyncadd.s32 $0xFFFFD800  }
0xda: {  	_ =	sfence.sel $0x180000  }
0xdb: {  	[bflag:$0x0] =	sbarrier.arrive $0xFFFF  }
0xdc: {  	_ =	strace $0x90000047  }
0xdd: {  	s0 =	stileid.u32;
	[bflag:$0x2] =	sbarrier.arrive $0xFFFF  }
0xde: {  	p0 =	sne.s32 s0, $0x0;
	s0 =	rddreg [dreg:$0x3]  }
0xdf: {  	s0 =	sadd.s32 @!p0 $0x100000, s0  }
0xe0: {  	[sflag:s0] =	ssyncadd.tile.s32 @!p0 $0x1;
	_ =	shalt  }
.Lfunc_end2:
_tile_overlayer_lowered:
.L_overlay_start_2:
0xe1: {  	(tag) =	ssettag $0x2  }
0xe2: {  	s0 =	rddreg [dreg:$0x0];
	s2 =	stileid.u32  }
0xe3: {  	s1 =	rddreg [dreg:$0x1];
	p0 =	sne.s32 s2, $0x0  }
0xe4: {  	s3 =	rddreg [dreg:$0x2];
	[bflag:$0x3] =	sbarrier.arrive $0xFFFF;
	s2 =	simm.s32 @!p0 $0x1C03  }
0xe5: {  	[timem:s3], [sflag:s2] =	dma.local @!p0 [hbm:s0], s1  }
0xe6: {  	s0 =	simm.s32 @!p0 $0x3  }
0xe7: {  	_ =	swait.ge @!p0 [sflag:s0], s1  }
0xe8: {  	s1 =	ssub.s32 @!p0 $0x0, s1;
	[sflag:s0] =	ssyncset.done @!p0 $0x0  }
0xe9: {  	[sflag:s0] =	ssyncadd.s32 @!p0 s1  }
0xea: {  	[bflag:$0x3] =	sbarrier.arrive $0xFFFF  }
0xeb: {  	_ =	shalt  }

// kernel: kernel.9.cloned.1.call-start
scs
__scs_entry_jumppad:
0x0: {  	(pc) =	sbr.rel $0x88, $3  }
0x1: {  	(tag) =	ssettag $0x0;
	lr =	simm.s32 $0x1  }
0x2: {  	[smem:$0x3F8C] =	sst lr;
	_ =	strace $0xD0000000  }
0x3: {  	_ = 	snop  }
0x4: {  	_ = 	snop  }
0x5: {  	_ = 	snop  }
0x6: {  	_ = 	snop  }
0x7: {  	_ = 	snop  }
__scs_overlays_trampoline_lowered:
0x8: {  	[smem:$0x3F9B] =	sst s0  }
0x9: {  	[smem:$0x3F9C] =	sst s1  }
0xa: {  	[smem:$0x3F9D] =	sst s2  }
0xb: {  	[smem:$0x3F9E] =	sst s3  }
0xc: {  	[smem:$0x3F9F] =	sst s4  }
0xd: {  	[smem:$0x3FA0] =	sst s5  }
0xe: {  	[smem:$0x3FA1] =	sst s6  }
0xf: {  	[smem:$0x3FA2] =	sst s7  }
0x10: {  	[smem:$0x3FA3] =	sst s8  }
0x11: {  	[smem:$0x3FA4] =	sst s9;
	s0 =	simm.s32 @!p0 $0x0  }
0x12: {  	s1 =	sld [smem:$0x3F8A];
	s0 =	simm.s32 @p0 $0x1  }
0x13: {  	[smem:$0x3FA5] =	sst s0;
	s0 =	simm.s32 @!p1 $0x0  }
0x14: {  	s2 =	sld [smem:$0x3F89];
	s0 =	simm.s32 @p1 $0x1  }
0x15: {  	[smem:$0x3FA6] =	sst s0;
	s0 =	simm.s32 @!p2 $0x0  }
0x16: {  	s3 =	sld [smem:$0x3FDB];
	s0 =	simm.s32 @p2 $0x1  }
0x17: {  	s4 =	simm.s32 $0x1BF5;
	[smem:$0x3FA8] =	sst s0  }
0x18: {  	s0 =	sld [smem:$0x3F8B];
	_ =	swait.ge [sflag:s4], $0x0  }
0x19: {  	s7 =	sld [smem:$0x3F8C]  }
0x1a: {  	s8 =	sadd.s32 $0xFFFFE003, lr  }
0x1b: {  	s9 =	sadd.s32 $0xFFFFFEF7, lr;
	s5 =	simm.s32 $0xFFFFFFFF;
	p2 =	slt.u32 s8, $0xFFFFF086  }
0x1c: {  	p1 =	slt.u32 s9, $0xF7A;
	s5 =	simm.s32 @!p2 $0x0  }
0x1d: {  	s5 =	simm.s32 @p1 $0x1;
	p0 =	seq.s32 s7, s2  }
0x1e: {  	s7 =	smul.u32 @!p0 $0xF7A, s2;
	p2 =	seq.s32 @!p0 s5, $0x0  }
0x1f: {  	s9 =	smul.u32 $0xF7A, s1;
	s8 =	simm.s32 @!p0 $0x1BF5;
	p2 =	por !p2, p0  }
0x20: {  	[sflag:s8] =	ssyncset.s32 @!p0 $0xFFFFF086;
	s6 =	sadd.s32 @!p0 s3, s7;
	s7 =	simm.s32 @!p0 $0x108  }
0x21: {  	s3 =	sadd.s32 s3, s9;
	s6 =	sadd.s32 @!p0 $0x88, s6;
	s7 =	simm.s32 @p2 $0x1082  }
0x22: {  	[simem:s7], [sflag:s8] =	dma.local @!p0 [hbm:s6], $0xF7A  }
0x23: {  	s9 =	sor.u32 $0xD0000000, s2;
	s6 =	simm.s32 $0x108;
	_ =	swait.ge @!p0 [sflag:s8], $0x0  }
0x24: {  	s3 =	sadd.s32 $0x88, s3;
	s6 =	simm.s32 @!p1 $0x1082;
	[sflag:s4] =	ssyncset.s32 $0xFFFFF086  }
0x25: {  	[simem:s6], [sflag:s4] =	dma.local [hbm:s3], $0xF7A  }
0x26: {  	[smem:$0x3F8C] =	sst s1;
	(tag) =	ssettag s2;
	_ =	strace s9  }
0x27: {  	s1 =	sld [smem:$0x3F9C]  }
0x28: {  	s2 =	sld [smem:$0x3F9D]  }
0x29: {  	s4 =	sld [smem:$0x3F9F]  }
0x2a: {  	p0 =	seq.s32 s5, $0x0;
	s5 =	sld [smem:$0x3FA0]  }
0x2b: {  	s6 =	sld [smem:$0x3FA1]  }
0x2c: {  	s7 =	sld [smem:$0x3FA2]  }
0x2d: {  	s3 =	simm.s32 $0x108;
	s8 =	sld [smem:$0x3FA3]  }
0x2e: {  	s3 =	simm.s32 @!p0 $0x1082;
	s9 =	sld [smem:$0x3FA4]  }
0x2f: {  	lr =	sadd.s32 s0, s3;
	s0 =	sld [smem:$0x3F9B]  }
0x30: {  	s3 =	sld [smem:$0x3F9E]  }
0x31: {  	[smem:$0x3FA7] =	sst s10  }
0x32: {  	s10 =	sld [smem:$0x3FA5];
	_ =	sdelay $0x3  }
0x33: {  	p0 =	seq.s32 s10, $0x1;
	s10 =	sld [smem:$0x3FA7];
	_ =	sdelay $0x3  }
0x34: {  	[smem:$0x3FA7] =	sst s10  }
0x35: {  	s10 =	sld [smem:$0x3FA6];
	_ =	sdelay $0x3  }
0x36: {  	p1 =	seq.s32 s10, $0x1;
	s10 =	sld [smem:$0x3FA7];
	_ =	sdelay $0x3  }
0x37: {  	[smem:$0x3FA7] =	sst s10  }
0x38: {  	s10 =	sld [smem:$0x3FA8]  }
0x39: {  	_ = 	snop;
	(pc) =	sbr.ind lr, $3  }
0x3a: {  	_ = 	snop  }
0x3b: {  	_ = 	snop  }
0x3c: {  	p2 =	seq.s32 s10, $0x1;
	s10 =	sld [smem:$0x3FA7]  }
0x3d: {  	_ =	shalt  }
0x3e: {  	_ =	shalt  }
0x3f: {  	_ =	shalt  }
0x40: {  	_ =	shalt  }
0x41: {  	_ =	shalt  }
0x42: {  	_ =	shalt  }
0x43: {  	_ =	shalt  }
0x44: {  	_ =	shalt  }
0x45: {  	_ =	shalt  }
0x46: {  	_ =	shalt  }
0x47: {  	_ =	shalt  }
0x48: {  	_ =	shalt  }
0x49: {  	_ =	shalt  }
0x4a: {  	_ =	shalt  }
0x4b: {  	_ =	shalt  }
0x4c: {  	_ =	shalt  }
0x4d: {  	_ =	shalt  }
0x4e: {  	_ =	shalt  }
0x4f: {  	_ =	shalt  }
0x50: {  	_ =	shalt  }
0x51: {  	_ =	shalt  }
0x52: {  	_ =	shalt  }
0x53: {  	_ =	shalt  }
0x54: {  	_ =	shalt  }
0x55: {  	_ =	shalt  }
0x56: {  	_ =	shalt  }
0x57: {  	_ =	shalt  }
0x58: {  	_ =	shalt  }
0x59: {  	_ =	shalt  }
0x5a: {  	_ =	shalt  }
0x5b: {  	_ =	shalt  }
0x5c: {  	_ =	shalt  }
0x5d: {  	_ =	shalt  }
0x5e: {  	_ =	shalt  }
0x5f: {  	_ =	shalt  }
0x60: {  	_ =	shalt  }
0x61: {  	_ =	shalt  }
0x62: {  	_ =	shalt  }
0x63: {  	_ =	shalt  }
0x64: {  	_ =	shalt  }
0x65: {  	_ =	shalt  }
0x66: {  	_ =	shalt  }
0x67: {  	_ =	shalt  }
0x68: {  	_ =	shalt  }
0x69: {  	_ =	shalt  }
0x6a: {  	_ =	shalt  }
0x6b: {  	_ =	shalt  }
0x6c: {  	_ =	shalt  }
0x6d: {  	_ =	shalt  }
0x6e: {  	_ =	shalt  }
0x6f: {  	_ =	shalt  }
0x70: {  	_ =	shalt  }
0x71: {  	_ =	shalt  }
0x72: {  	_ =	shalt  }
0x73: {  	_ =	shalt  }
0x74: {  	_ =	shalt  }
0x75: {  	_ =	shalt  }
0x76: {  	_ =	shalt  }
0x77: {  	_ =	shalt  }
0x78: {  	_ =	shalt  }
0x79: {  	_ =	shalt  }
0x7a: {  	_ =	shalt  }
0x7b: {  	_ =	shalt  }
0x7c: {  	_ =	shalt  }
0x7d: {  	_ =	shalt  }
0x7e: {  	_ =	shalt  }
0x7f: {  	_ =	shalt  }
0x80: {  	_ =	shalt  }
0x81: {  	_ =	shalt  }
0x82: {  	_ =	shalt  }
0x83: {  	_ =	shalt  }
0x84: {  	_ =	shalt  }
0x85: {  	_ =	shalt  }
0x86: {  	_ =	shalt  }
0x87: {  	_ =	shalt  }
.Lfunc_end0:
.L_simem_size_0:
called_computation.1_lowered:
.L_overlay_start_0:
0x88: {  	s2 =	sld [smem:$0x3FD9]  }
0x89: {  	s3 =	sld [smem:$0x3FFE];
	_ =	sdelay $0x1  }
0x8a: {  	s1 =	srdreg.scid  }
0x8b: {  	s0 =	sand.u32 $0x1, s1  }
0x8c: {  	s16 =	sshll.u32 s0, $0xA;
	s2 =	sadd.s32 s3, s2  }
0x8d: {  	s2 =	sadd.s32 s2, s16  }
0x8e: {  	[smem:$0x3FB3] =	sst s2  }
0x8f: {  	_ = 	snop  }
0x90: {  	(tm) =	ssettm $0x1  }
0x91: {  	s17 =	sld [smem:$0x3FFB];
	_ =	sdelay $0x3  }
0x92: {  	_ =	strace s17  }
0x93: {  	s2 =	sld [smem:$0x3FFC];
	_ =	sdelay $0x3  }
0x94: {  	_ =	strace s2  }
0x95: {  	s2 =	sld [smem:$0x3FFD];
	_ =	sdelay $0x3  }
0x96: {  	_ =	strace s2  }
0x97: {  	_ =	strace $0x8FFFFFFF  }
0x98: {  	s18 =	sld [smem:$0x3FDB];
	_ =	sdelay $0x1  }
0x99: {  	s19 =	simm.s32 $_scs_section_size  }
0x9a: {  	s4 =	simm.s32 $_size__tile_overlayer_lowered;
	s5 =	simm.s32 $_tile_overlayer_lowered  }
0x9b: {  	s22 =	simm.s32 $0x1BFF;
	s21 =	sshll.u32 s5, $0x1;
	s2 =	sadd.s32 s19, s18  }
0x9c: {  	s6 =	simm.s32 $0x0;
	s20 =	sshll.u32 s4, $0x1;
	s4 =	sadd.s32 s21, s2  }
0x9d: {  	[timem:s6], [sflag:s22] =	dma.local [hbm:s4], s20  }
0x9e: {  	_ =	swait.ge [sflag:s22], s20  }
0x9f: {  	s3 =	ssub.s32 $0x0, s20;
	[sflag:s22] =	ssyncset.done $0x0  }
0xa0: {  	[sflag:s22] =	ssyncadd.s32 s3;
	_ =	sdelay $0x1  }
0xa1: {  	s23 =	simm.s32 $0x1B8B  }
0xa2: {  	_ =	swait.ge [sflag:s23], $0x1  }
0xa3: {  	[sflag:s23] =	ssyncset.done $0x0  }
0xa4: {  	s25 =	simm.s32 $0x1B8E;
	s24 =	sld [smem:$0x3FFE];
	[sflag:s23] =	ssyncadd.s32 $0xFFFFFFFF  }
0xa5: {  	s26 =	simm.s32 $execute0_lowered;
	[smem:$0x3FD2] =	sst s25  }
0xa6: {  	s4 =	sshll.u32 s26, $0x1;
	_ =	strace $0x80000049;
	[dreg:$0x1] =	wrdreg $0xFFFFFFFF  }
0xa7: {  	s28 =	simm.s32 $_size_execute0_lowered;
	s2 =	sadd.s32 s2, s4;
	[dreg:$0x0] =	wrdreg $0x0  }
0xa8: {  	s4 =	sshll.u32 s28, $0x1;
	[dreg:$0x2] =	wrdreg s2  }
0xa9: {  	[dreg:$0x3] =	wrdreg s4  }
0xaa: {  	[dreg:$0x4] =	wrdreg $0xC0  }
0xab: {  	_ =	task [dreg:s6], $0x5FFFF  }
0xac: {  	[dreg:$0x1] =	wrdreg $0xFFFFFFFF  }
0xad: {  	[dreg:$0x0] =	wrdreg $0x60  }
0xae: {  	[dreg:$0x2] =	wrdreg s24  }
0xaf: {  	[dreg:$0x3] =	wrdreg $0xB7800  }
0xb0: {  	[dreg:$0x4] =	wrdreg $0x9  }
0xb1: {  	_ =	task.clear_ibuf [dreg:s6], $0x5FFFF;
	_ =	strace $0x90000049  }
0xb2: {  	s29 =	simm.s32 $0x9;
	_ =	strace $0x8000004B  }
0xb3: {  	_ =	swait.ge [sflag:s29], $0x1  }
0xb4: {  	[sflag:s29] =	ssyncadd.s32 $0xFFFFFFFF  }
0xb5: {  	_ =	strace $0x9000004B  }
0xb6: {  	_ =	sfence  }
0xb7: {  	s30 =	sld [smem:$0x0];
	_ =	sdelay $0x2  }
0xb8: {  	s31 =	sshll.u32 s1, $0xD;
	s1 =	sshrl.u32 s1, $0x2  }
0xb9: {  	s3 =	sand.u32 $0x4000, s31;
	s1 =	sadd.s32 s1, s30  }
0xba: {  	s0 =	sor.u32 s3, s0;
	s1 =	sshll.u32 s1, $0x11  }
0xbb: {  	s0 =	sor.u32 s1, s0  }
0xbc: {  	s0 =	sadd.s32 $0x8F2B, s0  }
0xbd: {  	[sflag:s0] =	ssyncadd.remote.s32 $0x1  }
0xbe: {  	_ =	sfence.sel $0xFFFF  }
0xbf: {  	[dreg:$0x0] =	wrdreg $0xFFFFFFFF;
	(pc) =	sbr.abs _section_cstart, $3  }
0xc0: {  	[dreg:$0x1] =	wrdreg $0xFFFFFFFF  }
0xc1: {  	_ =	task.clear_ibuf [dreg:s6], $0x2FFFF;
	_ =	strace $0x9FFFFFFF  }
0xc2: {  	(tm) =	ssettm $0x7FFFFFFF  }
0xc3: {  	_ =	shalt  }
tec
execute0_lowered:
.L_overlay_start_1:
0x0: {  	(tag) =	ssettag $0x1  }
0x1: {  	s0 =	srdreg.scid;
	s1 =	rddreg [dreg:$0x0]  }
0x2: {  	s26 =	stileid.u32;
	s2 =	rddreg [dreg:$0x1]  }
0x3: {  	s28 =	simm.s32 $0x50;
	s30 =	simm.s32 $0x2800;
	s31 =	simm.s32 $0x1  }
0x4: {  	s0 =	sand.u32 $0x1, s0;
	s3 =	sshll.u32 s26, $0x1;
	s8 =	smul.u32 $0xA000, s26  }
0x5: {  	s4 =	sadd.s32 $0x1D400, s1;
	s11 =	smul.u32 $0x50, s26;
	s12 =	sor.u32 $0x10, s26  }
0x6: {  	s16 =	sor.u32 $0x20, s26;
	s20 =	sor.u32 $0x40, s26;
	s21 =	sor.u32 $0x60, s26  }
0x7: {  	s25 =	sor.u32 $0x70, s26;
	p1 =	sgt.u32 s26, $0xC;
	s17 =	smul.u32 $0x2710, s0  }
0x8: {  	s5 =	sor.u32 s0, s3;
	s3 =	simm.s32 $0x0;
	s10 =	smul.u32 $0xA000, s12  }
0x9: {  	s7 =	ssub.s32 $0x2, s0;
	s0 =	sadd.s32 $0x44600, s1;
	s23 =	smul.u32 $0x50, s25  }
0xa: {  	p0 =	sgt.u32 s25, $0x7C;
	s6 =	smul.u32 $0x4E2, s5;
	[smem:$0x7FF] =	sst s3  }
0xb: {  	s5 =	sshll.u32 s5, $0xB;
	s9 =	sshrl.u32 s7, $0x1;
	s8 =	sshrl.u32 s8, $0x2  }
0xc: {  	_ =	strace $0x8000004A;
	s5 =	sadd.s32 s5, s1;
	s13 =	sadd.s32 s11, s17  }
0xd: {  	s15 =	sshrl.u32 s10, $0x2;
	s11 =	smul.u32 $0x50, s16;
	s6 =	sadd.s32 s6, s1  }
0xe: {  	s1 =	ssub.s32 s7, s9;
	s5 =	sadd.s32 $0xD400, s5;
	s7 =	sadd.s32 s8, s2  }
0xf: {  	s14 =	sshll.u32 s13, $0x4;
	s9 =	sadd.s32 s15, s2;
	s15 =	smul.u32 $0xA000, s20  }
0x10: {  	s13 =	sor.u32 $0x30, s26;
	[dreg:$0x4] =	wrdreg s5;
	s5 =	smul.u32 $0x50, s12  }
0x11: {  	s6 =	sadd.s32 $0x3600, s6;
	s8 =	sadd.s32 s0, s14;
	s12 =	smul.u32 $0xA000, s16  }
0x12: {  	s18 =	sadd.s32 s17, s11;
	s14 =	smul.u32 $0xA000, s13;
	s5 =	sadd.s32 s17, s5  }
0x13: {  	s13 =	smul.u32 $0x50, s13;
	[dreg:$0x3] =	wrdreg s6;
	s5 =	sshll.u32 s5, $0x4  }
0x14: {  	s19 =	sshrl.u32 s12, $0x2;
	s10 =	sadd.s32 s0, s5;
	s5 =	sshll.u32 s18, $0x4  }
0x15: {  	s18 =	sor.u32 $0x50, s26;
	s12 =	sadd.s32 s0, s5;
	s5 =	smul.u32 $0x50, s20  }
0x16: {  	s15 =	sshrl.u32 s15, $0x2;
	s11 =	sadd.s32 s19, s2;
	s19 =	smul.u32 $0xA000, s18  }
0x17: {  	s14 =	sshrl.u32 s14, $0x2;
	s13 =	sadd.s32 s17, s13;
	s18 =	smul.u32 $0x50, s18  }
0x18: {  	s15 =	sadd.s32 s15, s2;
	s16 =	sshll.u32 s13, $0x4;
	s20 =	smul.u32 $0xA000, s21  }
0x19: {  	s13 =	sadd.s32 s14, s2;
	s14 =	sadd.s32 s0, s16;
	s21 =	smul.u32 $0x50, s21  }
0x1a: {  	s5 =	sadd.s32 s17, s5;
	s22 =	sadd.s32 s17, s18;
	s19 =	sshrl.u32 s19, $0x2  }
0x1b: {  	s20 =	sshrl.u32 s20, $0x2;
	s21 =	sadd.s32 s17, s21;
	s5 =	sshll.u32 s5, $0x4  }
0x1c: {  	s24 =	sshll.u32 s21, $0x4;
	s16 =	sadd.s32 s0, s5;
	s5 =	sshll.u32 s22, $0x4  }
0x1d: {  	s22 =	sadd.s32 s17, s23;
	s23 =	smul.u32 $0xA000, s25;
	s17 =	sadd.s32 s19, s2  }
0x1e: {  	s19 =	sadd.s32 s20, s2;
	s20 =	sadd.s32 s0, s24;
	s24 =	simm.s32 $0x5000  }
0x1f: {  	s25 =	simm.s32 $0x3;
	s18 =	sadd.s32 s0, s5;
	s22 =	sshll.u32 s22, $0x4  }
0x20: {  	s29 =	sshrl.u32 s23, $0x2;
	s22 =	sadd.s32 s0, s22;
	s23 =	smax.u32 s1, $0x1  }
0x21: {  	v0 =	vimm.f32 $0.0e+00;
	s1 =	simm.s32 $0x2;
	s0 =	simm.s32 $0x0;
	s21 =	sadd.s32 s29, s2  }
.LBB2_1:
0x22: {  	s5 =	rddreg [dreg:$0x3]  }
0x23: {  	[tilespmem:s24], [sflag:$0x3] =	stream.linear.gather [hbm4b:s5+s3], $0x2710, $0x38;
	[tilespmem:$0x1F000] =	vst v63  }
0x24: {  	_ =	swait.ge [sflag:s25], $0x2710  }
0x25: {  	[sflag:s25] =	ssyncset.done $0x0  }
0x26: {  	s6 =	simm.s32 $0x7780;
	s26 =	rddreg [dreg:$0x4];
	[sflag:s25] =	ssyncadd.s32 $0xFFFFD8F0  }
0x27: {  	[tilespmem:s6], [sflag:$0x3] =	stream.linear.gather [hbm4b:s26+s3], $0x3E80, $0x38;
	[tilespmem:$0x1F000] =	vst v63  }
0x28: {  	_ =	swait.ge [sflag:s25], $0x3E80  }
0x29: {  	[sflag:s25] =	ssyncset.done $0x0  }
0x2a: {  	s29 =	simm.s32 $0x200;
	s26 =	simm.s32 $0x0;
	[sflag:s25] =	ssyncadd.s32 $0xFFFFC180  }
.LBB2_2:
0x2b: {  	p2 =	sne.s32 s29, $0x9E00;
	[tilespmem:s26+$0x70] =	vst v0  }
0x2c: {  	[tilespmem:s26+$0x0] =	vst v0  }
0x2d: {  	[tilespmem:s26+$0x10] =	vst v0  }
.Ltmp0:
0x2e: {  	[tilespmem:s26+$0x20] =	vst v0;
	(pc) =	sbr.rel @p2 .LBB2_2-.Ltmp0, $4  }
0x2f: {  	[tilespmem:s26+$0x30] =	vst v0  }
0x30: {  	[tilespmem:s26+$0x40] =	vst v0  }
0x31: {  	[tilespmem:s26+$0x50] =	vst v0  }
0x32: {  	[tilespmem:s26+$0x60] =	vst v0;
	s26 =	sshra.s32 s29, $0x2;
	s29 =	sadd.s32 $0x200, s29  }
0x33: {  	[tilespmem:s26+$0x70] =	vst v0  }
0x34: {  	[tilespmem:s26+$0x0] =	vst v0  }
0x35: {  	[tilespmem:s26+$0x10] =	vst v0  }
0x36: {  	[tilespmem:s26+$0x20] =	vst v0  }
0x37: {  	[tilespmem:s26+$0x30] =	vst v0  }
0x38: {  	[tilespmem:s26+$0x40] =	vst v0  }
0x39: {  	[tilespmem:s26+$0x50] =	vst v0  }
0x3a: {  	[tilespmem:s26+$0x60] =	vst v0  }
0x3b: {  	[spmem:s7] =	stream.linear.scatter [tilespmem:s3], [sflag:$0x3], $0x2800, $0x38;
	[tilespmem:$0x1F000] =	vst v63  }
0x3c: {  	_ =	swait.ge [sflag:s25], $0x2800  }
0x3d: {  	[sflag:s25] =	ssyncset.done $0x0  }
0x3e: {  	[sflag:s25] =	ssyncadd.s32 $0xFFFFD800  }
0x3f: {  	[spmem:s9] =	stream.linear.scatter [tilespmem:s3], [sflag:$0x3], $0x2800, $0x38;
	[tilespmem:$0x1F000] =	vst v63  }
0x40: {  	_ =	swait.ge [sflag:s25], $0x2800  }
0x41: {  	[sflag:s25] =	ssyncset.done $0x0  }
0x42: {  	[sflag:s25] =	ssyncadd.s32 $0xFFFFD800  }
0x43: {  	[spmem:s11] =	stream.linear.scatter [tilespmem:s3], [sflag:$0x3], $0x2800, $0x38;
	[tilespmem:$0x1F000] =	vst v63  }
0x44: {  	_ =	swait.ge [sflag:s25], $0x2800  }
0x45: {  	[sflag:s25] =	ssyncset.done $0x0  }
0x46: {  	[sflag:s25] =	ssyncadd.s32 $0xFFFFD800  }
0x47: {  	[spmem:s13] =	stream.linear.scatter [tilespmem:s3], [sflag:$0x3], $0x2800, $0x38;
	[tilespmem:$0x1F000] =	vst v63  }
0x48: {  	_ =	swait.ge [sflag:s25], $0x2800  }
0x49: {  	[sflag:s25] =	ssyncset.done $0x0  }
0x4a: {  	[sflag:s25] =	ssyncadd.s32 $0xFFFFD800  }
0x4b: {  	[spmem:s15] =	stream.linear.scatter [tilespmem:s3], [sflag:$0x3], $0x2800, $0x38;
	[tilespmem:$0x1F000] =	vst v63  }
0x4c: {  	_ =	swait.ge [sflag:s25], $0x2800  }
0x4d: {  	[sflag:s25] =	ssyncset.done $0x0  }
0x4e: {  	[sflag:s25] =	ssyncadd.s32 $0xFFFFD800  }
0x4f: {  	[spmem:s17] =	stream.linear.scatter [tilespmem:s3], [sflag:$0x3], $0x2800, $0x38;
	[tilespmem:$0x1F000] =	vst v63  }
0x50: {  	_ =	swait.ge [sflag:s25], $0x2800  }
0x51: {  	[sflag:s25] =	ssyncset.done $0x0  }
0x52: {  	[sflag:s25] =	ssyncadd.s32 $0xFFFFD800  }
0x53: {  	[spmem:s19] =	stream.linear.scatter [tilespmem:s3], [sflag:$0x3], $0x2800, $0x38;
	[tilespmem:$0x1F000] =	vst v63  }
0x54: {  	_ =	swait.ge [sflag:s25], $0x2800  }
0x55: {  	[sflag:s25] =	ssyncset.done $0x0  }
0x56: {  	s5 =	simm.s32 @!p0 $0x0;
	[sflag:s25] =	ssyncadd.s32 $0xFFFFD800  }
0x57: {  	[spmem:s21] =	stream.linear.scatter @!p0 [tilespmem:s5], [sflag:$0x3], $0x2800, $0x38;
	[tilespmem:$0x1F000] =	vst v63  }
0x58: {  	s5 =	simm.s32 @!p0 $0x3  }
0x59: {  	_ =	swait.ge @!p0 [sflag:s5], $0x2800  }
0x5a: {  	[sflag:s5] =	ssyncset.done @!p0 $0x0  }
0x5b: {  	s26 =	simm.s32 $0x0;
	[sflag:s5] =	ssyncadd.s32 @!p0 $0xFFFFD800  }
0x5c: {  	[tilespmem:s26], [sflag:$0x1] =	stream.indirect.gather [hbm4b:s4+s28], $0x80, s24, s28, $0xb8;
	[tilespmem:$0x1F000] =	vst v63  }
0x5d: {  	s6 =	simm.s32 $0x5050  }
0x5e: {  	[tilespmem:s30], [sflag:$0x2] =	stream.indirect.gather [hbm4b:s4+s28], $0x80, s6, s28, $0xb8;
	[tilespmem:$0x1F000] =	vst v63  }
0x5f: {  	[bflag:$0x0] =	sbarrier.arrive $0xFFFF  }
0x60: {  	_ =	swait.ge [sflag:s31], $0x2800  }
0x61: {  	[sflag:s31] =	ssyncset.done $0x0  }
0x62: {  	s26 =	simm.s32 $0x7780;
	[sflag:s31] =	ssyncadd.s32 $0xFFFFD800  }
0x63: {  	[spmem:s2] =	stream.indirect.scatter.add.f32 [tilespmem:s3], [sflag:$0x3], $0x80, s26, s28, $0xb8;
	[tilespmem:$0x1F000] =	vst v63  }
0x64: {  	_ =	swait.ge [sflag:s25], $0x2800  }
0x65: {  	[sflag:s25] =	ssyncset.done $0x0  }
0x66: {  	s6 =	simm.s32 $0x50A0;
	[sflag:s25] =	ssyncadd.s32 $0xFFFFD800  }
0x67: {  	[tilespmem:s3], [sflag:$0x1] =	stream.indirect.gather [hbm4b:s4+s28], $0x80, s6, s28, $0xb8;
	[tilespmem:$0x1F000] =	vst v63  }
0x68: {  	_ =	swait.ge [sflag:s1], $0x2800  }
0x69: {  	[sflag:s1] =	ssyncset.done $0x0  }
0x6a: {  	s26 =	simm.s32 $0x7800;
	[sflag:s1] =	ssyncadd.s32 $0xFFFFD800  }
0x6b: {  	[spmem:s2] =	stream.indirect.scatter.add.f32 [tilespmem:s30], [sflag:$0x3], $0x80, s26, s28, $0xb8;
	[tilespmem:$0x1F000] =	vst v63  }
0x6c: {  	_ =	swait.ge [sflag:s25], $0x2800  }
0x6d: {  	s29 =	simm.s32 $0x400;
	[sflag:s25] =	ssyncset.done $0x0  }
0x6e: {  	s5 =	simm.s32 $0x50F0;
	s26 =	simm.s32 $0x5140;
	[sflag:s25] =	ssyncadd.s32 $0xFFFFD800  }
.LBB2_4:
0x6f: {  	[tilespmem:s30], [sflag:$0x2] =	stream.indirect.gather [hbm4b:s4+s28], $0x80, s5, s28, $0xb8;
	[tilespmem:$0x1F000] =	vst v63  }
0x70: {  	s5 =	smov.u32 s29  }
0x71: {  	p2 =	sne.s32 s29, $0xF000;
	s29 =	sadd.s32 $0x400, s29;
	_ =	swait.ge [sflag:s31], $0x2800  }
0x72: {  	s5 =	sshra.s32 s5, $0x2;
	[sflag:s31] =	ssyncset.done $0x0  }
0x73: {  	s6 =	sadd.s32 $0x7780, s5;
	[sflag:s31] =	ssyncadd.s32 $0xFFFFD800  }
0x74: {  	[spmem:s2] =	stream.indirect.scatter.add.f32 [tilespmem:s3], [sflag:$0x3], $0x80, s6, s28, $0xb8;
	[tilespmem:$0x1F000] =	vst v63  }
0x75: {  	_ =	swait.ge [sflag:s25], $0x2800  }
0x76: {  	[sflag:s25] =	ssyncset.done $0x0  }
0x77: {  	[sflag:s25] =	ssyncadd.s32 $0xFFFFD800  }
0x78: {  	[tilespmem:s3], [sflag:$0x1] =	stream.indirect.gather [hbm4b:s4+s28], $0x80, s26, s28, $0xb8;
	[tilespmem:$0x1F000] =	vst v63  }
0x79: {  	_ =	swait.ge [sflag:s1], $0x2800  }
0x7a: {  	[sflag:s1] =	ssyncset.done $0x0  }
.Ltmp1:
0x7b: {  	s5 =	sadd.s32 $0x7800, s5;
	[sflag:s1] =	ssyncadd.s32 $0xFFFFD800;
	(pc) =	sbr.rel @p2 .LBB2_4-.Ltmp1, $4  }
0x7c: {  	[spmem:s2] =	stream.indirect.scatter.add.f32 [tilespmem:s30], [sflag:$0x3], $0x80, s5, s28, $0xb8;
	[tilespmem:$0x1F000] =	vst v63  }
0x7d: {  	_ =	swait.ge [sflag:s25], $0x2800  }
0x7e: {  	[sflag:s25] =	ssyncset.done $0x0  }
0x7f: {  	s5 =	sadd.s32 $0x50, s26;
	s26 =	sadd.s32 $0xA0, s26;
	[sflag:s25] =	ssyncadd.s32 $0xFFFFD800  }
0x80: {  	[tilespmem:s30], [sflag:$0x2] =	stream.indirect.gather [hbm4b:s4+s28], $0x80, s5, s28, $0xb8;
	[tilespmem:$0x1F000] =	vst v63  }
0x81: {  	_ =	swait.ge [sflag:s31], $0x2800  }
0x82: {  	[sflag:s31] =	ssyncset.done $0x0  }
0x83: {  	s6 =	simm.s32 $0xB480;
	[sflag:s31] =	ssyncadd.s32 $0xFFFFD800  }
0x84: {  	[spmem:s2] =	stream.indirect.scatter.add.f32 [tilespmem:s3], [sflag:$0x3], $0x80, s6, s28, $0xb8;
	[tilespmem:$0x1F000] =	vst v63  }
0x85: {  	_ =	swait.ge [sflag:s25], $0x2800  }
0x86: {  	[sflag:s25] =	ssyncset.done $0x0  }
0x87: {  	[sflag:s25] =	ssyncadd.s32 $0xFFFFD800  }
0x88: {  	[tilespmem:s3], [sflag:$0x1] =	stream.indirect.gather [hbm4b:s4+s28], $0x80, s26, s28, $0xb8;
	[tilespmem:$0x1F000] =	vst v63  }
0x89: {  	_ =	swait.ge [sflag:s1], $0x2800  }
0x8a: {  	[sflag:s1] =	ssyncset.done $0x0  }
0x8b: {  	s26 =	simm.s32 $0xB500;
	[sflag:s1] =	ssyncadd.s32 $0xFFFFD800  }
0x8c: {  	[spmem:s2] =	stream.indirect.scatter.add.f32 [tilespmem:s30], [sflag:$0x3], $0x80, s26, s28, $0xb8;
	[tilespmem:$0x1F000] =	vst v63  }
0x8d: {  	_ =	swait.ge [sflag:s25], $0x2800  }
0x8e: {  	[sflag:s25] =	ssyncset.done $0x0  }
0x8f: {  	[sflag:s25] =	ssyncadd.s32 $0xFFFFD800  }
0x90: {  	_ =	swait.ge [sflag:s31], $0x2800  }
0x91: {  	[sflag:s31] =	ssyncset.done $0x0  }
0x92: {  	s29 =	simm.s32 $0xB580;
	[sflag:s31] =	ssyncadd.s32 $0xFFFFD800  }
0x93: {  	[spmem:s2] =	stream.indirect.scatter.add.f32 [tilespmem:s3], [sflag:$0x3], $0x80, s29, s28, $0xb8;
	[tilespmem:$0x1F000] =	vst v63  }
0x94: {  	_ =	swait.ge [sflag:s25], $0x2800  }
0x95: {  	[sflag:s25] =	ssyncset.done $0x0  }
0x96: {  	[sflag:s25] =	ssyncadd.s32 $0xFFFFD800  }
0x97: {  	[bflag:$0x0] =	sbarrier.arrive $0xFFFF  }
0x98: {  	[tilespmem:s3], [sflag:$0x3] =	stream.linear.gather [spmem:s7], $0x2800, $0x38;
	[tilespmem:$0x1F000] =	vst v63  }
0x99: {  	_ =	swait.ge [sflag:s25], $0x2800  }
0x9a: {  	[sflag:s25] =	ssyncset.done $0x0  }
0x9b: {  	[sflag:s25] =	ssyncadd.s32 $0xFFFFD800  }
0x9c: {  	[hbm4b:s8+s3] =	stream.linear.scatter [tilespmem:s3], [sflag:$0x1], $0x2800, $0x38;
	[tilespmem:$0x1F000] =	vst v63  }
0x9d: {  	_ = 	snop  }
0x9e: {  	[tilespmem:s30], [sflag:$0x3] =	stream.linear.gather [spmem:s9], $0x2800, $0x38;
	[tilespmem:$0x1F000] =	vst v63  }
0x9f: {  	_ =	swait.ge [sflag:s25], $0x2800  }
0xa0: {  	[sflag:s25] =	ssyncset.done $0x0  }
0xa1: {  	[sflag:s25] =	ssyncadd.s32 $0xFFFFD800  }
0xa2: {  	[hbm4b:s10+s3] =	stream.linear.scatter [tilespmem:s30], [sflag:$0x2], $0x2800, $0x38;
	[tilespmem:$0x1F000] =	vst v63  }
0xa3: {  	_ =	swait.ge [sflag:s31], $0x2800  }
0xa4: {  	[sflag:s31] =	ssyncset.done $0x0  }
0xa5: {  	[sflag:s31] =	ssyncadd.s32 $0xFFFFD800  }
0xa6: {  	[tilespmem:s3], [sflag:$0x3] =	stream.linear.gather [spmem:s11], $0x2800, $0x38;
	[tilespmem:$0x1F000] =	vst v63  }
0xa7: {  	_ =	swait.ge [sflag:s25], $0x2800  }
0xa8: {  	[sflag:s25] =	ssyncset.done $0x0  }
0xa9: {  	[sflag:s25] =	ssyncadd.s32 $0xFFFFD800  }
0xaa: {  	[hbm4b:s12+s3] =	stream.linear.scatter [tilespmem:s3], [sflag:$0x1], $0x2800, $0x38;
	[tilespmem:$0x1F000] =	vst v63  }
0xab: {  	_ =	swait.ge [sflag:s1], $0x2800  }
0xac: {  	[sflag:s1] =	ssyncset.done $0x0  }
0xad: {  	[sflag:s1] =	ssyncadd.s32 $0xFFFFD800  }
0xae: {  	[tilespmem:s30], [sflag:$0x3] =	stream.linear.gather [spmem:s13], $0x2800, $0x38;
	[tilespmem:$0x1F000] =	vst v63  }
0xaf: {  	_ =	swait.ge [sflag:s25], $0x2800  }
0xb0: {  	[sflag:s25] =	ssyncset.done $0x0  }
0xb1: {  	[sflag:s25] =	ssyncadd.s32 $0xFFFFD800  }
0xb2: {  	[hbm4b:s14+s3] =	stream.linear.scatter [tilespmem:s30], [sflag:$0x2], $0x2800, $0x38;
	[tilespmem:$0x1F000] =	vst v63  }
0xb3: {  	_ =	swait.ge [sflag:s31], $0x2800  }
0xb4: {  	[sflag:s31] =	ssyncset.done $0x0  }
0xb5: {  	[sflag:s31] =	ssyncadd.s32 $0xFFFFD800  }
0xb6: {  	[tilespmem:s3], [sflag:$0x3] =	stream.linear.gather [spmem:s15], $0x2800, $0x38;
	[tilespmem:$0x1F000] =	vst v63  }
0xb7: {  	_ =	swait.ge [sflag:s25], $0x2800  }
0xb8: {  	[sflag:s25] =	ssyncset.done $0x0  }
0xb9: {  	[sflag:s25] =	ssyncadd.s32 $0xFFFFD800  }
0xba: {  	[hbm4b:s16+s3] =	stream.linear.scatter [tilespmem:s3], [sflag:$0x1], $0x2800, $0x38;
	[tilespmem:$0x1F000] =	vst v63  }
0xbb: {  	_ =	swait.ge [sflag:s1], $0x2800  }
0xbc: {  	[sflag:s1] =	ssyncset.done $0x0  }
0xbd: {  	[sflag:s1] =	ssyncadd.s32 $0xFFFFD800  }
0xbe: {  	[tilespmem:s30], [sflag:$0x3] =	stream.linear.gather [spmem:s17], $0x2800, $0x38;
	[tilespmem:$0x1F000] =	vst v63  }
0xbf: {  	_ =	swait.ge [sflag:s25], $0x2800  }
0xc0: {  	[sflag:s25] =	ssyncset.done $0x0  }
0xc1: {  	[sflag:s25] =	ssyncadd.s32 $0xFFFFD800  }
0xc2: {  	[hbm4b:s18+s3] =	stream.linear.scatter [tilespmem:s30], [sflag:$0x2], $0x2800, $0x38;
	[tilespmem:$0x1F000] =	vst v63  }
0xc3: {  	_ =	swait.ge [sflag:s31], $0x2800  }
0xc4: {  	[sflag:s31] =	ssyncset.done $0x0  }
0xc5: {  	[sflag:s31] =	ssyncadd.s32 $0xFFFFD800  }
0xc6: {  	[tilespmem:s3], [sflag:$0x3] =	stream.linear.gather [spmem:s19], $0x2800, $0x38;
	[tilespmem:$0x1F000] =	vst v63  }
0xc7: {  	_ =	swait.ge [sflag:s25], $0x2800  }
0xc8: {  	[sflag:s25] =	ssyncset.done $0x0  }
0xc9: {  	s5 =	simm.s32 @!p1 $0x2;
	[sflag:s25] =	ssyncadd.s32 $0xFFFFD800  }
0xca: {  	[hbm4b:s20+s3] =	stream.linear.scatter [tilespmem:s3], [sflag:$0x1], $0x2800, $0x38;
	[tilespmem:$0x1F000] =	vst v63  }
0xcb: {  	_ =	swait.ge @!p1 [sflag:s5], $0x2800  }
0xcc: {  	[sflag:s5] =	ssyncset.done @!p1 $0x0  }
0xcd: {  	s6 =	simm.s32 @!p1 $0x2800;
	s26 =	simm.s32 @!p1 $0x3;
	[sflag:s5] =	ssyncadd.s32 @!p1 $0xFFFFD800  }
0xce: {  	[tilespmem:s6], [sflag:$0x3] =	stream.linear.gather @!p1 [spmem:s21], $0x2800, $0x38;
	[tilespmem:$0x1F000] =	vst v63  }
0xcf: {  	_ =	swait.ge @!p1 [sflag:s26], $0x2800  }
0xd0: {  	[sflag:s26] =	ssyncset.done @!p1 $0x0  }
0xd1: {  	[sflag:s26] =	ssyncadd.s32 @!p1 $0xFFFFD800;
	s26 =	simm.s32 @!p1 $0x0  }
0xd2: {  	[hbm4b:s22+s26] =	stream.linear.scatter @!p1 [tilespmem:s6], [sflag:$0x2], $0x2800, $0x38;
	[tilespmem:$0x1F000] =	vst v63  }
0xd3: {  	s0 =	sadd.s32 $0x1, s0;
	s6 =	simm.s32 @!p1 $0x1  }
0xd4: {  	p2 =	sne.s32 s0, s23;
	_ =	swait.ge @!p1 [sflag:s6], $0x2800  }
.Ltmp2:
0xd5: {  	[sflag:s6] =	ssyncset.done @!p1 $0x0;
	(pc) =	sbr.rel @p2 .LBB2_1-.Ltmp2, $4  }
0xd6: {  	s5 =	simm.s32 @p1 $0x1;
	[sflag:s6] =	ssyncadd.s32 @!p1 $0xFFFFD800  }
0xd7: {  	_ =	swait.ge [sflag:s5], $0x2800  }
0xd8: {  	[sflag:s5] =	ssyncset.done $0x0  }
0xd9: {  	[sflag:s5] =	ssyncadd.s32 $0xFFFFD800  }
0xda: {  	_ =	sfence.sel $0x180000  }
0xdb: {  	[bflag:$0x0] =	sbarrier.arrive $0xFFFF  }
0xdc: {  	_ =	strace $0x9000004A  }
0xdd: {  	s0 =	stileid.u32;
	[bflag:$0x2] =	sbarrier.arrive $0xFFFF  }
0xde: {  	p0 =	sne.s32 s0, $0x0;
	s0 =	rddreg [dreg:$0x2]  }
0xdf: {  	s0 =	sadd.s32 @!p0 $0x100000, s0  }
0xe0: {  	[sflag:s0] =	ssyncadd.tile.s32 @!p0 $0x1;
	_ =	shalt  }
.Lfunc_end2:
_tile_overlayer_lowered:
.L_overlay_start_2:
0xe1: {  	(tag) =	ssettag $0x2  }
0xe2: {  	s0 =	rddreg [dreg:$0x0];
	s2 =	stileid.u32  }
0xe3: {  	s1 =	rddreg [dreg:$0x1];
	p0 =	sne.s32 s2, $0x0  }
0xe4: {  	s3 =	rddreg [dreg:$0x2];
	[bflag:$0x3] =	sbarrier.arrive $0xFFFF;
	s2 =	simm.s32 @!p0 $0x1C03  }
0xe5: {  	[timem:s3], [sflag:s2] =	dma.local @!p0 [hbm:s0], s1  }
0xe6: {  	s0 =	simm.s32 @!p0 $0x3  }
0xe7: {  	_ =	swait.ge @!p0 [sflag:s0], s1  }
0xe8: {  	s1 =	ssub.s32 @!p0 $0x0, s1;
	[sflag:s0] =	ssyncset.done @!p0 $0x0  }
0xe9: {  	[sflag:s0] =	ssyncadd.s32 @!p0 s1  }
0xea: {  	[bflag:$0x3] =	sbarrier.arrive $0xFFFF  }
0xeb: {  	_ =	shalt  }

</sc_bundles>
